<compile_context>
chip_gen: v7x
topology: tpu7x:2x2x1
jax: 0.10.2.dev20260603
libtpu: 0.0.44.dev20260713+nightly
codegen_flags: <defaults>
</compile_context>

<pallas_src>
import jax
import jax.numpy as jnp
from jax import lax
from jax.experimental import pallas as pl
from jax.experimental.pallas import tpu as pltpu
from jax.experimental.pallas import tpu_sc as plsc

N = 10000
NP = 10240
E = 320000
D = 128
NC, NS = 2, 16
NW = NC * NS
CH = 128
EPW = 10240
NCHUNK = EPW // CH
EP = EPW * NW
BS = 2048

_SC_PARAMS = None


def _mesh():
    return plsc.VectorSubcoreMesh(
        core_axis_name="c", subcore_axis_name="s", num_cores=NC, num_subcores=NS
    )



def _sc_degree_body(col_hbm, zc_hbm, out_hbm, colv, cnt):
    c = lax.axis_index("c")
    s = lax.axis_index("s")
    wid = c * NS + s
    pltpu.sync_copy(col_hbm.at[wid], colv)
    pltpu.sync_copy(zc_hbm, cnt)
    ones = jnp.full((16,), 1.0, jnp.float32)

    def chunk(j, carry):
        idx = colv[pl.ds(j * 16, 16)]
        hi = lax.shift_right_logical(idx, 7)
        lo = lax.bitwise_and(idx, 127)
        plsc.addupdate_scatter(cnt, [hi, lo], ones)
        return carry

    lax.fori_loop(0, E // NW // 16, chunk, 0)
    pltpu.sync_copy(cnt, out_hbm.at[wid])


def _sc_degree(col2, zc):
    return pl.kernel(
        _sc_degree_body,
        out_type=jax.ShapeDtypeStruct((NW, NP // 128, 128), jnp.float32),
        mesh=_mesh(),
        scratch_types=[
            pltpu.VMEM((E // NW,), jnp.int32),
            pltpu.VMEM((NP // 128, 128), jnp.float32),
        ],
        compiler_params=pltpu.CompilerParams(needs_layout_passes=False),
    )(col2, zc)



def _sc_edge_body(y_hbm, eip_hbm, z_hbm, out_hbm,
                  idxb, rbuf0, rbuf1, agg, semg0, semg1, sems0, sems1, semi):
    c = lax.axis_index("c")
    s = lax.axis_index("s")
    wid = c * NS + s
    stripe = NP // NS

    pltpu.sync_copy(eip_hbm.at[wid, 0], idxb.at[0])
    pltpu.async_copy(y_hbm.at[idxb.at[0, 0]], rbuf0, semg0)
    pltpu.async_copy(eip_hbm.at[wid, 1], idxb.at[1], semi)

    @pl.when(c == 0)
    def _():
        pltpu.sync_copy(y_hbm.at[pl.ds(s * stripe, stripe)],
                        agg.at[pl.ds(s * stripe, stripe)])

    @pl.when(c == 1)
    def _():
        pltpu.sync_copy(z_hbm.at[pl.ds(s * stripe, stripe)],
                        agg.at[pl.ds(s * stripe, stripe)])

    plsc.subcore_barrier()

    def step(i, carry):
        j = 4 * i

        pltpu.make_async_copy(y_hbm.at[idxb.at[0, 0]], rbuf0, semg0).wait()
        pltpu.async_copy(rbuf0, agg.at[idxb.at[0, 1]], sems0, add=True)

        @pl.when(j + 2 < NCHUNK)
        def _():
            pltpu.async_copy(eip_hbm.at[wid, j + 2], idxb.at[2], semi)

        @pl.when(i > 0)
        def _():
            pltpu.make_async_copy(rbuf1, agg.at[idxb.at[3, 1]], sems1).wait()
        pltpu.make_async_copy(eip_hbm.at[wid, j + 1], idxb.at[1], semi).wait()
        pltpu.async_copy(y_hbm.at[idxb.at[1, 0]], rbuf1, semg1)

        pltpu.make_async_copy(y_hbm.at[idxb.at[1, 0]], rbuf1, semg1).wait()
        pltpu.async_copy(rbuf1, agg.at[idxb.at[1, 1]], sems1, add=True)

        @pl.when(j + 3 < NCHUNK)
        def _():
            pltpu.async_copy(eip_hbm.at[wid, j + 3], idxb.at[3], semi)
        pltpu.make_async_copy(rbuf0, agg.at[idxb.at[0, 1]], sems0).wait()

        @pl.when(j + 2 < NCHUNK)
        def _():
            pltpu.make_async_copy(eip_hbm.at[wid, j + 2], idxb.at[2], semi).wait()
            pltpu.async_copy(y_hbm.at[idxb.at[2, 0]], rbuf0, semg0)

            pltpu.make_async_copy(y_hbm.at[idxb.at[2, 0]], rbuf0, semg0).wait()
            pltpu.async_copy(rbuf0, agg.at[idxb.at[2, 1]], sems0, add=True)

            @pl.when(j + 4 < NCHUNK)
            def _():
                pltpu.async_copy(eip_hbm.at[wid, j + 4], idxb.at[0], semi)
            pltpu.make_async_copy(rbuf1, agg.at[idxb.at[1, 1]], sems1).wait()
            pltpu.make_async_copy(eip_hbm.at[wid, j + 3], idxb.at[3], semi).wait()
            pltpu.async_copy(y_hbm.at[idxb.at[3, 0]], rbuf1, semg1)

            pltpu.make_async_copy(y_hbm.at[idxb.at[3, 0]], rbuf1, semg1).wait()
            pltpu.async_copy(rbuf1, agg.at[idxb.at[3, 1]], sems1, add=True)

            @pl.when(j + 5 < NCHUNK)
            def _():
                pltpu.async_copy(eip_hbm.at[wid, j + 5], idxb.at[1], semi)
            pltpu.make_async_copy(rbuf0, agg.at[idxb.at[2, 1]], sems0).wait()

            @pl.when(j + 4 < NCHUNK)
            def _():
                pltpu.make_async_copy(eip_hbm.at[wid, j + 4], idxb.at[0], semi).wait()
                pltpu.async_copy(y_hbm.at[idxb.at[0, 0]], rbuf0, semg0)

        return carry

    lax.fori_loop(0, NCHUNK // 4, step, 0)
    pltpu.make_async_copy(rbuf1, agg.at[idxb.at[3, 1]], sems1).wait()
    plsc.subcore_barrier()
    pltpu.sync_copy(agg.at[pl.ds(s * stripe, stripe)],
                    out_hbm.at[c, pl.ds(s * stripe, stripe)])


def _sc_edge(y, eip, zbig):
    return pl.kernel(
        _sc_edge_body,
        out_type=jax.ShapeDtypeStruct((NC, NP, D), jnp.float32),
        mesh=_mesh(),
        scratch_types=[
            pltpu.VMEM((4, 2, CH), jnp.int32),
            pltpu.VMEM((CH, D), jnp.float32),
            pltpu.VMEM((CH, D), jnp.float32),
            pltpu.VMEM_SHARED((NP, D), jnp.float32),
            pltpu.SemaphoreType.DMA,
            pltpu.SemaphoreType.DMA,
            pltpu.SemaphoreType.DMA,
            pltpu.SemaphoreType.DMA,
            pltpu.SemaphoreType.DMA,
        ],
        compiler_params=pltpu.CompilerParams(needs_layout_passes=False),
    )(y, eip, zbig)



def _t0_body(cnt_ref, s_ref):
    deg = jnp.sum(cnt_ref[...], axis=0) + 1.0
    s_ref[...] = lax.rsqrt(deg)


def _t0(cnt):
    return pl.pallas_call(
        _t0_body,
        out_shape=jax.ShapeDtypeStruct((NP // 128, 128), jnp.float32),
    )(cnt)


def _t1_body(x_ref, w_ref, s_ref, y_ref):
    xw = jnp.dot(x_ref[...], w_ref[...], preferred_element_type=jnp.float32)
    y_ref[...] = xw * s_ref[...]


def _t1(x, w, s_col):
    grid = (NP // BS,)
    return pl.pallas_call(
        _t1_body,
        grid=grid,
        in_specs=[
            pl.BlockSpec((BS, D), lambda i: (i, 0)),
            pl.BlockSpec((D, D), lambda i: (0, 0)),
            pl.BlockSpec((BS, 1), lambda i: (i, 0)),
        ],
        out_specs=pl.BlockSpec((BS, D), lambda i: (i, 0)),
        out_shape=jax.ShapeDtypeStruct((NP, D), jnp.float32),
    )(x, w, s_col)


def _t2_body(a0_ref, a1_ref, s_ref, b_ref, w_ref, y_ref):
    h = (a0_ref[0] + a1_ref[0]) * s_ref[...] + b_ref[...]
    h = jnp.maximum(h, 0.0)
    hw = jnp.dot(h, w_ref[...], preferred_element_type=jnp.float32)
    y_ref[...] = hw * s_ref[...]


def _t2(agg, s_col, b, w):
    grid = (NP // BS,)
    return pl.pallas_call(
        _t2_body,
        grid=grid,
        in_specs=[
            pl.BlockSpec((1, BS, D), lambda i: (0, i, 0)),
            pl.BlockSpec((1, BS, D), lambda i: (1, i, 0)),
            pl.BlockSpec((BS, 1), lambda i: (i, 0)),
            pl.BlockSpec((1, D), lambda i: (0, 0)),
            pl.BlockSpec((D, D), lambda i: (0, 0)),
        ],
        out_specs=pl.BlockSpec((BS, D), lambda i: (i, 0)),
        out_shape=jax.ShapeDtypeStruct((NP, D), jnp.float32),
    )(agg, agg, s_col, b, w)


def _t3_body(a0_ref, a1_ref, s_ref, b_ref, z_ref):
    z_ref[...] = (a0_ref[0] + a1_ref[0]) * s_ref[...] + b_ref[...]


def _t3(agg, s_col, b):
    grid = (NP // BS,)
    return pl.pallas_call(
        _t3_body,
        grid=grid,
        in_specs=[
            pl.BlockSpec((1, BS, D), lambda i: (0, i, 0)),
            pl.BlockSpec((1, BS, D), lambda i: (1, i, 0)),
            pl.BlockSpec((BS, 1), lambda i: (i, 0)),
            pl.BlockSpec((1, D), lambda i: (0, 0)),
        ],
        out_specs=pl.BlockSpec((BS, D), lambda i: (i, 0)),
        out_shape=jax.ShapeDtypeStruct((N, D), jnp.float32),
    )(agg, agg, s_col, b)


def kernel(x, edge_index, W1, b1, W2, b2, W3, b3):
    row = edge_index[0]
    col = edge_index[1]
    ppw = (EP - E) // NW
    rpw = E // NW
    zc = jnp.zeros((NP // 128, 128), jnp.float32)
    zbig = jnp.zeros((NP, D), jnp.float32)

    cnt = _sc_degree(col.reshape(NW, rpw), zc)

    padv = jnp.broadcast_to(jnp.arange(ppw, dtype=jnp.int32)[None], (NW, ppw))
    rowp = jnp.concatenate([row.reshape(NW, rpw), padv], axis=1).reshape(
        NW, NCHUNK, CH)
    colp = jnp.concatenate([col.reshape(NW, rpw), N + padv], axis=1).reshape(
        NW, NCHUNK, CH)
    eip = jnp.stack([rowp, colp], axis=2)
    b1r = b1.reshape(1, D)
    b2r = b2.reshape(1, D)
    b3r = b3.reshape(1, D)

    s_col = _t0(cnt).reshape(NP, 1)

    y = _t1(x, W1, s_col)
    agg = _sc_edge(y, eip, zbig)
    y = _t2(agg, s_col, b1r, W2)
    agg = _sc_edge(y, eip, zbig)
    y = _t2(agg, s_col, b2r, W3)
    agg = _sc_edge(y, eip, zbig)
    return _t3(agg, s_col, b3r)

# --- scband reference (transcript-rebuilt; emitter-appended) ---
"""Pipeline reference for scband-net-12833362280838 (READ-ONLY COPY).

The authoritative reference and input builder live on the scoring server;
editing this copy changes nothing except your own understanding.
"""

import jax, jax.numpy as jnp
import numpy as np

N = 10000
E = 320000
D_IN = 128
D_H = 128
D_OUT = 128


def setup_inputs(seed: int = 0) -> dict:
    key = jax.random.key(seed)
    ks = jax.random.split(key, 9)
    x = jax.random.normal(ks[0], (N, D_IN), dtype=jnp.float32)
    edge_index = jax.random.randint(ks[1], (2, E), 0, N, dtype=jnp.int32)
    W1 = jax.random.normal(ks[2], (D_IN, D_H), dtype=jnp.float32) * (1.0 / np.sqrt(D_IN))
    b1 = jnp.zeros((D_H,), dtype=jnp.float32)
    W2 = jax.random.normal(ks[3], (D_H, D_H), dtype=jnp.float32) * (1.0 / np.sqrt(D_H))
    b2 = jnp.zeros((D_H,), dtype=jnp.float32)
    W3 = jax.random.normal(ks[4], (D_H, D_OUT), dtype=jnp.float32) * (1.0 / np.sqrt(D_H))
    b3 = jnp.zeros((D_OUT,), dtype=jnp.float32)
    return {"x": x, "edge_index": edge_index, "W1": W1, "b1": b1, "W2": W2, "b2": b2, "W3": W3, "b3": b3}


def _gcn_conv(x, edge_index, W, b):
    # PyG GCNConv with add_self_loops=True and symmetric normalization.
    n = x.shape[0]
    loop = jnp.arange(n, dtype=edge_index.dtype)
    row = jnp.concatenate([edge_index[0], loop])  # src
    col = jnp.concatenate([edge_index[1], loop])  # dst
    deg = jnp.zeros((n,), dtype=x.dtype).at[col].add(1.0)
    deg_inv_sqrt = jnp.where(deg > 0, deg ** -0.5, 0.0)
    norm = deg_inv_sqrt[row] * deg_inv_sqrt[col]
    xw = x @ W
    msg = xw[row] * norm[:, None]
    out = jnp.zeros((n, W.shape[1]), dtype=x.dtype).at[col].add(msg)
    return out + b


def reference(x, edge_index, W1, b1, W2, b2, W3, b3):
    # Net.encode: conv1 -> dropout(identity, eval) -> relu -> conv2 -> dropout -> relu -> conv3
    h = _gcn_conv(x, edge_index, W1, b1)
    h = jax.nn.relu(h)
    h = _gcn_conv(h, edge_index, W2, b2)
    h = jax.nn.relu(h)
    z = _gcn_conv(h, edge_index, W3, b3)
    return z

if __name__ == "__main__":
    import jax
    _d = setup_inputs()
    print(jax.jit(kernel)(*tuple(_d.values())))

</pallas_src>

<mosaic_0001>
#map = affine_map<(d0, d1) -> (0, 0)>
#map1 = affine_map<(d0, d1) -> (0, 0, 0, 0)>
#map2 = affine_map<(d0, d1) -> (0, 0, 0)>
module attributes {stable_mosaic.version = 14 : i64} {
  func.func @_sc_edge_body(%arg0: i32, %arg1: i32, %arg2: memref<10240x128xf32, #tpu.memory_space<hbm>>, %arg3: memref<32x80x2x128xi32, #tpu.memory_space<hbm>>, %arg4: memref<10240x128xf32, #tpu.memory_space<hbm>>, %arg5: memref<2x10240x128xf32, #tpu.memory_space<hbm>>, %arg6: memref<4x2x128xi32, #tpu.memory_space<vmem>>, %arg7: memref<128x128xf32, #tpu.memory_space<vmem>>, %arg8: memref<128x128xf32, #tpu.memory_space<vmem>>, %arg9: memref<10240x128xf32, #tpu.memory_space<vmem_shared>>, %arg10: memref<!tpu.dma_semaphore, #tpu.memory_space<semaphore_mem>>, %arg11: memref<!tpu.dma_semaphore, #tpu.memory_space<semaphore_mem>>, %arg12: memref<!tpu.dma_semaphore, #tpu.memory_space<semaphore_mem>>, %arg13: memref<!tpu.dma_semaphore, #tpu.memory_space<semaphore_mem>>, %arg14: memref<!tpu.dma_semaphore, #tpu.memory_space<semaphore_mem>>) attributes {dimension_semantics = [#tpu.dimension_semantics<core_parallel>, #tpu.dimension_semantics<subcore_parallel>], iteration_bounds = array<i64: 2, 16>, scalar_prefetch = 0 : i64, scratch_operands = 9 : i64, tpu.core_type = #tpu.core_type<sc_vector_subcore>, window_params = [{transform_indices = #map}, {transform_indices = #map1}, {transform_indices = #map}, {transform_indices = #map2}]} {
    %mul3A = arith.constant 16 : i32
    %mul3A_0 = arith.muli %arg0, %mul3A : i32
    %add3A = arith.addi %mul3A_0, %arg1 : i32
    %run_scoped3A = arith.constant 0 : i32
    %run_scoped3A_1 = arith.constant 0 : i32
    "tpu.region"() ({
      %run_scoped3A_51 = tpu.sem_alloc : memref<!tpu.dma_semaphore, #tpu.memory_space<semaphore_mem>>
      %dma_start3A_52 = arith.constant 0 : i32
      %dma_start3A_53 = arith.constant 0 : i32
      %dma_start3A_54 = tpu.memref_slice %arg6[%run_scoped3A_1, %dma_start3A_52, %dma_start3A_53] : memref<4x2x128xi32, #tpu.memory_space<vmem>> -> memref<1x2x128xi32, #tpu.memory_space<vmem>>
      %dma_start3A_55 = tpu.memref_squeeze %dma_start3A_54 : memref<1x2x128xi32, #tpu.memory_space<vmem>> -> memref<2x128xi32, #tpu.memory_space<vmem>>
      %dma_start3A_56 = arith.constant 0 : i32
      %dma_start3A_57 = arith.constant 0 : i32
      %dma_start3A_58 = tpu.memref_slice %arg3[%add3A, %run_scoped3A, %dma_start3A_56, %dma_start3A_57] : memref<32x80x2x128xi32, #tpu.memory_space<hbm>> -> memref<1x1x2x128xi32, #tpu.memory_space<hbm>>
      %dma_start3A_59 = tpu.memref_squeeze %dma_start3A_58 : memref<1x1x2x128xi32, #tpu.memory_space<hbm>> -> memref<2x128xi32, #tpu.memory_space<hbm>>
      %dma_start3A_60 = arith.constant 0 : i32
      %dma_start3A_61 = arith.constant 0 : i32
      %dma_start3A_62 = tpu.memref_slice %arg6[%run_scoped3A_1, %dma_start3A_60, %dma_start3A_61] : memref<4x2x128xi32, #tpu.memory_space<vmem>> -> memref<1x2x128xi32, #tpu.memory_space<vmem>>
      %dma_start3A_63 = tpu.memref_squeeze %dma_start3A_62 : memref<1x2x128xi32, #tpu.memory_space<vmem>> -> memref<2x128xi32, #tpu.memory_space<vmem>>
      %dma_start3A_64 = arith.constant 0 : i32
      %dma_start3A_65 = arith.constant 0 : i32
      %dma_start3A_66 = tpu.memref_slice %arg3[%add3A, %run_scoped3A, %dma_start3A_64, %dma_start3A_65] : memref<32x80x2x128xi32, #tpu.memory_space<hbm>> -> memref<1x1x2x128xi32, #tpu.memory_space<hbm>>
      %dma_start3A_67 = tpu.memref_squeeze %dma_start3A_66 : memref<1x1x2x128xi32, #tpu.memory_space<hbm>> -> memref<2x128xi32, #tpu.memory_space<hbm>>
      tpu.enqueue_dma source(%dma_start3A_67 : memref<2x128xi32, #tpu.memory_space<hbm>>) target(%dma_start3A_63 : memref<2x128xi32, #tpu.memory_space<vmem>>) target_semaphore(%run_scoped3A_51 : memref<!tpu.dma_semaphore, #tpu.memory_space<semaphore_mem>>)
      %dma_wait3A_68 = arith.constant 0 : i32
      %dma_wait3A_69 = arith.constant 0 : i32
      %dma_wait3A_70 = tpu.memref_slice %arg6[%run_scoped3A_1, %dma_wait3A_68, %dma_wait3A_69] : memref<4x2x128xi32, #tpu.memory_space<vmem>> -> memref<1x2x128xi32, #tpu.memory_space<vmem>>
      %dma_wait3A_71 = tpu.memref_squeeze %dma_wait3A_70 : memref<1x2x128xi32, #tpu.memory_space<vmem>> -> memref<2x128xi32, #tpu.memory_space<vmem>>
      %dma_wait3A_72 = arith.constant 0 : i32
      %dma_wait3A_73 = arith.constant 0 : i32
      %dma_wait3A_74 = tpu.memref_slice %arg3[%add3A, %run_scoped3A, %dma_wait3A_72, %dma_wait3A_73] : memref<32x80x2x128xi32, #tpu.memory_space<hbm>> -> memref<1x1x2x128xi32, #tpu.memory_space<hbm>>
      %dma_wait3A_75 = tpu.memref_squeeze %dma_wait3A_74 : memref<1x1x2x128xi32, #tpu.memory_space<hbm>> -> memref<2x128xi32, #tpu.memory_space<hbm>>
      %dma_wait3A_76 = arith.constant 0 : i32
      %dma_wait3A_77 = arith.constant 0 : i32
      %dma_wait3A_78 = tpu.memref_slice %arg6[%run_scoped3A_1, %dma_wait3A_76, %dma_wait3A_77] : memref<4x2x128xi32, #tpu.memory_space<vmem>> -> memref<1x2x128xi32, #tpu.memory_space<vmem>>
      %dma_wait3A_79 = tpu.memref_squeeze %dma_wait3A_78 : memref<1x2x128xi32, #tpu.memory_space<vmem>> -> memref<2x128xi32, #tpu.memory_space<vmem>>
      %dma_wait3A_80 = arith.constant 0 : i32
      %dma_wait3A_81 = arith.constant 0 : i32
      %dma_wait3A_82 = tpu.memref_slice %arg3[%add3A, %run_scoped3A, %dma_wait3A_80, %dma_wait3A_81] : memref<32x80x2x128xi32, #tpu.memory_space<hbm>> -> memref<1x1x2x128xi32, #tpu.memory_space<hbm>>
      %dma_wait3A_83 = tpu.memref_squeeze %dma_wait3A_82 : memref<1x1x2x128xi32, #tpu.memory_space<hbm>> -> memref<2x128xi32, #tpu.memory_space<hbm>>
      tpu.wait_dma2 semaphore(%run_scoped3A_51 : memref<!tpu.dma_semaphore, #tpu.memory_space<semaphore_mem>>) src(%dma_wait3A_83 : memref<2x128xi32, #tpu.memory_space<hbm>>) dst(%dma_wait3A_79 : memref<2x128xi32, #tpu.memory_space<vmem>>)
      tpu.yield
    }) : () -> ()
    %dma_start3A = arith.constant 0 : i32
    %dma_start3A_2 = arith.constant 0 : i32
    %dma_start3A_3 = arith.constant 0 : i32
    %dma_start3A_4 = tpu.memref_slice %arg6[%dma_start3A, %dma_start3A_2, %dma_start3A_3] : memref<4x2x128xi32, #tpu.memory_space<vmem>> -> memref<1x1x128xi32, #tpu.memory_space<vmem>>
    %dma_start3A_5 = tpu.memref_squeeze %dma_start3A_4 : memref<1x1x128xi32, #tpu.memory_space<vmem>> -> memref<128xi32, #tpu.memory_space<vmem>>
    %dma_start3A_6 = arith.constant 0 : i32
    %dma_start3A_7 = arith.constant 0 : i32
    %dma_start3A_8 = tpu.memref_slice %arg2[%dma_start3A_6, %dma_start3A_7] : memref<10240x128xf32, #tpu.memory_space<hbm>> -> memref<10240x128xf32, #tpu.memory_space<hbm>>
    tpu.enqueue_indirect_dma source(%dma_start3A_8 : memref<10240x128xf32, #tpu.memory_space<hbm>>) target(%arg7 : memref<128x128xf32, #tpu.memory_space<vmem>>) offsets(%dma_start3A_5 : memref<128xi32, #tpu.memory_space<vmem>>) semaphore(%arg10 : memref<!tpu.dma_semaphore, #tpu.memory_space<semaphore_mem>>)
    %dma_start3A_9 = arith.constant 1 : i32
    %dma_start3A_10 = arith.constant 1 : i32
    %dma_start3A_11 = arith.constant 0 : i32
    %dma_start3A_12 = arith.constant 0 : i32
    %dma_start3A_13 = tpu.memref_slice %arg6[%dma_start3A_10, %dma_start3A_11, %dma_start3A_12] : memref<4x2x128xi32, #tpu.memory_space<vmem>> -> memref<1x2x128xi32, #tpu.memory_space<vmem>>
    %dma_start3A_14 = tpu.memref_squeeze %dma_start3A_13 : memref<1x2x128xi32, #tpu.memory_space<vmem>> -> memref<2x128xi32, #tpu.memory_space<vmem>>
    %dma_start3A_15 = arith.constant 0 : i32
    %dma_start3A_16 = arith.constant 0 : i32
    %dma_start3A_17 = tpu.memref_slice %arg3[%add3A, %dma_start3A_9, %dma_start3A_15, %dma_start3A_16] : memref<32x80x2x128xi32, #tpu.memory_space<hbm>> -> memref<1x1x2x128xi32, #tpu.memory_space<hbm>>
    %dma_start3A_18 = tpu.memref_squeeze %dma_start3A_17 : memref<1x1x2x128xi32, #tpu.memory_space<hbm>> -> memref<2x128xi32, #tpu.memory_space<hbm>>
    %dma_start3A_19 = arith.constant 0 : i32
    %dma_start3A_20 = arith.constant 0 : i32
    %dma_start3A_21 = tpu.memref_slice %arg6[%dma_start3A_10, %dma_start3A_19, %dma_start3A_20] : memref<4x2x128xi32, #tpu.memory_space<vmem>> -> memref<1x2x128xi32, #tpu.memory_space<vmem>>
    %dma_start3A_22 = tpu.memref_squeeze %dma_start3A_21 : memref<1x2x128xi32, #tpu.memory_space<vmem>> -> memref<2x128xi32, #tpu.memory_space<vmem>>
    %dma_start3A_23 = arith.constant 0 : i32
    %dma_start3A_24 = arith.constant 0 : i32
    %dma_start3A_25 = tpu.memref_slice %arg3[%add3A, %dma_start3A_9, %dma_start3A_23, %dma_start3A_24] : memref<32x80x2x128xi32, #tpu.memory_space<hbm>> -> memref<1x1x2x128xi32, #tpu.memory_space<hbm>>
    %dma_start3A_26 = tpu.memref_squeeze %dma_start3A_25 : memref<1x1x2x128xi32, #tpu.memory_space<hbm>> -> memref<2x128xi32, #tpu.memory_space<hbm>>
    tpu.enqueue_dma source(%dma_start3A_26 : memref<2x128xi32, #tpu.memory_space<hbm>>) target(%dma_start3A_22 : memref<2x128xi32, #tpu.memory_space<vmem>>) target_semaphore(%arg14 : memref<!tpu.dma_semaphore, #tpu.memory_space<semaphore_mem>>)
    %eq3A = arith.constant 0 : i32
    %eq3A_27 = arith.cmpi eq, %arg0, %eq3A : i32
    %convert_element_type3A = arith.extui %eq3A_27 : i1 to i32
    %cond3A = arith.constant 0 : i32
    %cond3A_28 = arith.cmpi ne, %convert_element_type3A, %cond3A : i32
    scf.if %cond3A_28 {
      %mul3A_51 = arith.constant 640 : i32
      %mul3A_52 = arith.muli %arg1, %mul3A_51 : i32
      %mul3A_53 = arith.constant 640 : i32
      %mul3A_54 = arith.muli %arg1, %mul3A_53 : i32
      "tpu.region"() ({
        %run_scoped3A_55 = tpu.sem_alloc : memref<!tpu.dma_semaphore, #tpu.memory_space<semaphore_mem>>
        %dma_start3A_56 = arith.constant 0 : i32
        %dma_start3A_57 = tpu.memref_slice %arg9[%mul3A_54, %dma_start3A_56] : memref<10240x128xf32, #tpu.memory_space<vmem_shared>> -> memref<640x128xf32, #tpu.memory_space<vmem_shared>>
        %dma_start3A_58 = arith.constant 0 : i32
        %dma_start3A_59 = tpu.memref_slice %arg2[%mul3A_52, %dma_start3A_58] : memref<10240x128xf32, #tpu.memory_space<hbm>> -> memref<640x128xf32, #tpu.memory_space<hbm>>
        tpu.enqueue_dma source(%dma_start3A_59 : memref<640x128xf32, #tpu.memory_space<hbm>>) target(%dma_start3A_57 : memref<640x128xf32, #tpu.memory_space<vmem_shared>>) target_semaphore(%run_scoped3A_55 : memref<!tpu.dma_semaphore, #tpu.memory_space<semaphore_mem>>)
        %dma_wait3A_60 = arith.constant 0 : i32
        %dma_wait3A_61 = tpu.memref_slice %arg9[%mul3A_54, %dma_wait3A_60] : memref<10240x128xf32, #tpu.memory_space<vmem_shared>> -> memref<640x128xf32, #tpu.memory_space<vmem_shared>>
        %dma_wait3A_62 = arith.constant 0 : i32
        %dma_wait3A_63 = tpu.memref_slice %arg2[%mul3A_52, %dma_wait3A_62] : memref<10240x128xf32, #tpu.memory_space<hbm>> -> memref<640x128xf32, #tpu.memory_space<hbm>>
        tpu.wait_dma2 semaphore(%run_scoped3A_55 : memref<!tpu.dma_semaphore, #tpu.memory_space<semaphore_mem>>) src(%dma_wait3A_63 : memref<640x128xf32, #tpu.memory_space<hbm>>) dst(%dma_wait3A_61 : memref<640x128xf32, #tpu.memory_space<vmem_shared>>)
        tpu.yield
      }) : () -> ()
    } else {
    }
    %eq3A_29 = arith.constant 1 : i32
    %eq3A_30 = arith.cmpi eq, %arg0, %eq3A_29 : i32
    %convert_element_type3A_31 = arith.extui %eq3A_30 : i1 to i32
    %cond3A_32 = arith.constant 0 : i32
    %cond3A_33 = arith.cmpi ne, %convert_element_type3A_31, %cond3A_32 : i32
    scf.if %cond3A_33 {
      %mul3A_51 = arith.constant 640 : i32
      %mul3A_52 = arith.muli %arg1, %mul3A_51 : i32
      %mul3A_53 = arith.constant 640 : i32
      %mul3A_54 = arith.muli %arg1, %mul3A_53 : i32
      "tpu.region"() ({
        %run_scoped3A_55 = tpu.sem_alloc : memref<!tpu.dma_semaphore, #tpu.memory_space<semaphore_mem>>
        %dma_start3A_56 = arith.constant 0 : i32
        %dma_start3A_57 = tpu.memref_slice %arg9[%mul3A_54, %dma_start3A_56] : memref<10240x128xf32, #tpu.memory_space<vmem_shared>> -> memref<640x128xf32, #tpu.memory_space<vmem_shared>>
        %dma_start3A_58 = arith.constant 0 : i32
        %dma_start3A_59 = tpu.memref_slice %arg4[%mul3A_52, %dma_start3A_58] : memref<10240x128xf32, #tpu.memory_space<hbm>> -> memref<640x128xf32, #tpu.memory_space<hbm>>
        tpu.enqueue_dma source(%dma_start3A_59 : memref<640x128xf32, #tpu.memory_space<hbm>>) target(%dma_start3A_57 : memref<640x128xf32, #tpu.memory_space<vmem_shared>>) target_semaphore(%run_scoped3A_55 : memref<!tpu.dma_semaphore, #tpu.memory_space<semaphore_mem>>)
        %dma_wait3A_60 = arith.constant 0 : i32
        %dma_wait3A_61 = tpu.memref_slice %arg9[%mul3A_54, %dma_wait3A_60] : memref<10240x128xf32, #tpu.memory_space<vmem_shared>> -> memref<640x128xf32, #tpu.memory_space<vmem_shared>>
        %dma_wait3A_62 = arith.constant 0 : i32
        %dma_wait3A_63 = tpu.memref_slice %arg4[%mul3A_52, %dma_wait3A_62] : memref<10240x128xf32, #tpu.memory_space<hbm>> -> memref<640x128xf32, #tpu.memory_space<hbm>>
        tpu.wait_dma2 semaphore(%run_scoped3A_55 : memref<!tpu.dma_semaphore, #tpu.memory_space<semaphore_mem>>) src(%dma_wait3A_63 : memref<640x128xf32, #tpu.memory_space<hbm>>) dst(%dma_wait3A_61 : memref<640x128xf32, #tpu.memory_space<vmem_shared>>)
        tpu.yield
      }) : () -> ()
    } else {
    }
    %barrier3A = arith.constant 0 : index
    tpu.barrier barrier_id(%barrier3A)
    %scan3A = arith.constant 0 : i32
    %scan3A_34 = arith.constant 0 : i32
    %scan3A_35 = arith.constant 20 : i32
    %scan3A_36 = arith.addi %scan3A_34, %scan3A_35 : i32
    %scan3A_37 = arith.constant 1 : i32
    scf.for %scan3A_51 = %scan3A_34 to %scan3A_36 step %scan3A_37  : i32 {
      %mul3A_52 = arith.constant 4 : i32
      %mul3A_53 = arith.muli %mul3A_52, %scan3A_51 : i32
      %dma_wait3A_54 = arith.constant 0 : i32
      %dma_wait3A_55 = arith.constant 0 : i32
      %dma_wait3A_56 = arith.constant 0 : i32
      %dma_wait3A_57 = tpu.memref_slice %arg6[%dma_wait3A_54, %dma_wait3A_55, %dma_wait3A_56] : memref<4x2x128xi32, #tpu.memory_space<vmem>> -> memref<1x1x128xi32, #tpu.memory_space<vmem>>
      %dma_wait3A_58 = tpu.memref_squeeze %dma_wait3A_57 : memref<1x1x128xi32, #tpu.memory_space<vmem>> -> memref<128xi32, #tpu.memory_space<vmem>>
      %dma_wait3A_59 = arith.constant 0 : i32
      %dma_wait3A_60 = arith.constant 0 : i32
      %dma_wait3A_61 = tpu.memref_slice %arg2[%dma_wait3A_59, %dma_wait3A_60] : memref<10240x128xf32, #tpu.memory_space<hbm>> -> memref<10240x128xf32, #tpu.memory_space<hbm>>
      tpu.wait_indirect_dma semaphore(%arg10 : memref<!tpu.dma_semaphore, #tpu.memory_space<semaphore_mem>>) src(%dma_wait3A_61 : memref<10240x128xf32, #tpu.memory_space<hbm>>) dst(%arg7 : memref<128x128xf32, #tpu.memory_space<vmem>>)
      %dma_start3A_62 = arith.constant 0 : i32
      %dma_start3A_63 = arith.constant 1 : i32
      %dma_start3A_64 = arith.constant 0 : i32
      %dma_start3A_65 = tpu.memref_slice %arg6[%dma_start3A_62, %dma_start3A_63, %dma_start3A_64] : memref<4x2x128xi32, #tpu.memory_space<vmem>> -> memref<1x1x128xi32, #tpu.memory_space<vmem>>
      %dma_start3A_66 = tpu.memref_squeeze %dma_start3A_65 : memref<1x1x128xi32, #tpu.memory_space<vmem>> -> memref<128xi32, #tpu.memory_space<vmem>>
      %dma_start3A_67 = arith.constant 0 : i32
      %dma_start3A_68 = arith.constant 0 : i32
      %dma_start3A_69 = tpu.memref_slice %arg9[%dma_start3A_67, %dma_start3A_68] : memref<10240x128xf32, #tpu.memory_space<vmem_shared>> -> memref<10240x128xf32, #tpu.memory_space<vmem_shared>>
      tpu.enqueue_indirect_dma source(%arg7 : memref<128x128xf32, #tpu.memory_space<vmem>>) target(%dma_start3A_69 : memref<10240x128xf32, #tpu.memory_space<vmem_shared>>) offsets(%dma_start3A_66 : memref<128xi32, #tpu.memory_space<vmem>>) semaphore(%arg12 : memref<!tpu.dma_semaphore, #tpu.memory_space<semaphore_mem>>) {add = true}
      %add3A_70 = arith.constant 2 : i32
      %add3A_71 = arith.addi %mul3A_53, %add3A_70 : i32
      %lt3A = arith.constant 80 : i32
      %lt3A_72 = arith.cmpi slt, %add3A_71, %lt3A : i32
      %convert_element_type3A_73 = arith.extui %lt3A_72 : i1 to i32
      %cond3A_74 = arith.constant 0 : i32
      %cond3A_75 = arith.cmpi ne, %convert_element_type3A_73, %cond3A_74 : i32
      scf.if %cond3A_75 {
        %add3A_145 = arith.constant 2 : i32
        %add3A_146 = arith.addi %mul3A_53, %add3A_145 : i32
        %dma_start3A_147 = arith.constant 2 : i32
        %dma_start3A_148 = arith.constant 0 : i32
        %dma_start3A_149 = arith.constant 0 : i32
        %dma_start3A_150 = tpu.memref_slice %arg6[%dma_start3A_147, %dma_start3A_148, %dma_start3A_149] : memref<4x2x128xi32, #tpu.memory_space<vmem>> -> memref<1x2x128xi32, #tpu.memory_space<vmem>>
        %dma_start3A_151 = tpu.memref_squeeze %dma_start3A_150 : memref<1x2x128xi32, #tpu.memory_space<vmem>> -> memref<2x128xi32, #tpu.memory_space<vmem>>
        %dma_start3A_152 = arith.constant 0 : i32
        %dma_start3A_153 = arith.constant 0 : i32
        %dma_start3A_154 = tpu.memref_slice %arg3[%add3A, %add3A_146, %dma_start3A_152, %dma_start3A_153] : memref<32x80x2x128xi32, #tpu.memory_space<hbm>> -> memref<1x1x2x128xi32, #tpu.memory_space<hbm>>
        %dma_start3A_155 = tpu.memref_squeeze %dma_start3A_154 : memref<1x1x2x128xi32, #tpu.memory_space<hbm>> -> memref<2x128xi32, #tpu.memory_space<hbm>>
        %dma_start3A_156 = arith.constant 0 : i32
        %dma_start3A_157 = arith.constant 0 : i32
        %dma_start3A_158 = tpu.memref_slice %arg6[%dma_start3A_147, %dma_start3A_156, %dma_start3A_157] : memref<4x2x128xi32, #tpu.memory_space<vmem>> -> memref<1x2x128xi32, #tpu.memory_space<vmem>>
        %dma_start3A_159 = tpu.memref_squeeze %dma_start3A_158 : memref<1x2x128xi32, #tpu.memory_space<vmem>> -> memref<2x128xi32, #tpu.memory_space<vmem>>
        %dma_start3A_160 = arith.constant 0 : i32
        %dma_start3A_161 = arith.constant 0 : i32
        %dma_start3A_162 = tpu.memref_slice %arg3[%add3A, %add3A_146, %dma_start3A_160, %dma_start3A_161] : memref<32x80x2x128xi32, #tpu.memory_space<hbm>> -> memref<1x1x2x128xi32, #tpu.memory_space<hbm>>
        %dma_start3A_163 = tpu.memref_squeeze %dma_start3A_162 : memref<1x1x2x128xi32, #tpu.memory_space<hbm>> -> memref<2x128xi32, #tpu.memory_space<hbm>>
        tpu.enqueue_dma source(%dma_start3A_163 : memref<2x128xi32, #tpu.memory_space<hbm>>) target(%dma_start3A_159 : memref<2x128xi32, #tpu.memory_space<vmem>>) target_semaphore(%arg14 : memref<!tpu.dma_semaphore, #tpu.memory_space<semaphore_mem>>)
      } else {
      }
      %gt3A = arith.constant 0 : i32
      %gt3A_76 = arith.cmpi sgt, %scan3A_51, %gt3A : i32
      %convert_element_type3A_77 = arith.extui %gt3A_76 : i1 to i32
      %cond3A_78 = arith.constant 0 : i32
      %cond3A_79 = arith.cmpi ne, %convert_element_type3A_77, %cond3A_78 : i32
      scf.if %cond3A_79 {
        %dma_wait3A_145 = arith.constant 3 : i32
        %dma_wait3A_146 = arith.constant 1 : i32
        %dma_wait3A_147 = arith.constant 0 : i32
        %dma_wait3A_148 = tpu.memref_slice %arg6[%dma_wait3A_145, %dma_wait3A_146, %dma_wait3A_147] : memref<4x2x128xi32, #tpu.memory_space<vmem>> -> memref<1x1x128xi32, #tpu.memory_space<vmem>>
        %dma_wait3A_149 = tpu.memref_squeeze %dma_wait3A_148 : memref<1x1x128xi32, #tpu.memory_space<vmem>> -> memref<128xi32, #tpu.memory_space<vmem>>
        %dma_wait3A_150 = arith.constant 0 : i32
        %dma_wait3A_151 = arith.constant 0 : i32
        %dma_wait3A_152 = tpu.memref_slice %arg9[%dma_wait3A_150, %dma_wait3A_151] : memref<10240x128xf32, #tpu.memory_space<vmem_shared>> -> memref<10240x128xf32, #tpu.memory_space<vmem_shared>>
        tpu.wait_indirect_dma semaphore(%arg13 : memref<!tpu.dma_semaphore, #tpu.memory_space<semaphore_mem>>) src(%arg8 : memref<128x128xf32, #tpu.memory_space<vmem>>) dst(%dma_wait3A_152 : memref<10240x128xf32, #tpu.memory_space<vmem_shared>>)
      } else {
      }
      %add3A_80 = arith.constant 1 : i32
      %add3A_81 = arith.addi %mul3A_53, %add3A_80 : i32
      %dma_wait3A_82 = arith.constant 1 : i32
      %dma_wait3A_83 = arith.constant 0 : i32
      %dma_wait3A_84 = arith.constant 0 : i32
      %dma_wait3A_85 = tpu.memref_slice %arg6[%dma_wait3A_82, %dma_wait3A_83, %dma_wait3A_84] : memref<4x2x128xi32, #tpu.memory_space<vmem>> -> memref<1x2x128xi32, #tpu.memory_space<vmem>>
      %dma_wait3A_86 = tpu.memref_squeeze %dma_wait3A_85 : memref<1x2x128xi32, #tpu.memory_space<vmem>> -> memref<2x128xi32, #tpu.memory_space<vmem>>
      %dma_wait3A_87 = arith.constant 0 : i32
      %dma_wait3A_88 = arith.constant 0 : i32
      %dma_wait3A_89 = tpu.memref_slice %arg3[%add3A, %add3A_81, %dma_wait3A_87, %dma_wait3A_88] : memref<32x80x2x128xi32, #tpu.memory_space<hbm>> -> memref<1x1x2x128xi32, #tpu.memory_space<hbm>>
      %dma_wait3A_90 = tpu.memref_squeeze %dma_wait3A_89 : memref<1x1x2x128xi32, #tpu.memory_space<hbm>> -> memref<2x128xi32, #tpu.memory_space<hbm>>
      %dma_wait3A_91 = arith.constant 0 : i32
      %dma_wait3A_92 = arith.constant 0 : i32
      %dma_wait3A_93 = tpu.memref_slice %arg6[%dma_wait3A_82, %dma_wait3A_91, %dma_wait3A_92] : memref<4x2x128xi32, #tpu.memory_space<vmem>> -> memref<1x2x128xi32, #tpu.memory_space<vmem>>
      %dma_wait3A_94 = tpu.memref_squeeze %dma_wait3A_93 : memref<1x2x128xi32, #tpu.memory_space<vmem>> -> memref<2x128xi32, #tpu.memory_space<vmem>>
      %dma_wait3A_95 = arith.constant 0 : i32
      %dma_wait3A_96 = arith.constant 0 : i32
      %dma_wait3A_97 = tpu.memref_slice %arg3[%add3A, %add3A_81, %dma_wait3A_95, %dma_wait3A_96] : memref<32x80x2x128xi32, #tpu.memory_space<hbm>> -> memref<1x1x2x128xi32, #tpu.memory_space<hbm>>
      %dma_wait3A_98 = tpu.memref_squeeze %dma_wait3A_97 : memref<1x1x2x128xi32, #tpu.memory_space<hbm>> -> memref<2x128xi32, #tpu.memory_space<hbm>>
      tpu.wait_dma2 semaphore(%arg14 : memref<!tpu.dma_semaphore, #tpu.memory_space<semaphore_mem>>) src(%dma_wait3A_98 : memref<2x128xi32, #tpu.memory_space<hbm>>) dst(%dma_wait3A_94 : memref<2x128xi32, #tpu.memory_space<vmem>>)
      %dma_start3A_99 = arith.constant 1 : i32
      %dma_start3A_100 = arith.constant 0 : i32
      %dma_start3A_101 = arith.constant 0 : i32
      %dma_start3A_102 = tpu.memref_slice %arg6[%dma_start3A_99, %dma_start3A_100, %dma_start3A_101] : memref<4x2x128xi32, #tpu.memory_space<vmem>> -> memref<1x1x128xi32, #tpu.memory_space<vmem>>
      %dma_start3A_103 = tpu.memref_squeeze %dma_start3A_102 : memref<1x1x128xi32, #tpu.memory_space<vmem>> -> memref<128xi32, #tpu.memory_space<vmem>>
      %dma_start3A_104 = arith.constant 0 : i32
      %dma_start3A_105 = arith.constant 0 : i32
      %dma_start3A_106 = tpu.memref_slice %arg2[%dma_start3A_104, %dma_start3A_105] : memref<10240x128xf32, #tpu.memory_space<hbm>> -> memref<10240x128xf32, #tpu.memory_space<hbm>>
      tpu.enqueue_indirect_dma source(%dma_start3A_106 : memref<10240x128xf32, #tpu.memory_space<hbm>>) target(%arg8 : memref<128x128xf32, #tpu.memory_space<vmem>>) offsets(%dma_start3A_103 : memref<128xi32, #tpu.memory_space<vmem>>) semaphore(%arg11 : memref<!tpu.dma_semaphore, #tpu.memory_space<semaphore_mem>>)
      %dma_wait3A_107 = arith.constant 1 : i32
      %dma_wait3A_108 = arith.constant 0 : i32
      %dma_wait3A_109 = arith.constant 0 : i32
      %dma_wait3A_110 = tpu.memref_slice %arg6[%dma_wait3A_107, %dma_wait3A_108, %dma_wait3A_109] : memref<4x2x128xi32, #tpu.memory_space<vmem>> -> memref<1x1x128xi32, #tpu.memory_space<vmem>>
      %dma_wait3A_111 = tpu.memref_squeeze %dma_wait3A_110 : memref<1x1x128xi32, #tpu.memory_space<vmem>> -> memref<128xi32, #tpu.memory_space<vmem>>
      %dma_wait3A_112 = arith.constant 0 : i32
      %dma_wait3A_113 = arith.constant 0 : i32
      %dma_wait3A_114 = tpu.memref_slice %arg2[%dma_wait3A_112, %dma_wait3A_113] : memref<10240x128xf32, #tpu.memory_space<hbm>> -> memref<10240x128xf32, #tpu.memory_space<hbm>>
      tpu.wait_indirect_dma semaphore(%arg11 : memref<!tpu.dma_semaphore, #tpu.memory_space<semaphore_mem>>) src(%dma_wait3A_114 : memref<10240x128xf32, #tpu.memory_space<hbm>>) dst(%arg8 : memref<128x128xf32, #tpu.memory_space<vmem>>)
      %dma_start3A_115 = arith.constant 1 : i32
      %dma_start3A_116 = arith.constant 1 : i32
      %dma_start3A_117 = arith.constant 0 : i32
      %dma_start3A_118 = tpu.memref_slice %arg6[%dma_start3A_115, %dma_start3A_116, %dma_start3A_117] : memref<4x2x128xi32, #tpu.memory_space<vmem>> -> memref<1x1x128xi32, #tpu.memory_space<vmem>>
      %dma_start3A_119 = tpu.memref_squeeze %dma_start3A_118 : memref<1x1x128xi32, #tpu.memory_space<vmem>> -> memref<128xi32, #tpu.memory_space<vmem>>
      %dma_start3A_120 = arith.constant 0 : i32
      %dma_start3A_121 = arith.constant 0 : i32
      %dma_start3A_122 = tpu.memref_slice %arg9[%dma_start3A_120, %dma_start3A_121] : memref<10240x128xf32, #tpu.memory_space<vmem_shared>> -> memref<10240x128xf32, #tpu.memory_space<vmem_shared>>
      tpu.enqueue_indirect_dma source(%arg8 : memref<128x128xf32, #tpu.memory_space<vmem>>) target(%dma_start3A_122 : memref<10240x128xf32, #tpu.memory_space<vmem_shared>>) offsets(%dma_start3A_119 : memref<128xi32, #tpu.memory_space<vmem>>) semaphore(%arg13 : memref<!tpu.dma_semaphore, #tpu.memory_space<semaphore_mem>>) {add = true}
      %add3A_123 = arith.constant 3 : i32
      %add3A_124 = arith.addi %mul3A_53, %add3A_123 : i32
      %lt3A_125 = arith.constant 80 : i32
      %lt3A_126 = arith.cmpi slt, %add3A_124, %lt3A_125 : i32
      %convert_element_type3A_127 = arith.extui %lt3A_126 : i1 to i32
      %cond3A_128 = arith.constant 0 : i32
      %cond3A_129 = arith.cmpi ne, %convert_element_type3A_127, %cond3A_128 : i32
      scf.if %cond3A_129 {
        %add3A_145 = arith.constant 3 : i32
        %add3A_146 = arith.addi %mul3A_53, %add3A_145 : i32
        %dma_start3A_147 = arith.constant 3 : i32
        %dma_start3A_148 = arith.constant 0 : i32
        %dma_start3A_149 = arith.constant 0 : i32
        %dma_start3A_150 = tpu.memref_slice %arg6[%dma_start3A_147, %dma_start3A_148, %dma_start3A_149] : memref<4x2x128xi32, #tpu.memory_space<vmem>> -> memref<1x2x128xi32, #tpu.memory_space<vmem>>
        %dma_start3A_151 = tpu.memref_squeeze %dma_start3A_150 : memref<1x2x128xi32, #tpu.memory_space<vmem>> -> memref<2x128xi32, #tpu.memory_space<vmem>>
        %dma_start3A_152 = arith.constant 0 : i32
        %dma_start3A_153 = arith.constant 0 : i32
        %dma_start3A_154 = tpu.memref_slice %arg3[%add3A, %add3A_146, %dma_start3A_152, %dma_start3A_153] : memref<32x80x2x128xi32, #tpu.memory_space<hbm>> -> memref<1x1x2x128xi32, #tpu.memory_space<hbm>>
        %dma_start3A_155 = tpu.memref_squeeze %dma_start3A_154 : memref<1x1x2x128xi32, #tpu.memory_space<hbm>> -> memref<2x128xi32, #tpu.memory_space<hbm>>
        %dma_start3A_156 = arith.constant 0 : i32
        %dma_start3A_157 = arith.constant 0 : i32
        %dma_start3A_158 = tpu.memref_slice %arg6[%dma_start3A_147, %dma_start3A_156, %dma_start3A_157] : memref<4x2x128xi32, #tpu.memory_space<vmem>> -> memref<1x2x128xi32, #tpu.memory_space<vmem>>
        %dma_start3A_159 = tpu.memref_squeeze %dma_start3A_158 : memref<1x2x128xi32, #tpu.memory_space<vmem>> -> memref<2x128xi32, #tpu.memory_space<vmem>>
        %dma_start3A_160 = arith.constant 0 : i32
        %dma_start3A_161 = arith.constant 0 : i32
        %dma_start3A_162 = tpu.memref_slice %arg3[%add3A, %add3A_146, %dma_start3A_160, %dma_start3A_161] : memref<32x80x2x128xi32, #tpu.memory_space<hbm>> -> memref<1x1x2x128xi32, #tpu.memory_space<hbm>>
        %dma_start3A_163 = tpu.memref_squeeze %dma_start3A_162 : memref<1x1x2x128xi32, #tpu.memory_space<hbm>> -> memref<2x128xi32, #tpu.memory_space<hbm>>
        tpu.enqueue_dma source(%dma_start3A_163 : memref<2x128xi32, #tpu.memory_space<hbm>>) target(%dma_start3A_159 : memref<2x128xi32, #tpu.memory_space<vmem>>) target_semaphore(%arg14 : memref<!tpu.dma_semaphore, #tpu.memory_space<semaphore_mem>>)
      } else {
      }
      %dma_wait3A_130 = arith.constant 0 : i32
      %dma_wait3A_131 = arith.constant 1 : i32
      %dma_wait3A_132 = arith.constant 0 : i32
      %dma_wait3A_133 = tpu.memref_slice %arg6[%dma_wait3A_130, %dma_wait3A_131, %dma_wait3A_132] : memref<4x2x128xi32, #tpu.memory_space<vmem>> -> memref<1x1x128xi32, #tpu.memory_space<vmem>>
      %dma_wait3A_134 = tpu.memref_squeeze %dma_wait3A_133 : memref<1x1x128xi32, #tpu.memory_space<vmem>> -> memref<128xi32, #tpu.memory_space<vmem>>
      %dma_wait3A_135 = arith.constant 0 : i32
      %dma_wait3A_136 = arith.constant 0 : i32
      %dma_wait3A_137 = tpu.memref_slice %arg9[%dma_wait3A_135, %dma_wait3A_136] : memref<10240x128xf32, #tpu.memory_space<vmem_shared>> -> memref<10240x128xf32, #tpu.memory_space<vmem_shared>>
      tpu.wait_indirect_dma semaphore(%arg12 : memref<!tpu.dma_semaphore, #tpu.memory_space<semaphore_mem>>) src(%arg7 : memref<128x128xf32, #tpu.memory_space<vmem>>) dst(%dma_wait3A_137 : memref<10240x128xf32, #tpu.memory_space<vmem_shared>>)
      %add3A_138 = arith.constant 2 : i32
      %add3A_139 = arith.addi %mul3A_53, %add3A_138 : i32
      %lt3A_140 = arith.constant 80 : i32
      %lt3A_141 = arith.cmpi slt, %add3A_139, %lt3A_140 : i32
      %convert_element_type3A_142 = arith.extui %lt3A_141 : i1 to i32
      %cond3A_143 = arith.constant 0 : i32
      %cond3A_144 = arith.cmpi ne, %convert_element_type3A_142, %cond3A_143 : i32
      scf.if %cond3A_144 {
        %add3A_145 = arith.constant 2 : i32
        %add3A_146 = arith.addi %mul3A_53, %add3A_145 : i32
        %dma_wait3A_147 = arith.constant 2 : i32
        %dma_wait3A_148 = arith.constant 0 : i32
        %dma_wait3A_149 = arith.constant 0 : i32
        %dma_wait3A_150 = tpu.memref_slice %arg6[%dma_wait3A_147, %dma_wait3A_148, %dma_wait3A_149] : memref<4x2x128xi32, #tpu.memory_space<vmem>> -> memref<1x2x128xi32, #tpu.memory_space<vmem>>
        %dma_wait3A_151 = tpu.memref_squeeze %dma_wait3A_150 : memref<1x2x128xi32, #tpu.memory_space<vmem>> -> memref<2x128xi32, #tpu.memory_space<vmem>>
        %dma_wait3A_152 = arith.constant 0 : i32
        %dma_wait3A_153 = arith.constant 0 : i32
        %dma_wait3A_154 = tpu.memref_slice %arg3[%add3A, %add3A_146, %dma_wait3A_152, %dma_wait3A_153] : memref<32x80x2x128xi32, #tpu.memory_space<hbm>> -> memref<1x1x2x128xi32, #tpu.memory_space<hbm>>
        %dma_wait3A_155 = tpu.memref_squeeze %dma_wait3A_154 : memref<1x1x2x128xi32, #tpu.memory_space<hbm>> -> memref<2x128xi32, #tpu.memory_space<hbm>>
        %dma_wait3A_156 = arith.constant 0 : i32
        %dma_wait3A_157 = arith.constant 0 : i32
        %dma_wait3A_158 = tpu.memref_slice %arg6[%dma_wait3A_147, %dma_wait3A_156, %dma_wait3A_157] : memref<4x2x128xi32, #tpu.memory_space<vmem>> -> memref<1x2x128xi32, #tpu.memory_space<vmem>>
        %dma_wait3A_159 = tpu.memref_squeeze %dma_wait3A_158 : memref<1x2x128xi32, #tpu.memory_space<vmem>> -> memref<2x128xi32, #tpu.memory_space<vmem>>
        %dma_wait3A_160 = arith.constant 0 : i32
        %dma_wait3A_161 = arith.constant 0 : i32
        %dma_wait3A_162 = tpu.memref_slice %arg3[%add3A, %add3A_146, %dma_wait3A_160, %dma_wait3A_161] : memref<32x80x2x128xi32, #tpu.memory_space<hbm>> -> memref<1x1x2x128xi32, #tpu.memory_space<hbm>>
        %dma_wait3A_163 = tpu.memref_squeeze %dma_wait3A_162 : memref<1x1x2x128xi32, #tpu.memory_space<hbm>> -> memref<2x128xi32, #tpu.memory_space<hbm>>
        tpu.wait_dma2 semaphore(%arg14 : memref<!tpu.dma_semaphore, #tpu.memory_space<semaphore_mem>>) src(%dma_wait3A_163 : memref<2x128xi32, #tpu.memory_space<hbm>>) dst(%dma_wait3A_159 : memref<2x128xi32, #tpu.memory_space<vmem>>)
        %dma_start3A_164 = arith.constant 2 : i32
        %dma_start3A_165 = arith.constant 0 : i32
        %dma_start3A_166 = arith.constant 0 : i32
        %dma_start3A_167 = tpu.memref_slice %arg6[%dma_start3A_164, %dma_start3A_165, %dma_start3A_166] : memref<4x2x128xi32, #tpu.memory_space<vmem>> -> memref<1x1x128xi32, #tpu.memory_space<vmem>>
        %dma_start3A_168 = tpu.memref_squeeze %dma_start3A_167 : memref<1x1x128xi32, #tpu.memory_space<vmem>> -> memref<128xi32, #tpu.memory_space<vmem>>
        %dma_start3A_169 = arith.constant 0 : i32
        %dma_start3A_170 = arith.constant 0 : i32
        %dma_start3A_171 = tpu.memref_slice %arg2[%dma_start3A_169, %dma_start3A_170] : memref<10240x128xf32, #tpu.memory_space<hbm>> -> memref<10240x128xf32, #tpu.memory_space<hbm>>
        tpu.enqueue_indirect_dma source(%dma_start3A_171 : memref<10240x128xf32, #tpu.memory_space<hbm>>) target(%arg7 : memref<128x128xf32, #tpu.memory_space<vmem>>) offsets(%dma_start3A_168 : memref<128xi32, #tpu.memory_space<vmem>>) semaphore(%arg10 : memref<!tpu.dma_semaphore, #tpu.memory_space<semaphore_mem>>)
        %dma_wait3A_172 = arith.constant 2 : i32
        %dma_wait3A_173 = arith.constant 0 : i32
        %dma_wait3A_174 = arith.constant 0 : i32
        %dma_wait3A_175 = tpu.memref_slice %arg6[%dma_wait3A_172, %dma_wait3A_173, %dma_wait3A_174] : memref<4x2x128xi32, #tpu.memory_space<vmem>> -> memref<1x1x128xi32, #tpu.memory_space<vmem>>
        %dma_wait3A_176 = tpu.memref_squeeze %dma_wait3A_175 : memref<1x1x128xi32, #tpu.memory_space<vmem>> -> memref<128xi32, #tpu.memory_space<vmem>>
        %dma_wait3A_177 = arith.constant 0 : i32
        %dma_wait3A_178 = arith.constant 0 : i32
        %dma_wait3A_179 = tpu.memref_slice %arg2[%dma_wait3A_177, %dma_wait3A_178] : memref<10240x128xf32, #tpu.memory_space<hbm>> -> memref<10240x128xf32, #tpu.memory_space<hbm>>
        tpu.wait_indirect_dma semaphore(%arg10 : memref<!tpu.dma_semaphore, #tpu.memory_space<semaphore_mem>>) src(%dma_wait3A_179 : memref<10240x128xf32, #tpu.memory_space<hbm>>) dst(%arg7 : memref<128x128xf32, #tpu.memory_space<vmem>>)
        %dma_start3A_180 = arith.constant 2 : i32
        %dma_start3A_181 = arith.constant 1 : i32
        %dma_start3A_182 = arith.constant 0 : i32
        %dma_start3A_183 = tpu.memref_slice %arg6[%dma_start3A_180, %dma_start3A_181, %dma_start3A_182] : memref<4x2x128xi32, #tpu.memory_space<vmem>> -> memref<1x1x128xi32, #tpu.memory_space<vmem>>
        %dma_start3A_184 = tpu.memref_squeeze %dma_start3A_183 : memref<1x1x128xi32, #tpu.memory_space<vmem>> -> memref<128xi32, #tpu.memory_space<vmem>>
        %dma_start3A_185 = arith.constant 0 : i32
        %dma_start3A_186 = arith.constant 0 : i32
        %dma_start3A_187 = tpu.memref_slice %arg9[%dma_start3A_185, %dma_start3A_186] : memref<10240x128xf32, #tpu.memory_space<vmem_shared>> -> memref<10240x128xf32, #tpu.memory_space<vmem_shared>>
        tpu.enqueue_indirect_dma source(%arg7 : memref<128x128xf32, #tpu.memory_space<vmem>>) target(%dma_start3A_187 : memref<10240x128xf32, #tpu.memory_space<vmem_shared>>) offsets(%dma_start3A_184 : memref<128xi32, #tpu.memory_space<vmem>>) semaphore(%arg12 : memref<!tpu.dma_semaphore, #tpu.memory_space<semaphore_mem>>) {add = true}
        %add3A_188 = arith.constant 4 : i32
        %add3A_189 = arith.addi %mul3A_53, %add3A_188 : i32
        %lt3A_190 = arith.constant 80 : i32
        %lt3A_191 = arith.cmpi slt, %add3A_189, %lt3A_190 : i32
        %convert_element_type3A_192 = arith.extui %lt3A_191 : i1 to i32
        %cond3A_193 = arith.constant 0 : i32
        %cond3A_194 = arith.cmpi ne, %convert_element_type3A_192, %cond3A_193 : i32
        scf.if %cond3A_194 {
          %add3A_268 = arith.constant 4 : i32
          %add3A_269 = arith.addi %mul3A_53, %add3A_268 : i32
          %dma_start3A_270 = arith.constant 0 : i32
          %dma_start3A_271 = arith.constant 0 : i32
          %dma_start3A_272 = arith.constant 0 : i32
          %dma_start3A_273 = tpu.memref_slice %arg6[%dma_start3A_270, %dma_start3A_271, %dma_start3A_272] : memref<4x2x128xi32, #tpu.memory_space<vmem>> -> memref<1x2x128xi32, #tpu.memory_space<vmem>>
          %dma_start3A_274 = tpu.memref_squeeze %dma_start3A_273 : memref<1x2x128xi32, #tpu.memory_space<vmem>> -> memref<2x128xi32, #tpu.memory_space<vmem>>
          %dma_start3A_275 = arith.constant 0 : i32
          %dma_start3A_276 = arith.constant 0 : i32
          %dma_start3A_277 = tpu.memref_slice %arg3[%add3A, %add3A_269, %dma_start3A_275, %dma_start3A_276] : memref<32x80x2x128xi32, #tpu.memory_space<hbm>> -> memref<1x1x2x128xi32, #tpu.memory_space<hbm>>
          %dma_start3A_278 = tpu.memref_squeeze %dma_start3A_277 : memref<1x1x2x128xi32, #tpu.memory_space<hbm>> -> memref<2x128xi32, #tpu.memory_space<hbm>>
          %dma_start3A_279 = arith.constant 0 : i32
          %dma_start3A_280 = arith.constant 0 : i32
          %dma_start3A_281 = tpu.memref_slice %arg6[%dma_start3A_270, %dma_start3A_279, %dma_start3A_280] : memref<4x2x128xi32, #tpu.memory_space<vmem>> -> memref<1x2x128xi32, #tpu.memory_space<vmem>>
          %dma_start3A_282 = tpu.memref_squeeze %dma_start3A_281 : memref<1x2x128xi32, #tpu.memory_space<vmem>> -> memref<2x128xi32, #tpu.memory_space<vmem>>
          %dma_start3A_283 = arith.constant 0 : i32
          %dma_start3A_284 = arith.constant 0 : i32
          %dma_start3A_285 = tpu.memref_slice %arg3[%add3A, %add3A_269, %dma_start3A_283, %dma_start3A_284] : memref<32x80x2x128xi32, #tpu.memory_space<hbm>> -> memref<1x1x2x128xi32, #tpu.memory_space<hbm>>
          %dma_start3A_286 = tpu.memref_squeeze %dma_start3A_285 : memref<1x1x2x128xi32, #tpu.memory_space<hbm>> -> memref<2x128xi32, #tpu.memory_space<hbm>>
          tpu.enqueue_dma source(%dma_start3A_286 : memref<2x128xi32, #tpu.memory_space<hbm>>) target(%dma_start3A_282 : memref<2x128xi32, #tpu.memory_space<vmem>>) target_semaphore(%arg14 : memref<!tpu.dma_semaphore, #tpu.memory_space<semaphore_mem>>)
        } else {
        }
        %dma_wait3A_195 = arith.constant 1 : i32
        %dma_wait3A_196 = arith.constant 1 : i32
        %dma_wait3A_197 = arith.constant 0 : i32
        %dma_wait3A_198 = tpu.memref_slice %arg6[%dma_wait3A_195, %dma_wait3A_196, %dma_wait3A_197] : memref<4x2x128xi32, #tpu.memory_space<vmem>> -> memref<1x1x128xi32, #tpu.memory_space<vmem>>
        %dma_wait3A_199 = tpu.memref_squeeze %dma_wait3A_198 : memref<1x1x128xi32, #tpu.memory_space<vmem>> -> memref<128xi32, #tpu.memory_space<vmem>>
        %dma_wait3A_200 = arith.constant 0 : i32
        %dma_wait3A_201 = arith.constant 0 : i32
        %dma_wait3A_202 = tpu.memref_slice %arg9[%dma_wait3A_200, %dma_wait3A_201] : memref<10240x128xf32, #tpu.memory_space<vmem_shared>> -> memref<10240x128xf32, #tpu.memory_space<vmem_shared>>
        tpu.wait_indirect_dma semaphore(%arg13 : memref<!tpu.dma_semaphore, #tpu.memory_space<semaphore_mem>>) src(%arg8 : memref<128x128xf32, #tpu.memory_space<vmem>>) dst(%dma_wait3A_202 : memref<10240x128xf32, #tpu.memory_space<vmem_shared>>)
        %add3A_203 = arith.constant 3 : i32
        %add3A_204 = arith.addi %mul3A_53, %add3A_203 : i32
        %dma_wait3A_205 = arith.constant 3 : i32
        %dma_wait3A_206 = arith.constant 0 : i32
        %dma_wait3A_207 = arith.constant 0 : i32
        %dma_wait3A_208 = tpu.memref_slice %arg6[%dma_wait3A_205, %dma_wait3A_206, %dma_wait3A_207] : memref<4x2x128xi32, #tpu.memory_space<vmem>> -> memref<1x2x128xi32, #tpu.memory_space<vmem>>
        %dma_wait3A_209 = tpu.memref_squeeze %dma_wait3A_208 : memref<1x2x128xi32, #tpu.memory_space<vmem>> -> memref<2x128xi32, #tpu.memory_space<vmem>>
        %dma_wait3A_210 = arith.constant 0 : i32
        %dma_wait3A_211 = arith.constant 0 : i32
        %dma_wait3A_212 = tpu.memref_slice %arg3[%add3A, %add3A_204, %dma_wait3A_210, %dma_wait3A_211] : memref<32x80x2x128xi32, #tpu.memory_space<hbm>> -> memref<1x1x2x128xi32, #tpu.memory_space<hbm>>
        %dma_wait3A_213 = tpu.memref_squeeze %dma_wait3A_212 : memref<1x1x2x128xi32, #tpu.memory_space<hbm>> -> memref<2x128xi32, #tpu.memory_space<hbm>>
        %dma_wait3A_214 = arith.constant 0 : i32
        %dma_wait3A_215 = arith.constant 0 : i32
        %dma_wait3A_216 = tpu.memref_slice %arg6[%dma_wait3A_205, %dma_wait3A_214, %dma_wait3A_215] : memref<4x2x128xi32, #tpu.memory_space<vmem>> -> memref<1x2x128xi32, #tpu.memory_space<vmem>>
        %dma_wait3A_217 = tpu.memref_squeeze %dma_wait3A_216 : memref<1x2x128xi32, #tpu.memory_space<vmem>> -> memref<2x128xi32, #tpu.memory_space<vmem>>
        %dma_wait3A_218 = arith.constant 0 : i32
        %dma_wait3A_219 = arith.constant 0 : i32
        %dma_wait3A_220 = tpu.memref_slice %arg3[%add3A, %add3A_204, %dma_wait3A_218, %dma_wait3A_219] : memref<32x80x2x128xi32, #tpu.memory_space<hbm>> -> memref<1x1x2x128xi32, #tpu.memory_space<hbm>>
        %dma_wait3A_221 = tpu.memref_squeeze %dma_wait3A_220 : memref<1x1x2x128xi32, #tpu.memory_space<hbm>> -> memref<2x128xi32, #tpu.memory_space<hbm>>
        tpu.wait_dma2 semaphore(%arg14 : memref<!tpu.dma_semaphore, #tpu.memory_space<semaphore_mem>>) src(%dma_wait3A_221 : memref<2x128xi32, #tpu.memory_space<hbm>>) dst(%dma_wait3A_217 : memref<2x128xi32, #tpu.memory_space<vmem>>)
        %dma_start3A_222 = arith.constant 3 : i32
        %dma_start3A_223 = arith.constant 0 : i32
        %dma_start3A_224 = arith.constant 0 : i32
        %dma_start3A_225 = tpu.memref_slice %arg6[%dma_start3A_222, %dma_start3A_223, %dma_start3A_224] : memref<4x2x128xi32, #tpu.memory_space<vmem>> -> memref<1x1x128xi32, #tpu.memory_space<vmem>>
        %dma_start3A_226 = tpu.memref_squeeze %dma_start3A_225 : memref<1x1x128xi32, #tpu.memory_space<vmem>> -> memref<128xi32, #tpu.memory_space<vmem>>
        %dma_start3A_227 = arith.constant 0 : i32
        %dma_start3A_228 = arith.constant 0 : i32
        %dma_start3A_229 = tpu.memref_slice %arg2[%dma_start3A_227, %dma_start3A_228] : memref<10240x128xf32, #tpu.memory_space<hbm>> -> memref<10240x128xf32, #tpu.memory_space<hbm>>
        tpu.enqueue_indirect_dma source(%dma_start3A_229 : memref<10240x128xf32, #tpu.memory_space<hbm>>) target(%arg8 : memref<128x128xf32, #tpu.memory_space<vmem>>) offsets(%dma_start3A_226 : memref<128xi32, #tpu.memory_space<vmem>>) semaphore(%arg11 : memref<!tpu.dma_semaphore, #tpu.memory_space<semaphore_mem>>)
        %dma_wait3A_230 = arith.constant 3 : i32
        %dma_wait3A_231 = arith.constant 0 : i32
        %dma_wait3A_232 = arith.constant 0 : i32
        %dma_wait3A_233 = tpu.memref_slice %arg6[%dma_wait3A_230, %dma_wait3A_231, %dma_wait3A_232] : memref<4x2x128xi32, #tpu.memory_space<vmem>> -> memref<1x1x128xi32, #tpu.memory_space<vmem>>
        %dma_wait3A_234 = tpu.memref_squeeze %dma_wait3A_233 : memref<1x1x128xi32, #tpu.memory_space<vmem>> -> memref<128xi32, #tpu.memory_space<vmem>>
        %dma_wait3A_235 = arith.constant 0 : i32
        %dma_wait3A_236 = arith.constant 0 : i32
        %dma_wait3A_237 = tpu.memref_slice %arg2[%dma_wait3A_235, %dma_wait3A_236] : memref<10240x128xf32, #tpu.memory_space<hbm>> -> memref<10240x128xf32, #tpu.memory_space<hbm>>
        tpu.wait_indirect_dma semaphore(%arg11 : memref<!tpu.dma_semaphore, #tpu.memory_space<semaphore_mem>>) src(%dma_wait3A_237 : memref<10240x128xf32, #tpu.memory_space<hbm>>) dst(%arg8 : memref<128x128xf32, #tpu.memory_space<vmem>>)
        %dma_start3A_238 = arith.constant 3 : i32
        %dma_start3A_239 = arith.constant 1 : i32
        %dma_start3A_240 = arith.constant 0 : i32
        %dma_start3A_241 = tpu.memref_slice %arg6[%dma_start3A_238, %dma_start3A_239, %dma_start3A_240] : memref<4x2x128xi32, #tpu.memory_space<vmem>> -> memref<1x1x128xi32, #tpu.memory_space<vmem>>
        %dma_start3A_242 = tpu.memref_squeeze %dma_start3A_241 : memref<1x1x128xi32, #tpu.memory_space<vmem>> -> memref<128xi32, #tpu.memory_space<vmem>>
        %dma_start3A_243 = arith.constant 0 : i32
        %dma_start3A_244 = arith.constant 0 : i32
        %dma_start3A_245 = tpu.memref_slice %arg9[%dma_start3A_243, %dma_start3A_244] : memref<10240x128xf32, #tpu.memory_space<vmem_shared>> -> memref<10240x128xf32, #tpu.memory_space<vmem_shared>>
        tpu.enqueue_indirect_dma source(%arg8 : memref<128x128xf32, #tpu.memory_space<vmem>>) target(%dma_start3A_245 : memref<10240x128xf32, #tpu.memory_space<vmem_shared>>) offsets(%dma_start3A_242 : memref<128xi32, #tpu.memory_space<vmem>>) semaphore(%arg13 : memref<!tpu.dma_semaphore, #tpu.memory_space<semaphore_mem>>) {add = true}
        %add3A_246 = arith.constant 5 : i32
        %add3A_247 = arith.addi %mul3A_53, %add3A_246 : i32
        %lt3A_248 = arith.constant 80 : i32
        %lt3A_249 = arith.cmpi slt, %add3A_247, %lt3A_248 : i32
        %convert_element_type3A_250 = arith.extui %lt3A_249 : i1 to i32
        %cond3A_251 = arith.constant 0 : i32
        %cond3A_252 = arith.cmpi ne, %convert_element_type3A_250, %cond3A_251 : i32
        scf.if %cond3A_252 {
          %add3A_268 = arith.constant 5 : i32
          %add3A_269 = arith.addi %mul3A_53, %add3A_268 : i32
          %dma_start3A_270 = arith.constant 1 : i32
          %dma_start3A_271 = arith.constant 0 : i32
          %dma_start3A_272 = arith.constant 0 : i32
          %dma_start3A_273 = tpu.memref_slice %arg6[%dma_start3A_270, %dma_start3A_271, %dma_start3A_272] : memref<4x2x128xi32, #tpu.memory_space<vmem>> -> memref<1x2x128xi32, #tpu.memory_space<vmem>>
          %dma_start3A_274 = tpu.memref_squeeze %dma_start3A_273 : memref<1x2x128xi32, #tpu.memory_space<vmem>> -> memref<2x128xi32, #tpu.memory_space<vmem>>
          %dma_start3A_275 = arith.constant 0 : i32
          %dma_start3A_276 = arith.constant 0 : i32
          %dma_start3A_277 = tpu.memref_slice %arg3[%add3A, %add3A_269, %dma_start3A_275, %dma_start3A_276] : memref<32x80x2x128xi32, #tpu.memory_space<hbm>> -> memref<1x1x2x128xi32, #tpu.memory_space<hbm>>
          %dma_start3A_278 = tpu.memref_squeeze %dma_start3A_277 : memref<1x1x2x128xi32, #tpu.memory_space<hbm>> -> memref<2x128xi32, #tpu.memory_space<hbm>>
          %dma_start3A_279 = arith.constant 0 : i32
          %dma_start3A_280 = arith.constant 0 : i32
          %dma_start3A_281 = tpu.memref_slice %arg6[%dma_start3A_270, %dma_start3A_279, %dma_start3A_280] : memref<4x2x128xi32, #tpu.memory_space<vmem>> -> memref<1x2x128xi32, #tpu.memory_space<vmem>>
          %dma_start3A_282 = tpu.memref_squeeze %dma_start3A_281 : memref<1x2x128xi32, #tpu.memory_space<vmem>> -> memref<2x128xi32, #tpu.memory_space<vmem>>
          %dma_start3A_283 = arith.constant 0 : i32
          %dma_start3A_284 = arith.constant 0 : i32
          %dma_start3A_285 = tpu.memref_slice %arg3[%add3A, %add3A_269, %dma_start3A_283, %dma_start3A_284] : memref<32x80x2x128xi32, #tpu.memory_space<hbm>> -> memref<1x1x2x128xi32, #tpu.memory_space<hbm>>
          %dma_start3A_286 = tpu.memref_squeeze %dma_start3A_285 : memref<1x1x2x128xi32, #tpu.memory_space<hbm>> -> memref<2x128xi32, #tpu.memory_space<hbm>>
          tpu.enqueue_dma source(%dma_start3A_286 : memref<2x128xi32, #tpu.memory_space<hbm>>) target(%dma_start3A_282 : memref<2x128xi32, #tpu.memory_space<vmem>>) target_semaphore(%arg14 : memref<!tpu.dma_semaphore, #tpu.memory_space<semaphore_mem>>)
        } else {
        }
        %dma_wait3A_253 = arith.constant 2 : i32
        %dma_wait3A_254 = arith.constant 1 : i32
        %dma_wait3A_255 = arith.constant 0 : i32
        %dma_wait3A_256 = tpu.memref_slice %arg6[%dma_wait3A_253, %dma_wait3A_254, %dma_wait3A_255] : memref<4x2x128xi32, #tpu.memory_space<vmem>> -> memref<1x1x128xi32, #tpu.memory_space<vmem>>
        %dma_wait3A_257 = tpu.memref_squeeze %dma_wait3A_256 : memref<1x1x128xi32, #tpu.memory_space<vmem>> -> memref<128xi32, #tpu.memory_space<vmem>>
        %dma_wait3A_258 = arith.constant 0 : i32
        %dma_wait3A_259 = arith.constant 0 : i32
        %dma_wait3A_260 = tpu.memref_slice %arg9[%dma_wait3A_258, %dma_wait3A_259] : memref<10240x128xf32, #tpu.memory_space<vmem_shared>> -> memref<10240x128xf32, #tpu.memory_space<vmem_shared>>
        tpu.wait_indirect_dma semaphore(%arg12 : memref<!tpu.dma_semaphore, #tpu.memory_space<semaphore_mem>>) src(%arg7 : memref<128x128xf32, #tpu.memory_space<vmem>>) dst(%dma_wait3A_260 : memref<10240x128xf32, #tpu.memory_space<vmem_shared>>)
        %add3A_261 = arith.constant 4 : i32
        %add3A_262 = arith.addi %mul3A_53, %add3A_261 : i32
        %lt3A_263 = arith.constant 80 : i32
        %lt3A_264 = arith.cmpi slt, %add3A_262, %lt3A_263 : i32
        %convert_element_type3A_265 = arith.extui %lt3A_264 : i1 to i32
        %cond3A_266 = arith.constant 0 : i32
        %cond3A_267 = arith.cmpi ne, %convert_element_type3A_265, %cond3A_266 : i32
        scf.if %cond3A_267 {
          %add3A_268 = arith.constant 4 : i32
          %add3A_269 = arith.addi %mul3A_53, %add3A_268 : i32
          %dma_wait3A_270 = arith.constant 0 : i32
          %dma_wait3A_271 = arith.constant 0 : i32
          %dma_wait3A_272 = arith.constant 0 : i32
          %dma_wait3A_273 = tpu.memref_slice %arg6[%dma_wait3A_270, %dma_wait3A_271, %dma_wait3A_272] : memref<4x2x128xi32, #tpu.memory_space<vmem>> -> memref<1x2x128xi32, #tpu.memory_space<vmem>>
          %dma_wait3A_274 = tpu.memref_squeeze %dma_wait3A_273 : memref<1x2x128xi32, #tpu.memory_space<vmem>> -> memref<2x128xi32, #tpu.memory_space<vmem>>
          %dma_wait3A_275 = arith.constant 0 : i32
          %dma_wait3A_276 = arith.constant 0 : i32
          %dma_wait3A_277 = tpu.memref_slice %arg3[%add3A, %add3A_269, %dma_wait3A_275, %dma_wait3A_276] : memref<32x80x2x128xi32, #tpu.memory_space<hbm>> -> memref<1x1x2x128xi32, #tpu.memory_space<hbm>>
          %dma_wait3A_278 = tpu.memref_squeeze %dma_wait3A_277 : memref<1x1x2x128xi32, #tpu.memory_space<hbm>> -> memref<2x128xi32, #tpu.memory_space<hbm>>
          %dma_wait3A_279 = arith.constant 0 : i32
          %dma_wait3A_280 = arith.constant 0 : i32
          %dma_wait3A_281 = tpu.memref_slice %arg6[%dma_wait3A_270, %dma_wait3A_279, %dma_wait3A_280] : memref<4x2x128xi32, #tpu.memory_space<vmem>> -> memref<1x2x128xi32, #tpu.memory_space<vmem>>
          %dma_wait3A_282 = tpu.memref_squeeze %dma_wait3A_281 : memref<1x2x128xi32, #tpu.memory_space<vmem>> -> memref<2x128xi32, #tpu.memory_space<vmem>>
          %dma_wait3A_283 = arith.constant 0 : i32
          %dma_wait3A_284 = arith.constant 0 : i32
          %dma_wait3A_285 = tpu.memref_slice %arg3[%add3A, %add3A_269, %dma_wait3A_283, %dma_wait3A_284] : memref<32x80x2x128xi32, #tpu.memory_space<hbm>> -> memref<1x1x2x128xi32, #tpu.memory_space<hbm>>
          %dma_wait3A_286 = tpu.memref_squeeze %dma_wait3A_285 : memref<1x1x2x128xi32, #tpu.memory_space<hbm>> -> memref<2x128xi32, #tpu.memory_space<hbm>>
          tpu.wait_dma2 semaphore(%arg14 : memref<!tpu.dma_semaphore, #tpu.memory_space<semaphore_mem>>) src(%dma_wait3A_286 : memref<2x128xi32, #tpu.memory_space<hbm>>) dst(%dma_wait3A_282 : memref<2x128xi32, #tpu.memory_space<vmem>>)
          %dma_start3A_287 = arith.constant 0 : i32
          %dma_start3A_288 = arith.constant 0 : i32
          %dma_start3A_289 = arith.constant 0 : i32
          %dma_start3A_290 = tpu.memref_slice %arg6[%dma_start3A_287, %dma_start3A_288, %dma_start3A_289] : memref<4x2x128xi32, #tpu.memory_space<vmem>> -> memref<1x1x128xi32, #tpu.memory_space<vmem>>
          %dma_start3A_291 = tpu.memref_squeeze %dma_start3A_290 : memref<1x1x128xi32, #tpu.memory_space<vmem>> -> memref<128xi32, #tpu.memory_space<vmem>>
          %dma_start3A_292 = arith.constant 0 : i32
          %dma_start3A_293 = arith.constant 0 : i32
          %dma_start3A_294 = tpu.memref_slice %arg2[%dma_start3A_292, %dma_start3A_293] : memref<10240x128xf32, #tpu.memory_space<hbm>> -> memref<10240x128xf32, #tpu.memory_space<hbm>>
          tpu.enqueue_indirect_dma source(%dma_start3A_294 : memref<10240x128xf32, #tpu.memory_space<hbm>>) target(%arg7 : memref<128x128xf32, #tpu.memory_space<vmem>>) offsets(%dma_start3A_291 : memref<128xi32, #tpu.memory_space<vmem>>) semaphore(%arg10 : memref<!tpu.dma_semaphore, #tpu.memory_space<semaphore_mem>>)
        } else {
        }
      } else {
      }
    }
    %scan3A_38 = arith.constant 20 : i32
    %dma_wait3A = arith.constant 3 : i32
    %dma_wait3A_39 = arith.constant 1 : i32
    %dma_wait3A_40 = arith.constant 0 : i32
    %dma_wait3A_41 = tpu.memref_slice %arg6[%dma_wait3A, %dma_wait3A_39, %dma_wait3A_40] : memref<4x2x128xi32, #tpu.memory_space<vmem>> -> memref<1x1x128xi32, #tpu.memory_space<vmem>>
    %dma_wait3A_42 = tpu.memref_squeeze %dma_wait3A_41 : memref<1x1x128xi32, #tpu.memory_space<vmem>> -> memref<128xi32, #tpu.memory_space<vmem>>
    %dma_wait3A_43 = arith.constant 0 : i32
    %dma_wait3A_44 = arith.constant 0 : i32
    %dma_wait3A_45 = tpu.memref_slice %arg9[%dma_wait3A_43, %dma_wait3A_44] : memref<10240x128xf32, #tpu.memory_space<vmem_shared>> -> memref<10240x128xf32, #tpu.memory_space<vmem_shared>>
    tpu.wait_indirect_dma semaphore(%arg13 : memref<!tpu.dma_semaphore, #tpu.memory_space<semaphore_mem>>) src(%arg8 : memref<128x128xf32, #tpu.memory_space<vmem>>) dst(%dma_wait3A_45 : memref<10240x128xf32, #tpu.memory_space<vmem_shared>>)
    %barrier3A_46 = arith.constant 0 : index
    tpu.barrier barrier_id(%barrier3A_46)
    %mul3A_47 = arith.constant 640 : i32
    %mul3A_48 = arith.muli %arg1, %mul3A_47 : i32
    %mul3A_49 = arith.constant 640 : i32
    %mul3A_50 = arith.muli %arg1, %mul3A_49 : i32
    "tpu.region"() ({
      %run_scoped3A_51 = tpu.sem_alloc : memref<!tpu.dma_semaphore, #tpu.memory_space<semaphore_mem>>
      %dma_start3A_52 = arith.constant 0 : i32
      %dma_start3A_53 = tpu.memref_slice %arg5[%arg0, %mul3A_50, %dma_start3A_52] : memref<2x10240x128xf32, #tpu.memory_space<hbm>> -> memref<1x640x128xf32, #tpu.memory_space<hbm>>
      %dma_start3A_54 = tpu.memref_squeeze %dma_start3A_53 : memref<1x640x128xf32, #tpu.memory_space<hbm>> -> memref<640x128xf32, #tpu.memory_space<hbm>>
      %dma_start3A_55 = arith.constant 0 : i32
      %dma_start3A_56 = tpu.memref_slice %arg9[%mul3A_48, %dma_start3A_55] : memref<10240x128xf32, #tpu.memory_space<vmem_shared>> -> memref<640x128xf32, #tpu.memory_space<vmem_shared>>
      tpu.enqueue_dma source(%dma_start3A_56 : memref<640x128xf32, #tpu.memory_space<vmem_shared>>) target(%dma_start3A_54 : memref<640x128xf32, #tpu.memory_space<hbm>>) target_semaphore(%run_scoped3A_51 : memref<!tpu.dma_semaphore, #tpu.memory_space<semaphore_mem>>)
      %dma_wait3A_57 = arith.constant 0 : i32
      %dma_wait3A_58 = tpu.memref_slice %arg5[%arg0, %mul3A_50, %dma_wait3A_57] : memref<2x10240x128xf32, #tpu.memory_space<hbm>> -> memref<1x640x128xf32, #tpu.memory_space<hbm>>
      %dma_wait3A_59 = tpu.memref_squeeze %dma_wait3A_58 : memref<1x640x128xf32, #tpu.memory_space<hbm>> -> memref<640x128xf32, #tpu.memory_space<hbm>>
      %dma_wait3A_60 = arith.constant 0 : i32
      %dma_wait3A_61 = tpu.memref_slice %arg9[%mul3A_48, %dma_wait3A_60] : memref<10240x128xf32, #tpu.memory_space<vmem_shared>> -> memref<640x128xf32, #tpu.memory_space<vmem_shared>>
      tpu.wait_dma2 semaphore(%run_scoped3A_51 : memref<!tpu.dma_semaphore, #tpu.memory_space<semaphore_mem>>) src(%dma_wait3A_61 : memref<640x128xf32, #tpu.memory_space<vmem_shared>>) dst(%dma_wait3A_59 : memref<640x128xf32, #tpu.memory_space<hbm>>)
      tpu.yield
    }) : () -> ()
    return
  }
}

#map = affine_map<(d0, d1) -> (0, 0)>
#map1 = affine_map<(d0, d1) -> (0, 0, 0)>
module attributes {stable_mosaic.version = 14 : i64} {
  func.func @_sc_degree_body(%arg0: i32, %arg1: i32, %arg2: memref<32x10000xi32, #tpu.memory_space<hbm>>, %arg3: memref<80x128xf32, #tpu.memory_space<hbm>>, %arg4: memref<32x80x128xf32, #tpu.memory_space<hbm>>, %arg5: memref<10000xi32, #tpu.memory_space<vmem>>, %arg6: memref<80x128xf32, #tpu.memory_space<vmem>>) attributes {dimension_semantics = [#tpu.dimension_semantics<core_parallel>, #tpu.dimension_semantics<subcore_parallel>], iteration_bounds = array<i64: 2, 16>, scalar_prefetch = 0 : i64, scratch_operands = 2 : i64, tpu.core_type = #tpu.core_type<sc_vector_subcore>, window_params = [{transform_indices = #map}, {transform_indices = #map}, {transform_indices = #map1}]} {
    %mul3A = arith.constant 16 : i32
    %mul3A_0 = arith.muli %arg0, %mul3A : i32
    %add3A = arith.addi %mul3A_0, %arg1 : i32
    "tpu.region"() ({
      %run_scoped3A = tpu.sem_alloc : memref<!tpu.dma_semaphore, #tpu.memory_space<semaphore_mem>>
      %dma_start3A = arith.constant 0 : i32
      %dma_start3A_7 = tpu.memref_slice %arg2[%add3A, %dma_start3A] : memref<32x10000xi32, #tpu.memory_space<hbm>> -> memref<1x10000xi32, #tpu.memory_space<hbm>>
      %dma_start3A_8 = tpu.memref_squeeze %dma_start3A_7 : memref<1x10000xi32, #tpu.memory_space<hbm>> -> memref<10000xi32, #tpu.memory_space<hbm>>
      %dma_start3A_9 = arith.constant 0 : i32
      %dma_start3A_10 = tpu.memref_slice %arg2[%add3A, %dma_start3A_9] : memref<32x10000xi32, #tpu.memory_space<hbm>> -> memref<1x10000xi32, #tpu.memory_space<hbm>>
      %dma_start3A_11 = tpu.memref_squeeze %dma_start3A_10 : memref<1x10000xi32, #tpu.memory_space<hbm>> -> memref<10000xi32, #tpu.memory_space<hbm>>
      tpu.enqueue_dma source(%dma_start3A_11 : memref<10000xi32, #tpu.memory_space<hbm>>) target(%arg5 : memref<10000xi32, #tpu.memory_space<vmem>>) target_semaphore(%run_scoped3A : memref<!tpu.dma_semaphore, #tpu.memory_space<semaphore_mem>>)
      %dma_wait3A = arith.constant 0 : i32
      %dma_wait3A_12 = tpu.memref_slice %arg2[%add3A, %dma_wait3A] : memref<32x10000xi32, #tpu.memory_space<hbm>> -> memref<1x10000xi32, #tpu.memory_space<hbm>>
      %dma_wait3A_13 = tpu.memref_squeeze %dma_wait3A_12 : memref<1x10000xi32, #tpu.memory_space<hbm>> -> memref<10000xi32, #tpu.memory_space<hbm>>
      %dma_wait3A_14 = arith.constant 0 : i32
      %dma_wait3A_15 = tpu.memref_slice %arg2[%add3A, %dma_wait3A_14] : memref<32x10000xi32, #tpu.memory_space<hbm>> -> memref<1x10000xi32, #tpu.memory_space<hbm>>
      %dma_wait3A_16 = tpu.memref_squeeze %dma_wait3A_15 : memref<1x10000xi32, #tpu.memory_space<hbm>> -> memref<10000xi32, #tpu.memory_space<hbm>>
      tpu.wait_dma2 semaphore(%run_scoped3A : memref<!tpu.dma_semaphore, #tpu.memory_space<semaphore_mem>>) src(%dma_wait3A_16 : memref<10000xi32, #tpu.memory_space<hbm>>) dst(%arg5 : memref<10000xi32, #tpu.memory_space<vmem>>)
      tpu.yield
    }) : () -> ()
    "tpu.region"() ({
      %run_scoped3A = tpu.sem_alloc : memref<!tpu.dma_semaphore, #tpu.memory_space<semaphore_mem>>
      tpu.enqueue_dma source(%arg3 : memref<80x128xf32, #tpu.memory_space<hbm>>) target(%arg6 : memref<80x128xf32, #tpu.memory_space<vmem>>) target_semaphore(%run_scoped3A : memref<!tpu.dma_semaphore, #tpu.memory_space<semaphore_mem>>)
      tpu.wait_dma2 semaphore(%run_scoped3A : memref<!tpu.dma_semaphore, #tpu.memory_space<semaphore_mem>>) src(%arg3 : memref<80x128xf32, #tpu.memory_space<hbm>>) dst(%arg6 : memref<80x128xf32, #tpu.memory_space<vmem>>)
      tpu.yield
    }) : () -> ()
    %broadcast_in_dim3A = arith.constant 1.000000e+00 : f32
    %broadcast_in_dim3A_1 = vector.broadcast %broadcast_in_dim3A : f32 to vector<16xf32>
    %scan3A = arith.constant 0 : i32
    %scan3A_2 = arith.constant 0 : i32
    %scan3A_3 = arith.constant 625 : i32
    %scan3A_4 = arith.addi %scan3A_2, %scan3A_3 : i32
    %scan3A_5 = arith.constant 1 : i32
    scf.for %scan3A_7 = %scan3A_2 to %scan3A_4 step %scan3A_5  : i32 {
      %mul3A_8 = arith.constant 16 : i32
      %mul3A_9 = arith.muli %scan3A_7, %mul3A_8 : i32
      %get3A = arith.index_cast %mul3A_9 : i32 to index
      %get3A_10 = tpu.vector_load %arg5[%get3A] {strides = array<i32>} : memref<10000xi32, #tpu.memory_space<vmem>>, vector<16xi32>,
      %shift_right_logical3A = arith.constant 7 : i32
      %shift_right_logical3A_11 = vector.broadcast %shift_right_logical3A : i32 to vector<16xi32>
      %shift_right_logical3A_12 = arith.shrui %get3A_10, %shift_right_logical3A_11 : vector<16xi32>
      %and3A = arith.constant 127 : i32
      %and3A_13 = vector.broadcast %and3A : i32 to vector<16xi32>
      %and3A_14 = arith.andi %get3A_10, %and3A_13 : vector<16xi32>
      tpu.vector_store_idx %arg6[%shift_right_logical3A_12, %and3A_14], %broadcast_in_dim3A_1 {add = true} : memref<80x128xf32, #tpu.memory_space<vmem>>[vector<16xi32>, vector<16xi32>], vector<16xf32>,
    }
    %scan3A_6 = arith.constant 625 : i32
    "tpu.region"() ({
      %run_scoped3A = tpu.sem_alloc : memref<!tpu.dma_semaphore, #tpu.memory_space<semaphore_mem>>
      %dma_start3A = arith.constant 0 : i32
      %dma_start3A_7 = arith.constant 0 : i32
      %dma_start3A_8 = tpu.memref_slice %arg4[%add3A, %dma_start3A, %dma_start3A_7] : memref<32x80x128xf32, #tpu.memory_space<hbm>> -> memref<1x80x128xf32, #tpu.memory_space<hbm>>
      %dma_start3A_9 = tpu.memref_squeeze %dma_start3A_8 : memref<1x80x128xf32, #tpu.memory_space<hbm>> -> memref<80x128xf32, #tpu.memory_space<hbm>>
      %dma_start3A_10 = arith.constant 0 : i32
      %dma_start3A_11 = arith.constant 0 : i32
      %dma_start3A_12 = tpu.memref_slice %arg4[%add3A, %dma_start3A_10, %dma_start3A_11] : memref<32x80x128xf32, #tpu.memory_space<hbm>> -> memref<1x80x128xf32, #tpu.memory_space<hbm>>
      %dma_start3A_13 = tpu.memref_squeeze %dma_start3A_12 : memref<1x80x128xf32, #tpu.memory_space<hbm>> -> memref<80x128xf32, #tpu.memory_space<hbm>>
      tpu.enqueue_dma source(%arg6 : memref<80x128xf32, #tpu.memory_space<vmem>>) target(%dma_start3A_13 : memref<80x128xf32, #tpu.memory_space<hbm>>) target_semaphore(%run_scoped3A : memref<!tpu.dma_semaphore, #tpu.memory_space<semaphore_mem>>)
      %dma_wait3A = arith.constant 0 : i32
      %dma_wait3A_14 = arith.constant 0 : i32
      %dma_wait3A_15 = tpu.memref_slice %arg4[%add3A, %dma_wait3A, %dma_wait3A_14] : memref<32x80x128xf32, #tpu.memory_space<hbm>> -> memref<1x80x128xf32, #tpu.memory_space<hbm>>
      %dma_wait3A_16 = tpu.memref_squeeze %dma_wait3A_15 : memref<1x80x128xf32, #tpu.memory_space<hbm>> -> memref<80x128xf32, #tpu.memory_space<hbm>>
      %dma_wait3A_17 = arith.constant 0 : i32
      %dma_wait3A_18 = arith.constant 0 : i32
      %dma_wait3A_19 = tpu.memref_slice %arg4[%add3A, %dma_wait3A_17, %dma_wait3A_18] : memref<32x80x128xf32, #tpu.memory_space<hbm>> -> memref<1x80x128xf32, #tpu.memory_space<hbm>>
      %dma_wait3A_20 = tpu.memref_squeeze %dma_wait3A_19 : memref<1x80x128xf32, #tpu.memory_space<hbm>> -> memref<80x128xf32, #tpu.memory_space<hbm>>
      tpu.wait_dma2 semaphore(%run_scoped3A : memref<!tpu.dma_semaphore, #tpu.memory_space<semaphore_mem>>) src(%arg6 : memref<80x128xf32, #tpu.memory_space<vmem>>) dst(%dma_wait3A_20 : memref<80x128xf32, #tpu.memory_space<hbm>>)
      tpu.yield
    }) : () -> ()
    return
  }
}

#map = affine_map<(d0, d1) -> (0, 0)>
#map1 = affine_map<(d0, d1) -> (0, 0, 0, 0)>
#map2 = affine_map<(d0, d1) -> (0, 0, 0)>
module attributes {stable_mosaic.version = 14 : i64} {
  func.func @_sc_edge_body(%arg0: i32, %arg1: i32, %arg2: memref<10240x128xf32, #tpu.memory_space<hbm>>, %arg3: memref<32x80x2x128xi32, #tpu.memory_space<hbm>>, %arg4: memref<10240x128xf32, #tpu.memory_space<hbm>>, %arg5: memref<2x10240x128xf32, #tpu.memory_space<hbm>>, %arg6: memref<4x2x128xi32, #tpu.memory_space<vmem>>, %arg7: memref<128x128xf32, #tpu.memory_space<vmem>>, %arg8: memref<128x128xf32, #tpu.memory_space<vmem>>, %arg9: memref<10240x128xf32, #tpu.memory_space<vmem_shared>>, %arg10: memref<!tpu.dma_semaphore, #tpu.memory_space<semaphore_mem>>, %arg11: memref<!tpu.dma_semaphore, #tpu.memory_space<semaphore_mem>>, %arg12: memref<!tpu.dma_semaphore, #tpu.memory_space<semaphore_mem>>, %arg13: memref<!tpu.dma_semaphore, #tpu.memory_space<semaphore_mem>>, %arg14: memref<!tpu.dma_semaphore, #tpu.memory_space<semaphore_mem>>) attributes {dimension_semantics = [#tpu.dimension_semantics<core_parallel>, #tpu.dimension_semantics<subcore_parallel>], iteration_bounds = array<i64: 2, 16>, scalar_prefetch = 0 : i64, scratch_operands = 9 : i64, tpu.core_type = #tpu.core_type<sc_vector_subcore>, window_params = [{transform_indices = #map}, {transform_indices = #map1}, {transform_indices = #map}, {transform_indices = #map2}]} {
    %mul3A = arith.constant 16 : i32
    %mul3A_0 = arith.muli %arg0, %mul3A : i32
    %add3A = arith.addi %mul3A_0, %arg1 : i32
    %run_scoped3A = arith.constant 0 : i32
    %run_scoped3A_1 = arith.constant 0 : i32
    "tpu.region"() ({
      %run_scoped3A_51 = tpu.sem_alloc : memref<!tpu.dma_semaphore, #tpu.memory_space<semaphore_mem>>
      %dma_start3A_52 = arith.constant 0 : i32
      %dma_start3A_53 = arith.constant 0 : i32
      %dma_start3A_54 = tpu.memref_slice %arg6[%run_scoped3A_1, %dma_start3A_52, %dma_start3A_53] : memref<4x2x128xi32, #tpu.memory_space<vmem>> -> memref<1x2x128xi32, #tpu.memory_space<vmem>>
      %dma_start3A_55 = tpu.memref_squeeze %dma_start3A_54 : memref<1x2x128xi32, #tpu.memory_space<vmem>> -> memref<2x128xi32, #tpu.memory_space<vmem>>
      %dma_start3A_56 = arith.constant 0 : i32
      %dma_start3A_57 = arith.constant 0 : i32
      %dma_start3A_58 = tpu.memref_slice %arg3[%add3A, %run_scoped3A, %dma_start3A_56, %dma_start3A_57] : memref<32x80x2x128xi32, #tpu.memory_space<hbm>> -> memref<1x1x2x128xi32, #tpu.memory_space<hbm>>
      %dma_start3A_59 = tpu.memref_squeeze %dma_start3A_58 : memref<1x1x2x128xi32, #tpu.memory_space<hbm>> -> memref<2x128xi32, #tpu.memory_space<hbm>>
      %dma_start3A_60 = arith.constant 0 : i32
      %dma_start3A_61 = arith.constant 0 : i32
      %dma_start3A_62 = tpu.memref_slice %arg6[%run_scoped3A_1, %dma_start3A_60, %dma_start3A_61] : memref<4x2x128xi32, #tpu.memory_space<vmem>> -> memref<1x2x128xi32, #tpu.memory_space<vmem>>
      %dma_start3A_63 = tpu.memref_squeeze %dma_start3A_62 : memref<1x2x128xi32, #tpu.memory_space<vmem>> -> memref<2x128xi32, #tpu.memory_space<vmem>>
      %dma_start3A_64 = arith.constant 0 : i32
      %dma_start3A_65 = arith.constant 0 : i32
      %dma_start3A_66 = tpu.memref_slice %arg3[%add3A, %run_scoped3A, %dma_start3A_64, %dma_start3A_65] : memref<32x80x2x128xi32, #tpu.memory_space<hbm>> -> memref<1x1x2x128xi32, #tpu.memory_space<hbm>>
      %dma_start3A_67 = tpu.memref_squeeze %dma_start3A_66 : memref<1x1x2x128xi32, #tpu.memory_space<hbm>> -> memref<2x128xi32, #tpu.memory_space<hbm>>
      tpu.enqueue_dma source(%dma_start3A_67 : memref<2x128xi32, #tpu.memory_space<hbm>>) target(%dma_start3A_63 : memref<2x128xi32, #tpu.memory_space<vmem>>) target_semaphore(%run_scoped3A_51 : memref<!tpu.dma_semaphore, #tpu.memory_space<semaphore_mem>>)
      %dma_wait3A_68 = arith.constant 0 : i32
      %dma_wait3A_69 = arith.constant 0 : i32
      %dma_wait3A_70 = tpu.memref_slice %arg6[%run_scoped3A_1, %dma_wait3A_68, %dma_wait3A_69] : memref<4x2x128xi32, #tpu.memory_space<vmem>> -> memref<1x2x128xi32, #tpu.memory_space<vmem>>
      %dma_wait3A_71 = tpu.memref_squeeze %dma_wait3A_70 : memref<1x2x128xi32, #tpu.memory_space<vmem>> -> memref<2x128xi32, #tpu.memory_space<vmem>>
      %dma_wait3A_72 = arith.constant 0 : i32
      %dma_wait3A_73 = arith.constant 0 : i32
      %dma_wait3A_74 = tpu.memref_slice %arg3[%add3A, %run_scoped3A, %dma_wait3A_72, %dma_wait3A_73] : memref<32x80x2x128xi32, #tpu.memory_space<hbm>> -> memref<1x1x2x128xi32, #tpu.memory_space<hbm>>
      %dma_wait3A_75 = tpu.memref_squeeze %dma_wait3A_74 : memref<1x1x2x128xi32, #tpu.memory_space<hbm>> -> memref<2x128xi32, #tpu.memory_space<hbm>>
      %dma_wait3A_76 = arith.constant 0 : i32
      %dma_wait3A_77 = arith.constant 0 : i32
      %dma_wait3A_78 = tpu.memref_slice %arg6[%run_scoped3A_1, %dma_wait3A_76, %dma_wait3A_77] : memref<4x2x128xi32, #tpu.memory_space<vmem>> -> memref<1x2x128xi32, #tpu.memory_space<vmem>>
      %dma_wait3A_79 = tpu.memref_squeeze %dma_wait3A_78 : memref<1x2x128xi32, #tpu.memory_space<vmem>> -> memref<2x128xi32, #tpu.memory_space<vmem>>
      %dma_wait3A_80 = arith.constant 0 : i32
      %dma_wait3A_81 = arith.constant 0 : i32
      %dma_wait3A_82 = tpu.memref_slice %arg3[%add3A, %run_scoped3A, %dma_wait3A_80, %dma_wait3A_81] : memref<32x80x2x128xi32, #tpu.memory_space<hbm>> -> memref<1x1x2x128xi32, #tpu.memory_space<hbm>>
      %dma_wait3A_83 = tpu.memref_squeeze %dma_wait3A_82 : memref<1x1x2x128xi32, #tpu.memory_space<hbm>> -> memref<2x128xi32, #tpu.memory_space<hbm>>
      tpu.wait_dma2 semaphore(%run_scoped3A_51 : memref<!tpu.dma_semaphore, #tpu.memory_space<semaphore_mem>>) src(%dma_wait3A_83 : memref<2x128xi32, #tpu.memory_space<hbm>>) dst(%dma_wait3A_79 : memref<2x128xi32, #tpu.memory_space<vmem>>)
      tpu.yield
    }) : () -> ()
    %dma_start3A = arith.constant 0 : i32
    %dma_start3A_2 = arith.constant 0 : i32
    %dma_start3A_3 = arith.constant 0 : i32
    %dma_start3A_4 = tpu.memref_slice %arg6[%dma_start3A, %dma_start3A_2, %dma_start3A_3] : memref<4x2x128xi32, #tpu.memory_space<vmem>> -> memref<1x1x128xi32, #tpu.memory_space<vmem>>
    %dma_start3A_5 = tpu.memref_squeeze %dma_start3A_4 : memref<1x1x128xi32, #tpu.memory_space<vmem>> -> memref<128xi32, #tpu.memory_space<vmem>>
    %dma_start3A_6 = arith.constant 0 : i32
    %dma_start3A_7 = arith.constant 0 : i32
    %dma_start3A_8 = tpu.memref_slice %arg2[%dma_start3A_6, %dma_start3A_7] : memref<10240x128xf32, #tpu.memory_space<hbm>> -> memref<10240x128xf32, #tpu.memory_space<hbm>>
    tpu.enqueue_indirect_dma source(%dma_start3A_8 : memref<10240x128xf32, #tpu.memory_space<hbm>>) target(%arg7 : memref<128x128xf32, #tpu.memory_space<vmem>>) offsets(%dma_start3A_5 : memref<128xi32, #tpu.memory_space<vmem>>) semaphore(%arg10 : memref<!tpu.dma_semaphore, #tpu.memory_space<semaphore_mem>>)
    %dma_start3A_9 = arith.constant 1 : i32
    %dma_start3A_10 = arith.constant 1 : i32
    %dma_start3A_11 = arith.constant 0 : i32
    %dma_start3A_12 = arith.constant 0 : i32
    %dma_start3A_13 = tpu.memref_slice %arg6[%dma_start3A_10, %dma_start3A_11, %dma_start3A_12] : memref<4x2x128xi32, #tpu.memory_space<vmem>> -> memref<1x2x128xi32, #tpu.memory_space<vmem>>
    %dma_start3A_14 = tpu.memref_squeeze %dma_start3A_13 : memref<1x2x128xi32, #tpu.memory_space<vmem>> -> memref<2x128xi32, #tpu.memory_space<vmem>>
    %dma_start3A_15 = arith.constant 0 : i32
    %dma_start3A_16 = arith.constant 0 : i32
    %dma_start3A_17 = tpu.memref_slice %arg3[%add3A, %dma_start3A_9, %dma_start3A_15, %dma_start3A_16] : memref<32x80x2x128xi32, #tpu.memory_space<hbm>> -> memref<1x1x2x128xi32, #tpu.memory_space<hbm>>
    %dma_start3A_18 = tpu.memref_squeeze %dma_start3A_17 : memref<1x1x2x128xi32, #tpu.memory_space<hbm>> -> memref<2x128xi32, #tpu.memory_space<hbm>>
    %dma_start3A_19 = arith.constant 0 : i32
    %dma_start3A_20 = arith.constant 0 : i32
    %dma_start3A_21 = tpu.memref_slice %arg6[%dma_start3A_10, %dma_start3A_19, %dma_start3A_20] : memref<4x2x128xi32, #tpu.memory_space<vmem>> -> memref<1x2x128xi32, #tpu.memory_space<vmem>>
    %dma_start3A_22 = tpu.memref_squeeze %dma_start3A_21 : memref<1x2x128xi32, #tpu.memory_space<vmem>> -> memref<2x128xi32, #tpu.memory_space<vmem>>
    %dma_start3A_23 = arith.constant 0 : i32
    %dma_start3A_24 = arith.constant 0 : i32
    %dma_start3A_25 = tpu.memref_slice %arg3[%add3A, %dma_start3A_9, %dma_start3A_23, %dma_start3A_24] : memref<32x80x2x128xi32, #tpu.memory_space<hbm>> -> memref<1x1x2x128xi32, #tpu.memory_space<hbm>>
    %dma_start3A_26 = tpu.memref_squeeze %dma_start3A_25 : memref<1x1x2x128xi32, #tpu.memory_space<hbm>> -> memref<2x128xi32, #tpu.memory_space<hbm>>
    tpu.enqueue_dma source(%dma_start3A_26 : memref<2x128xi32, #tpu.memory_space<hbm>>) target(%dma_start3A_22 : memref<2x128xi32, #tpu.memory_space<vmem>>) target_semaphore(%arg14 : memref<!tpu.dma_semaphore, #tpu.memory_space<semaphore_mem>>)
    %eq3A = arith.constant 0 : i32
    %eq3A_27 = arith.cmpi eq, %arg0, %eq3A : i32
    %convert_element_type3A = arith.extui %eq3A_27 : i1 to i32
    %cond3A = arith.constant 0 : i32
    %cond3A_28 = arith.cmpi ne, %convert_element_type3A, %cond3A : i32
    scf.if %cond3A_28 {
      %mul3A_51 = arith.constant 640 : i32
      %mul3A_52 = arith.muli %arg1, %mul3A_51 : i32
      %mul3A_53 = arith.constant 640 : i32
      %mul3A_54 = arith.muli %arg1, %mul3A_53 : i32
      "tpu.region"() ({
        %run_scoped3A_55 = tpu.sem_alloc : memref<!tpu.dma_semaphore, #tpu.memory_space<semaphore_mem>>
        %dma_start3A_56 = arith.constant 0 : i32
        %dma_start3A_57 = tpu.memref_slice %arg9[%mul3A_54, %dma_start3A_56] : memref<10240x128xf32, #tpu.memory_space<vmem_shared>> -> memref<640x128xf32, #tpu.memory_space<vmem_shared>>
        %dma_start3A_58 = arith.constant 0 : i32
        %dma_start3A_59 = tpu.memref_slice %arg2[%mul3A_52, %dma_start3A_58] : memref<10240x128xf32, #tpu.memory_space<hbm>> -> memref<640x128xf32, #tpu.memory_space<hbm>>
        tpu.enqueue_dma source(%dma_start3A_59 : memref<640x128xf32, #tpu.memory_space<hbm>>) target(%dma_start3A_57 : memref<640x128xf32, #tpu.memory_space<vmem_shared>>) target_semaphore(%run_scoped3A_55 : memref<!tpu.dma_semaphore, #tpu.memory_space<semaphore_mem>>)
        %dma_wait3A_60 = arith.constant 0 : i32
        %dma_wait3A_61 = tpu.memref_slice %arg9[%mul3A_54, %dma_wait3A_60] : memref<10240x128xf32, #tpu.memory_space<vmem_shared>> -> memref<640x128xf32, #tpu.memory_space<vmem_shared>>
        %dma_wait3A_62 = arith.constant 0 : i32
        %dma_wait3A_63 = tpu.memref_slice %arg2[%mul3A_52, %dma_wait3A_62] : memref<10240x128xf32, #tpu.memory_space<hbm>> -> memref<640x128xf32, #tpu.memory_space<hbm>>
        tpu.wait_dma2 semaphore(%run_scoped3A_55 : memref<!tpu.dma_semaphore, #tpu.memory_space<semaphore_mem>>) src(%dma_wait3A_63 : memref<640x128xf32, #tpu.memory_space<hbm>>) dst(%dma_wait3A_61 : memref<640x128xf32, #tpu.memory_space<vmem_shared>>)
        tpu.yield
      }) : () -> ()
    } else {
    }
    %eq3A_29 = arith.constant 1 : i32
    %eq3A_30 = arith.cmpi eq, %arg0, %eq3A_29 : i32
    %convert_element_type3A_31 = arith.extui %eq3A_30 : i1 to i32
    %cond3A_32 = arith.constant 0 : i32
    %cond3A_33 = arith.cmpi ne, %convert_element_type3A_31, %cond3A_32 : i32
    scf.if %cond3A_33 {
      %mul3A_51 = arith.constant 640 : i32
      %mul3A_52 = arith.muli %arg1, %mul3A_51 : i32
      %mul3A_53 = arith.constant 640 : i32
      %mul3A_54 = arith.muli %arg1, %mul3A_53 : i32
      "tpu.region"() ({
        %run_scoped3A_55 = tpu.sem_alloc : memref<!tpu.dma_semaphore, #tpu.memory_space<semaphore_mem>>
        %dma_start3A_56 = arith.constant 0 : i32
        %dma_start3A_57 = tpu.memref_slice %arg9[%mul3A_54, %dma_start3A_56] : memref<10240x128xf32, #tpu.memory_space<vmem_shared>> -> memref<640x128xf32, #tpu.memory_space<vmem_shared>>
        %dma_start3A_58 = arith.constant 0 : i32
        %dma_start3A_59 = tpu.memref_slice %arg4[%mul3A_52, %dma_start3A_58] : memref<10240x128xf32, #tpu.memory_space<hbm>> -> memref<640x128xf32, #tpu.memory_space<hbm>>
        tpu.enqueue_dma source(%dma_start3A_59 : memref<640x128xf32, #tpu.memory_space<hbm>>) target(%dma_start3A_57 : memref<640x128xf32, #tpu.memory_space<vmem_shared>>) target_semaphore(%run_scoped3A_55 : memref<!tpu.dma_semaphore, #tpu.memory_space<semaphore_mem>>)
        %dma_wait3A_60 = arith.constant 0 : i32
        %dma_wait3A_61 = tpu.memref_slice %arg9[%mul3A_54, %dma_wait3A_60] : memref<10240x128xf32, #tpu.memory_space<vmem_shared>> -> memref<640x128xf32, #tpu.memory_space<vmem_shared>>
        %dma_wait3A_62 = arith.constant 0 : i32
        %dma_wait3A_63 = tpu.memref_slice %arg4[%mul3A_52, %dma_wait3A_62] : memref<10240x128xf32, #tpu.memory_space<hbm>> -> memref<640x128xf32, #tpu.memory_space<hbm>>
        tpu.wait_dma2 semaphore(%run_scoped3A_55 : memref<!tpu.dma_semaphore, #tpu.memory_space<semaphore_mem>>) src(%dma_wait3A_63 : memref<640x128xf32, #tpu.memory_space<hbm>>) dst(%dma_wait3A_61 : memref<640x128xf32, #tpu.memory_space<vmem_shared>>)
        tpu.yield
      }) : () -> ()
    } else {
    }
    %barrier3A = arith.constant 0 : index
    tpu.barrier barrier_id(%barrier3A)
    %scan3A = arith.constant 0 : i32
    %scan3A_34 = arith.constant 0 : i32
    %scan3A_35 = arith.constant 20 : i32
    %scan3A_36 = arith.addi %scan3A_34, %scan3A_35 : i32
    %scan3A_37 = arith.constant 1 : i32
    scf.for %scan3A_51 = %scan3A_34 to %scan3A_36 step %scan3A_37  : i32 {
      %mul3A_52 = arith.constant 4 : i32
      %mul3A_53 = arith.muli %mul3A_52, %scan3A_51 : i32
      %dma_wait3A_54 = arith.constant 0 : i32
      %dma_wait3A_55 = arith.constant 0 : i32
      %dma_wait3A_56 = arith.constant 0 : i32
      %dma_wait3A_57 = tpu.memref_slice %arg6[%dma_wait3A_54, %dma_wait3A_55, %dma_wait3A_56] : memref<4x2x128xi32, #tpu.memory_space<vmem>> -> memref<1x1x128xi32, #tpu.memory_space<vmem>>
      %dma_wait3A_58 = tpu.memref_squeeze %dma_wait3A_57 : memref<1x1x128xi32, #tpu.memory_space<vmem>> -> memref<128xi32, #tpu.memory_space<vmem>>
      %dma_wait3A_59 = arith.constant 0 : i32
      %dma_wait3A_60 = arith.constant 0 : i32
      %dma_wait3A_61 = tpu.memref_slice %arg2[%dma_wait3A_59, %dma_wait3A_60] : memref<10240x128xf32, #tpu.memory_space<hbm>> -> memref<10240x128xf32, #tpu.memory_space<hbm>>
      tpu.wait_indirect_dma semaphore(%arg10 : memref<!tpu.dma_semaphore, #tpu.memory_space<semaphore_mem>>) src(%dma_wait3A_61 : memref<10240x128xf32, #tpu.memory_space<hbm>>) dst(%arg7 : memref<128x128xf32, #tpu.memory_space<vmem>>)
      %dma_start3A_62 = arith.constant 0 : i32
      %dma_start3A_63 = arith.constant 1 : i32
      %dma_start3A_64 = arith.constant 0 : i32
      %dma_start3A_65 = tpu.memref_slice %arg6[%dma_start3A_62, %dma_start3A_63, %dma_start3A_64] : memref<4x2x128xi32, #tpu.memory_space<vmem>> -> memref<1x1x128xi32, #tpu.memory_space<vmem>>
      %dma_start3A_66 = tpu.memref_squeeze %dma_start3A_65 : memref<1x1x128xi32, #tpu.memory_space<vmem>> -> memref<128xi32, #tpu.memory_space<vmem>>
      %dma_start3A_67 = arith.constant 0 : i32
      %dma_start3A_68 = arith.constant 0 : i32
      %dma_start3A_69 = tpu.memref_slice %arg9[%dma_start3A_67, %dma_start3A_68] : memref<10240x128xf32, #tpu.memory_space<vmem_shared>> -> memref<10240x128xf32, #tpu.memory_space<vmem_shared>>
      tpu.enqueue_indirect_dma source(%arg7 : memref<128x128xf32, #tpu.memory_space<vmem>>) target(%dma_start3A_69 : memref<10240x128xf32, #tpu.memory_space<vmem_shared>>) offsets(%dma_start3A_66 : memref<128xi32, #tpu.memory_space<vmem>>) semaphore(%arg12 : memref<!tpu.dma_semaphore, #tpu.memory_space<semaphore_mem>>) {add = true}
      %add3A_70 = arith.constant 2 : i32
      %add3A_71 = arith.addi %mul3A_53, %add3A_70 : i32
      %lt3A = arith.constant 80 : i32
      %lt3A_72 = arith.cmpi slt, %add3A_71, %lt3A : i32
      %convert_element_type3A_73 = arith.extui %lt3A_72 : i1 to i32
      %cond3A_74 = arith.constant 0 : i32
      %cond3A_75 = arith.cmpi ne, %convert_element_type3A_73, %cond3A_74 : i32
      scf.if %cond3A_75 {
        %add3A_145 = arith.constant 2 : i32
        %add3A_146 = arith.addi %mul3A_53, %add3A_145 : i32
        %dma_start3A_147 = arith.constant 2 : i32
        %dma_start3A_148 = arith.constant 0 : i32
        %dma_start3A_149 = arith.constant 0 : i32
        %dma_start3A_150 = tpu.memref_slice %arg6[%dma_start3A_147, %dma_start3A_148, %dma_start3A_149] : memref<4x2x128xi32, #tpu.memory_space<vmem>> -> memref<1x2x128xi32, #tpu.memory_space<vmem>>
        %dma_start3A_151 = tpu.memref_squeeze %dma_start3A_150 : memref<1x2x128xi32, #tpu.memory_space<vmem>> -> memref<2x128xi32, #tpu.memory_space<vmem>>
        %dma_start3A_152 = arith.constant 0 : i32
        %dma_start3A_153 = arith.constant 0 : i32
        %dma_start3A_154 = tpu.memref_slice %arg3[%add3A, %add3A_146, %dma_start3A_152, %dma_start3A_153] : memref<32x80x2x128xi32, #tpu.memory_space<hbm>> -> memref<1x1x2x128xi32, #tpu.memory_space<hbm>>
        %dma_start3A_155 = tpu.memref_squeeze %dma_start3A_154 : memref<1x1x2x128xi32, #tpu.memory_space<hbm>> -> memref<2x128xi32, #tpu.memory_space<hbm>>
        %dma_start3A_156 = arith.constant 0 : i32
        %dma_start3A_157 = arith.constant 0 : i32
        %dma_start3A_158 = tpu.memref_slice %arg6[%dma_start3A_147, %dma_start3A_156, %dma_start3A_157] : memref<4x2x128xi32, #tpu.memory_space<vmem>> -> memref<1x2x128xi32, #tpu.memory_space<vmem>>
        %dma_start3A_159 = tpu.memref_squeeze %dma_start3A_158 : memref<1x2x128xi32, #tpu.memory_space<vmem>> -> memref<2x128xi32, #tpu.memory_space<vmem>>
        %dma_start3A_160 = arith.constant 0 : i32
        %dma_start3A_161 = arith.constant 0 : i32
        %dma_start3A_162 = tpu.memref_slice %arg3[%add3A, %add3A_146, %dma_start3A_160, %dma_start3A_161] : memref<32x80x2x128xi32, #tpu.memory_space<hbm>> -> memref<1x1x2x128xi32, #tpu.memory_space<hbm>>
        %dma_start3A_163 = tpu.memref_squeeze %dma_start3A_162 : memref<1x1x2x128xi32, #tpu.memory_space<hbm>> -> memref<2x128xi32, #tpu.memory_space<hbm>>
        tpu.enqueue_dma source(%dma_start3A_163 : memref<2x128xi32, #tpu.memory_space<hbm>>) target(%dma_start3A_159 : memref<2x128xi32, #tpu.memory_space<vmem>>) target_semaphore(%arg14 : memref<!tpu.dma_semaphore, #tpu.memory_space<semaphore_mem>>)
      } else {
      }
      %gt3A = arith.constant 0 : i32
      %gt3A_76 = arith.cmpi sgt, %scan3A_51, %gt3A : i32
      %convert_element_type3A_77 = arith.extui %gt3A_76 : i1 to i32
      %cond3A_78 = arith.constant 0 : i32
      %cond3A_79 = arith.cmpi ne, %convert_element_type3A_77, %cond3A_78 : i32
      scf.if %cond3A_79 {
        %dma_wait3A_145 = arith.constant 3 : i32
        %dma_wait3A_146 = arith.constant 1 : i32
        %dma_wait3A_147 = arith.constant 0 : i32
        %dma_wait3A_148 = tpu.memref_slice %arg6[%dma_wait3A_145, %dma_wait3A_146, %dma_wait3A_147] : memref<4x2x128xi32, #tpu.memory_space<vmem>> -> memref<1x1x128xi32, #tpu.memory_space<vmem>>
        %dma_wait3A_149 = tpu.memref_squeeze %dma_wait3A_148 : memref<1x1x128xi32, #tpu.memory_space<vmem>> -> memref<128xi32, #tpu.memory_space<vmem>>
        %dma_wait3A_150 = arith.constant 0 : i32
        %dma_wait3A_151 = arith.constant 0 : i32
        %dma_wait3A_152 = tpu.memref_slice %arg9[%dma_wait3A_150, %dma_wait3A_151] : memref<10240x128xf32, #tpu.memory_space<vmem_shared>> -> memref<10240x128xf32, #tpu.memory_space<vmem_shared>>
        tpu.wait_indirect_dma semaphore(%arg13 : memref<!tpu.dma_semaphore, #tpu.memory_space<semaphore_mem>>) src(%arg8 : memref<128x128xf32, #tpu.memory_space<vmem>>) dst(%dma_wait3A_152 : memref<10240x128xf32, #tpu.memory_space<vmem_shared>>)
      } else {
      }
      %add3A_80 = arith.constant 1 : i32
      %add3A_81 = arith.addi %mul3A_53, %add3A_80 : i32
      %dma_wait3A_82 = arith.constant 1 : i32
      %dma_wait3A_83 = arith.constant 0 : i32
      %dma_wait3A_84 = arith.constant 0 : i32
      %dma_wait3A_85 = tpu.memref_slice %arg6[%dma_wait3A_82, %dma_wait3A_83, %dma_wait3A_84] : memref<4x2x128xi32, #tpu.memory_space<vmem>> -> memref<1x2x128xi32, #tpu.memory_space<vmem>>
      %dma_wait3A_86 = tpu.memref_squeeze %dma_wait3A_85 : memref<1x2x128xi32, #tpu.memory_space<vmem>> -> memref<2x128xi32, #tpu.memory_space<vmem>>
      %dma_wait3A_87 = arith.constant 0 : i32
      %dma_wait3A_88 = arith.constant 0 : i32
      %dma_wait3A_89 = tpu.memref_slice %arg3[%add3A, %add3A_81, %dma_wait3A_87, %dma_wait3A_88] : memref<32x80x2x128xi32, #tpu.memory_space<hbm>> -> memref<1x1x2x128xi32, #tpu.memory_space<hbm>>
      %dma_wait3A_90 = tpu.memref_squeeze %dma_wait3A_89 : memref<1x1x2x128xi32, #tpu.memory_space<hbm>> -> memref<2x128xi32, #tpu.memory_space<hbm>>
      %dma_wait3A_91 = arith.constant 0 : i32
      %dma_wait3A_92 = arith.constant 0 : i32
      %dma_wait3A_93 = tpu.memref_slice %arg6[%dma_wait3A_82, %dma_wait3A_91, %dma_wait3A_92] : memref<4x2x128xi32, #tpu.memory_space<vmem>> -> memref<1x2x128xi32, #tpu.memory_space<vmem>>
      %dma_wait3A_94 = tpu.memref_squeeze %dma_wait3A_93 : memref<1x2x128xi32, #tpu.memory_space<vmem>> -> memref<2x128xi32, #tpu.memory_space<vmem>>
      %dma_wait3A_95 = arith.constant 0 : i32
      %dma_wait3A_96 = arith.constant 0 : i32
      %dma_wait3A_97 = tpu.memref_slice %arg3[%add3A, %add3A_81, %dma_wait3A_95, %dma_wait3A_96] : memref<32x80x2x128xi32, #tpu.memory_space<hbm>> -> memref<1x1x2x128xi32, #tpu.memory_space<hbm>>
      %dma_wait3A_98 = tpu.memref_squeeze %dma_wait3A_97 : memref<1x1x2x128xi32, #tpu.memory_space<hbm>> -> memref<2x128xi32, #tpu.memory_space<hbm>>
      tpu.wait_dma2 semaphore(%arg14 : memref<!tpu.dma_semaphore, #tpu.memory_space<semaphore_mem>>) src(%dma_wait3A_98 : memref<2x128xi32, #tpu.memory_space<hbm>>) dst(%dma_wait3A_94 : memref<2x128xi32, #tpu.memory_space<vmem>>)
      %dma_start3A_99 = arith.constant 1 : i32
      %dma_start3A_100 = arith.constant 0 : i32
      %dma_start3A_101 = arith.constant 0 : i32
      %dma_start3A_102 = tpu.memref_slice %arg6[%dma_start3A_99, %dma_start3A_100, %dma_start3A_101] : memref<4x2x128xi32, #tpu.memory_space<vmem>> -> memref<1x1x128xi32, #tpu.memory_space<vmem>>
      %dma_start3A_103 = tpu.memref_squeeze %dma_start3A_102 : memref<1x1x128xi32, #tpu.memory_space<vmem>> -> memref<128xi32, #tpu.memory_space<vmem>>
      %dma_start3A_104 = arith.constant 0 : i32
      %dma_start3A_105 = arith.constant 0 : i32
      %dma_start3A_106 = tpu.memref_slice %arg2[%dma_start3A_104, %dma_start3A_105] : memref<10240x128xf32, #tpu.memory_space<hbm>> -> memref<10240x128xf32, #tpu.memory_space<hbm>>
      tpu.enqueue_indirect_dma source(%dma_start3A_106 : memref<10240x128xf32, #tpu.memory_space<hbm>>) target(%arg8 : memref<128x128xf32, #tpu.memory_space<vmem>>) offsets(%dma_start3A_103 : memref<128xi32, #tpu.memory_space<vmem>>) semaphore(%arg11 : memref<!tpu.dma_semaphore, #tpu.memory_space<semaphore_mem>>)
      %dma_wait3A_107 = arith.constant 1 : i32
      %dma_wait3A_108 = arith.constant 0 : i32
      %dma_wait3A_109 = arith.constant 0 : i32
      %dma_wait3A_110 = tpu.memref_slice %arg6[%dma_wait3A_107, %dma_wait3A_108, %dma_wait3A_109] : memref<4x2x128xi32, #tpu.memory_space<vmem>> -> memref<1x1x128xi32, #tpu.memory_space<vmem>>
      %dma_wait3A_111 = tpu.memref_squeeze %dma_wait3A_110 : memref<1x1x128xi32, #tpu.memory_space<vmem>> -> memref<128xi32, #tpu.memory_space<vmem>>
      %dma_wait3A_112 = arith.constant 0 : i32
      %dma_wait3A_113 = arith.constant 0 : i32
      %dma_wait3A_114 = tpu.memref_slice %arg2[%dma_wait3A_112, %dma_wait3A_113] : memref<10240x128xf32, #tpu.memory_space<hbm>> -> memref<10240x128xf32, #tpu.memory_space<hbm>>
      tpu.wait_indirect_dma semaphore(%arg11 : memref<!tpu.dma_semaphore, #tpu.memory_space<semaphore_mem>>) src(%dma_wait3A_114 : memref<10240x128xf32, #tpu.memory_space<hbm>>) dst(%arg8 : memref<128x128xf32, #tpu.memory_space<vmem>>)
      %dma_start3A_115 = arith.constant 1 : i32
      %dma_start3A_116 = arith.constant 1 : i32
      %dma_start3A_117 = arith.constant 0 : i32
      %dma_start3A_118 = tpu.memref_slice %arg6[%dma_start3A_115, %dma_start3A_116, %dma_start3A_117] : memref<4x2x128xi32, #tpu.memory_space<vmem>> -> memref<1x1x128xi32, #tpu.memory_space<vmem>>
      %dma_start3A_119 = tpu.memref_squeeze %dma_start3A_118 : memref<1x1x128xi32, #tpu.memory_space<vmem>> -> memref<128xi32, #tpu.memory_space<vmem>>
      %dma_start3A_120 = arith.constant 0 : i32
      %dma_start3A_121 = arith.constant 0 : i32
      %dma_start3A_122 = tpu.memref_slice %arg9[%dma_start3A_120, %dma_start3A_121] : memref<10240x128xf32, #tpu.memory_space<vmem_shared>> -> memref<10240x128xf32, #tpu.memory_space<vmem_shared>>
      tpu.enqueue_indirect_dma source(%arg8 : memref<128x128xf32, #tpu.memory_space<vmem>>) target(%dma_start3A_122 : memref<10240x128xf32, #tpu.memory_space<vmem_shared>>) offsets(%dma_start3A_119 : memref<128xi32, #tpu.memory_space<vmem>>) semaphore(%arg13 : memref<!tpu.dma_semaphore, #tpu.memory_space<semaphore_mem>>) {add = true}
      %add3A_123 = arith.constant 3 : i32
      %add3A_124 = arith.addi %mul3A_53, %add3A_123 : i32
      %lt3A_125 = arith.constant 80 : i32
      %lt3A_126 = arith.cmpi slt, %add3A_124, %lt3A_125 : i32
      %convert_element_type3A_127 = arith.extui %lt3A_126 : i1 to i32
      %cond3A_128 = arith.constant 0 : i32
      %cond3A_129 = arith.cmpi ne, %convert_element_type3A_127, %cond3A_128 : i32
      scf.if %cond3A_129 {
        %add3A_145 = arith.constant 3 : i32
        %add3A_146 = arith.addi %mul3A_53, %add3A_145 : i32
        %dma_start3A_147 = arith.constant 3 : i32
        %dma_start3A_148 = arith.constant 0 : i32
        %dma_start3A_149 = arith.constant 0 : i32
        %dma_start3A_150 = tpu.memref_slice %arg6[%dma_start3A_147, %dma_start3A_148, %dma_start3A_149] : memref<4x2x128xi32, #tpu.memory_space<vmem>> -> memref<1x2x128xi32, #tpu.memory_space<vmem>>
        %dma_start3A_151 = tpu.memref_squeeze %dma_start3A_150 : memref<1x2x128xi32, #tpu.memory_space<vmem>> -> memref<2x128xi32, #tpu.memory_space<vmem>>
        %dma_start3A_152 = arith.constant 0 : i32
        %dma_start3A_153 = arith.constant 0 : i32
        %dma_start3A_154 = tpu.memref_slice %arg3[%add3A, %add3A_146, %dma_start3A_152, %dma_start3A_153] : memref<32x80x2x128xi32, #tpu.memory_space<hbm>> -> memref<1x1x2x128xi32, #tpu.memory_space<hbm>>
        %dma_start3A_155 = tpu.memref_squeeze %dma_start3A_154 : memref<1x1x2x128xi32, #tpu.memory_space<hbm>> -> memref<2x128xi32, #tpu.memory_space<hbm>>
        %dma_start3A_156 = arith.constant 0 : i32
        %dma_start3A_157 = arith.constant 0 : i32
        %dma_start3A_158 = tpu.memref_slice %arg6[%dma_start3A_147, %dma_start3A_156, %dma_start3A_157] : memref<4x2x128xi32, #tpu.memory_space<vmem>> -> memref<1x2x128xi32, #tpu.memory_space<vmem>>
        %dma_start3A_159 = tpu.memref_squeeze %dma_start3A_158 : memref<1x2x128xi32, #tpu.memory_space<vmem>> -> memref<2x128xi32, #tpu.memory_space<vmem>>
        %dma_start3A_160 = arith.constant 0 : i32
        %dma_start3A_161 = arith.constant 0 : i32
        %dma_start3A_162 = tpu.memref_slice %arg3[%add3A, %add3A_146, %dma_start3A_160, %dma_start3A_161] : memref<32x80x2x128xi32, #tpu.memory_space<hbm>> -> memref<1x1x2x128xi32, #tpu.memory_space<hbm>>
        %dma_start3A_163 = tpu.memref_squeeze %dma_start3A_162 : memref<1x1x2x128xi32, #tpu.memory_space<hbm>> -> memref<2x128xi32, #tpu.memory_space<hbm>>
        tpu.enqueue_dma source(%dma_start3A_163 : memref<2x128xi32, #tpu.memory_space<hbm>>) target(%dma_start3A_159 : memref<2x128xi32, #tpu.memory_space<vmem>>) target_semaphore(%arg14 : memref<!tpu.dma_semaphore, #tpu.memory_space<semaphore_mem>>)
      } else {
      }
      %dma_wait3A_130 = arith.constant 0 : i32
      %dma_wait3A_131 = arith.constant 1 : i32
      %dma_wait3A_132 = arith.constant 0 : i32
      %dma_wait3A_133 = tpu.memref_slice %arg6[%dma_wait3A_130, %dma_wait3A_131, %dma_wait3A_132] : memref<4x2x128xi32, #tpu.memory_space<vmem>> -> memref<1x1x128xi32, #tpu.memory_space<vmem>>
      %dma_wait3A_134 = tpu.memref_squeeze %dma_wait3A_133 : memref<1x1x128xi32, #tpu.memory_space<vmem>> -> memref<128xi32, #tpu.memory_space<vmem>>
      %dma_wait3A_135 = arith.constant 0 : i32
      %dma_wait3A_136 = arith.constant 0 : i32
      %dma_wait3A_137 = tpu.memref_slice %arg9[%dma_wait3A_135, %dma_wait3A_136] : memref<10240x128xf32, #tpu.memory_space<vmem_shared>> -> memref<10240x128xf32, #tpu.memory_space<vmem_shared>>
      tpu.wait_indirect_dma semaphore(%arg12 : memref<!tpu.dma_semaphore, #tpu.memory_space<semaphore_mem>>) src(%arg7 : memref<128x128xf32, #tpu.memory_space<vmem>>) dst(%dma_wait3A_137 : memref<10240x128xf32, #tpu.memory_space<vmem_shared>>)
      %add3A_138 = arith.constant 2 : i32
      %add3A_139 = arith.addi %mul3A_53, %add3A_138 : i32
      %lt3A_140 = arith.constant 80 : i32
      %lt3A_141 = arith.cmpi slt, %add3A_139, %lt3A_140 : i32
      %convert_element_type3A_142 = arith.extui %lt3A_141 : i1 to i32
      %cond3A_143 = arith.constant 0 : i32
      %cond3A_144 = arith.cmpi ne, %convert_element_type3A_142, %cond3A_143 : i32
      scf.if %cond3A_144 {
        %add3A_145 = arith.constant 2 : i32
        %add3A_146 = arith.addi %mul3A_53, %add3A_145 : i32
        %dma_wait3A_147 = arith.constant 2 : i32
        %dma_wait3A_148 = arith.constant 0 : i32
        %dma_wait3A_149 = arith.constant 0 : i32
        %dma_wait3A_150 = tpu.memref_slice %arg6[%dma_wait3A_147, %dma_wait3A_148, %dma_wait3A_149] : memref<4x2x128xi32, #tpu.memory_space<vmem>> -> memref<1x2x128xi32, #tpu.memory_space<vmem>>
        %dma_wait3A_151 = tpu.memref_squeeze %dma_wait3A_150 : memref<1x2x128xi32, #tpu.memory_space<vmem>> -> memref<2x128xi32, #tpu.memory_space<vmem>>
        %dma_wait3A_152 = arith.constant 0 : i32
        %dma_wait3A_153 = arith.constant 0 : i32
        %dma_wait3A_154 = tpu.memref_slice %arg3[%add3A, %add3A_146, %dma_wait3A_152, %dma_wait3A_153] : memref<32x80x2x128xi32, #tpu.memory_space<hbm>> -> memref<1x1x2x128xi32, #tpu.memory_space<hbm>>
        %dma_wait3A_155 = tpu.memref_squeeze %dma_wait3A_154 : memref<1x1x2x128xi32, #tpu.memory_space<hbm>> -> memref<2x128xi32, #tpu.memory_space<hbm>>
        %dma_wait3A_156 = arith.constant 0 : i32
        %dma_wait3A_157 = arith.constant 0 : i32
        %dma_wait3A_158 = tpu.memref_slice %arg6[%dma_wait3A_147, %dma_wait3A_156, %dma_wait3A_157] : memref<4x2x128xi32, #tpu.memory_space<vmem>> -> memref<1x2x128xi32, #tpu.memory_space<vmem>>
        %dma_wait3A_159 = tpu.memref_squeeze %dma_wait3A_158 : memref<1x2x128xi32, #tpu.memory_space<vmem>> -> memref<2x128xi32, #tpu.memory_space<vmem>>
        %dma_wait3A_160 = arith.constant 0 : i32
        %dma_wait3A_161 = arith.constant 0 : i32
        %dma_wait3A_162 = tpu.memref_slice %arg3[%add3A, %add3A_146, %dma_wait3A_160, %dma_wait3A_161] : memref<32x80x2x128xi32, #tpu.memory_space<hbm>> -> memref<1x1x2x128xi32, #tpu.memory_space<hbm>>
        %dma_wait3A_163 = tpu.memref_squeeze %dma_wait3A_162 : memref<1x1x2x128xi32, #tpu.memory_space<hbm>> -> memref<2x128xi32, #tpu.memory_space<hbm>>
        tpu.wait_dma2 semaphore(%arg14 : memref<!tpu.dma_semaphore, #tpu.memory_space<semaphore_mem>>) src(%dma_wait3A_163 : memref<2x128xi32, #tpu.memory_space<hbm>>) dst(%dma_wait3A_159 : memref<2x128xi32, #tpu.memory_space<vmem>>)
        %dma_start3A_164 = arith.constant 2 : i32
        %dma_start3A_165 = arith.constant 0 : i32
        %dma_start3A_166 = arith.constant 0 : i32
        %dma_start3A_167 = tpu.memref_slice %arg6[%dma_start3A_164, %dma_start3A_165, %dma_start3A_166] : memref<4x2x128xi32, #tpu.memory_space<vmem>> -> memref<1x1x128xi32, #tpu.memory_space<vmem>>
        %dma_start3A_168 = tpu.memref_squeeze %dma_start3A_167 : memref<1x1x128xi32, #tpu.memory_space<vmem>> -> memref<128xi32, #tpu.memory_space<vmem>>
        %dma_start3A_169 = arith.constant 0 : i32
        %dma_start3A_170 = arith.constant 0 : i32
        %dma_start3A_171 = tpu.memref_slice %arg2[%dma_start3A_169, %dma_start3A_170] : memref<10240x128xf32, #tpu.memory_space<hbm>> -> memref<10240x128xf32, #tpu.memory_space<hbm>>
        tpu.enqueue_indirect_dma source(%dma_start3A_171 : memref<10240x128xf32, #tpu.memory_space<hbm>>) target(%arg7 : memref<128x128xf32, #tpu.memory_space<vmem>>) offsets(%dma_start3A_168 : memref<128xi32, #tpu.memory_space<vmem>>) semaphore(%arg10 : memref<!tpu.dma_semaphore, #tpu.memory_space<semaphore_mem>>)
        %dma_wait3A_172 = arith.constant 2 : i32
        %dma_wait3A_173 = arith.constant 0 : i32
        %dma_wait3A_174 = arith.constant 0 : i32
        %dma_wait3A_175 = tpu.memref_slice %arg6[%dma_wait3A_172, %dma_wait3A_173, %dma_wait3A_174] : memref<4x2x128xi32, #tpu.memory_space<vmem>> -> memref<1x1x128xi32, #tpu.memory_space<vmem>>
        %dma_wait3A_176 = tpu.memref_squeeze %dma_wait3A_175 : memref<1x1x128xi32, #tpu.memory_space<vmem>> -> memref<128xi32, #tpu.memory_space<vmem>>
        %dma_wait3A_177 = arith.constant 0 : i32
        %dma_wait3A_178 = arith.constant 0 : i32
        %dma_wait3A_179 = tpu.memref_slice %arg2[%dma_wait3A_177, %dma_wait3A_178] : memref<10240x128xf32, #tpu.memory_space<hbm>> -> memref<10240x128xf32, #tpu.memory_space<hbm>>
        tpu.wait_indirect_dma semaphore(%arg10 : memref<!tpu.dma_semaphore, #tpu.memory_space<semaphore_mem>>) src(%dma_wait3A_179 : memref<10240x128xf32, #tpu.memory_space<hbm>>) dst(%arg7 : memref<128x128xf32, #tpu.memory_space<vmem>>)
        %dma_start3A_180 = arith.constant 2 : i32
        %dma_start3A_181 = arith.constant 1 : i32
        %dma_start3A_182 = arith.constant 0 : i32
        %dma_start3A_183 = tpu.memref_slice %arg6[%dma_start3A_180, %dma_start3A_181, %dma_start3A_182] : memref<4x2x128xi32, #tpu.memory_space<vmem>> -> memref<1x1x128xi32, #tpu.memory_space<vmem>>
        %dma_start3A_184 = tpu.memref_squeeze %dma_start3A_183 : memref<1x1x128xi32, #tpu.memory_space<vmem>> -> memref<128xi32, #tpu.memory_space<vmem>>
        %dma_start3A_185 = arith.constant 0 : i32
        %dma_start3A_186 = arith.constant 0 : i32
        %dma_start3A_187 = tpu.memref_slice %arg9[%dma_start3A_185, %dma_start3A_186] : memref<10240x128xf32, #tpu.memory_space<vmem_shared>> -> memref<10240x128xf32, #tpu.memory_space<vmem_shared>>
        tpu.enqueue_indirect_dma source(%arg7 : memref<128x128xf32, #tpu.memory_space<vmem>>) target(%dma_start3A_187 : memref<10240x128xf32, #tpu.memory_space<vmem_shared>>) offsets(%dma_start3A_184 : memref<128xi32, #tpu.memory_space<vmem>>) semaphore(%arg12 : memref<!tpu.dma_semaphore, #tpu.memory_space<semaphore_mem>>) {add = true}
        %add3A_188 = arith.constant 4 : i32
        %add3A_189 = arith.addi %mul3A_53, %add3A_188 : i32
        %lt3A_190 = arith.constant 80 : i32
        %lt3A_191 = arith.cmpi slt, %add3A_189, %lt3A_190 : i32
        %convert_element_type3A_192 = arith.extui %lt3A_191 : i1 to i32
        %cond3A_193 = arith.constant 0 : i32
        %cond3A_194 = arith.cmpi ne, %convert_element_type3A_192, %cond3A_193 : i32
        scf.if %cond3A_194 {
          %add3A_268 = arith.constant 4 : i32
          %add3A_269 = arith.addi %mul3A_53, %add3A_268 : i32
          %dma_start3A_270 = arith.constant 0 : i32
          %dma_start3A_271 = arith.constant 0 : i32
          %dma_start3A_272 = arith.constant 0 : i32
          %dma_start3A_273 = tpu.memref_slice %arg6[%dma_start3A_270, %dma_start3A_271, %dma_start3A_272] : memref<4x2x128xi32, #tpu.memory_space<vmem>> -> memref<1x2x128xi32, #tpu.memory_space<vmem>>
          %dma_start3A_274 = tpu.memref_squeeze %dma_start3A_273 : memref<1x2x128xi32, #tpu.memory_space<vmem>> -> memref<2x128xi32, #tpu.memory_space<vmem>>
          %dma_start3A_275 = arith.constant 0 : i32
          %dma_start3A_276 = arith.constant 0 : i32
          %dma_start3A_277 = tpu.memref_slice %arg3[%add3A, %add3A_269, %dma_start3A_275, %dma_start3A_276] : memref<32x80x2x128xi32, #tpu.memory_space<hbm>> -> memref<1x1x2x128xi32, #tpu.memory_space<hbm>>
          %dma_start3A_278 = tpu.memref_squeeze %dma_start3A_277 : memref<1x1x2x128xi32, #tpu.memory_space<hbm>> -> memref<2x128xi32, #tpu.memory_space<hbm>>
          %dma_start3A_279 = arith.constant 0 : i32
          %dma_start3A_280 = arith.constant 0 : i32
          %dma_start3A_281 = tpu.memref_slice %arg6[%dma_start3A_270, %dma_start3A_279, %dma_start3A_280] : memref<4x2x128xi32, #tpu.memory_space<vmem>> -> memref<1x2x128xi32, #tpu.memory_space<vmem>>
          %dma_start3A_282 = tpu.memref_squeeze %dma_start3A_281 : memref<1x2x128xi32, #tpu.memory_space<vmem>> -> memref<2x128xi32, #tpu.memory_space<vmem>>
          %dma_start3A_283 = arith.constant 0 : i32
          %dma_start3A_284 = arith.constant 0 : i32
          %dma_start3A_285 = tpu.memref_slice %arg3[%add3A, %add3A_269, %dma_start3A_283, %dma_start3A_284] : memref<32x80x2x128xi32, #tpu.memory_space<hbm>> -> memref<1x1x2x128xi32, #tpu.memory_space<hbm>>
          %dma_start3A_286 = tpu.memref_squeeze %dma_start3A_285 : memref<1x1x2x128xi32, #tpu.memory_space<hbm>> -> memref<2x128xi32, #tpu.memory_space<hbm>>
          tpu.enqueue_dma source(%dma_start3A_286 : memref<2x128xi32, #tpu.memory_space<hbm>>) target(%dma_start3A_282 : memref<2x128xi32, #tpu.memory_space<vmem>>) target_semaphore(%arg14 : memref<!tpu.dma_semaphore, #tpu.memory_space<semaphore_mem>>)
        } else {
        }
        %dma_wait3A_195 = arith.constant 1 : i32
        %dma_wait3A_196 = arith.constant 1 : i32
        %dma_wait3A_197 = arith.constant 0 : i32
        %dma_wait3A_198 = tpu.memref_slice %arg6[%dma_wait3A_195, %dma_wait3A_196, %dma_wait3A_197] : memref<4x2x128xi32, #tpu.memory_space<vmem>> -> memref<1x1x128xi32, #tpu.memory_space<vmem>>
        %dma_wait3A_199 = tpu.memref_squeeze %dma_wait3A_198 : memref<1x1x128xi32, #tpu.memory_space<vmem>> -> memref<128xi32, #tpu.memory_space<vmem>>
        %dma_wait3A_200 = arith.constant 0 : i32
        %dma_wait3A_201 = arith.constant 0 : i32
        %dma_wait3A_202 = tpu.memref_slice %arg9[%dma_wait3A_200, %dma_wait3A_201] : memref<10240x128xf32, #tpu.memory_space<vmem_shared>> -> memref<10240x128xf32, #tpu.memory_space<vmem_shared>>
        tpu.wait_indirect_dma semaphore(%arg13 : memref<!tpu.dma_semaphore, #tpu.memory_space<semaphore_mem>>) src(%arg8 : memref<128x128xf32, #tpu.memory_space<vmem>>) dst(%dma_wait3A_202 : memref<10240x128xf32, #tpu.memory_space<vmem_shared>>)
        %add3A_203 = arith.constant 3 : i32
        %add3A_204 = arith.addi %mul3A_53, %add3A_203 : i32
        %dma_wait3A_205 = arith.constant 3 : i32
        %dma_wait3A_206 = arith.constant 0 : i32
        %dma_wait3A_207 = arith.constant 0 : i32
        %dma_wait3A_208 = tpu.memref_slice %arg6[%dma_wait3A_205, %dma_wait3A_206, %dma_wait3A_207] : memref<4x2x128xi32, #tpu.memory_space<vmem>> -> memref<1x2x128xi32, #tpu.memory_space<vmem>>
        %dma_wait3A_209 = tpu.memref_squeeze %dma_wait3A_208 : memref<1x2x128xi32, #tpu.memory_space<vmem>> -> memref<2x128xi32, #tpu.memory_space<vmem>>
        %dma_wait3A_210 = arith.constant 0 : i32
        %dma_wait3A_211 = arith.constant 0 : i32
        %dma_wait3A_212 = tpu.memref_slice %arg3[%add3A, %add3A_204, %dma_wait3A_210, %dma_wait3A_211] : memref<32x80x2x128xi32, #tpu.memory_space<hbm>> -> memref<1x1x2x128xi32, #tpu.memory_space<hbm>>
        %dma_wait3A_213 = tpu.memref_squeeze %dma_wait3A_212 : memref<1x1x2x128xi32, #tpu.memory_space<hbm>> -> memref<2x128xi32, #tpu.memory_space<hbm>>
        %dma_wait3A_214 = arith.constant 0 : i32
        %dma_wait3A_215 = arith.constant 0 : i32
        %dma_wait3A_216 = tpu.memref_slice %arg6[%dma_wait3A_205, %dma_wait3A_214, %dma_wait3A_215] : memref<4x2x128xi32, #tpu.memory_space<vmem>> -> memref<1x2x128xi32, #tpu.memory_space<vmem>>
        %dma_wait3A_217 = tpu.memref_squeeze %dma_wait3A_216 : memref<1x2x128xi32, #tpu.memory_space<vmem>> -> memref<2x128xi32, #tpu.memory_space<vmem>>
        %dma_wait3A_218 = arith.constant 0 : i32
        %dma_wait3A_219 = arith.constant 0 : i32
        %dma_wait3A_220 = tpu.memref_slice %arg3[%add3A, %add3A_204, %dma_wait3A_218, %dma_wait3A_219] : memref<32x80x2x128xi32, #tpu.memory_space<hbm>> -> memref<1x1x2x128xi32, #tpu.memory_space<hbm>>
        %dma_wait3A_221 = tpu.memref_squeeze %dma_wait3A_220 : memref<1x1x2x128xi32, #tpu.memory_space<hbm>> -> memref<2x128xi32, #tpu.memory_space<hbm>>
        tpu.wait_dma2 semaphore(%arg14 : memref<!tpu.dma_semaphore, #tpu.memory_space<semaphore_mem>>) src(%dma_wait3A_221 : memref<2x128xi32, #tpu.memory_space<hbm>>) dst(%dma_wait3A_217 : memref<2x128xi32, #tpu.memory_space<vmem>>)
        %dma_start3A_222 = arith.constant 3 : i32
        %dma_start3A_223 = arith.constant 0 : i32
        %dma_start3A_224 = arith.constant 0 : i32
        %dma_start3A_225 = tpu.memref_slice %arg6[%dma_start3A_222, %dma_start3A_223, %dma_start3A_224] : memref<4x2x128xi32, #tpu.memory_space<vmem>> -> memref<1x1x128xi32, #tpu.memory_space<vmem>>
        %dma_start3A_226 = tpu.memref_squeeze %dma_start3A_225 : memref<1x1x128xi32, #tpu.memory_space<vmem>> -> memref<128xi32, #tpu.memory_space<vmem>>
        %dma_start3A_227 = arith.constant 0 : i32
        %dma_start3A_228 = arith.constant 0 : i32
        %dma_start3A_229 = tpu.memref_slice %arg2[%dma_start3A_227, %dma_start3A_228] : memref<10240x128xf32, #tpu.memory_space<hbm>> -> memref<10240x128xf32, #tpu.memory_space<hbm>>
        tpu.enqueue_indirect_dma source(%dma_start3A_229 : memref<10240x128xf32, #tpu.memory_space<hbm>>) target(%arg8 : memref<128x128xf32, #tpu.memory_space<vmem>>) offsets(%dma_start3A_226 : memref<128xi32, #tpu.memory_space<vmem>>) semaphore(%arg11 : memref<!tpu.dma_semaphore, #tpu.memory_space<semaphore_mem>>)
        %dma_wait3A_230 = arith.constant 3 : i32
        %dma_wait3A_231 = arith.constant 0 : i32
        %dma_wait3A_232 = arith.constant 0 : i32
        %dma_wait3A_233 = tpu.memref_slice %arg6[%dma_wait3A_230, %dma_wait3A_231, %dma_wait3A_232] : memref<4x2x128xi32, #tpu.memory_space<vmem>> -> memref<1x1x128xi32, #tpu.memory_space<vmem>>
        %dma_wait3A_234 = tpu.memref_squeeze %dma_wait3A_233 : memref<1x1x128xi32, #tpu.memory_space<vmem>> -> memref<128xi32, #tpu.memory_space<vmem>>
        %dma_wait3A_235 = arith.constant 0 : i32
        %dma_wait3A_236 = arith.constant 0 : i32
        %dma_wait3A_237 = tpu.memref_slice %arg2[%dma_wait3A_235, %dma_wait3A_236] : memref<10240x128xf32, #tpu.memory_space<hbm>> -> memref<10240x128xf32, #tpu.memory_space<hbm>>
        tpu.wait_indirect_dma semaphore(%arg11 : memref<!tpu.dma_semaphore, #tpu.memory_space<semaphore_mem>>) src(%dma_wait3A_237 : memref<10240x128xf32, #tpu.memory_space<hbm>>) dst(%arg8 : memref<128x128xf32, #tpu.memory_space<vmem>>)
        %dma_start3A_238 = arith.constant 3 : i32
        %dma_start3A_239 = arith.constant 1 : i32
        %dma_start3A_240 = arith.constant 0 : i32
        %dma_start3A_241 = tpu.memref_slice %arg6[%dma_start3A_238, %dma_start3A_239, %dma_start3A_240] : memref<4x2x128xi32, #tpu.memory_space<vmem>> -> memref<1x1x128xi32, #tpu.memory_space<vmem>>
        %dma_start3A_242 = tpu.memref_squeeze %dma_start3A_241 : memref<1x1x128xi32, #tpu.memory_space<vmem>> -> memref<128xi32, #tpu.memory_space<vmem>>
        %dma_start3A_243 = arith.constant 0 : i32
        %dma_start3A_244 = arith.constant 0 : i32
        %dma_start3A_245 = tpu.memref_slice %arg9[%dma_start3A_243, %dma_start3A_244] : memref<10240x128xf32, #tpu.memory_space<vmem_shared>> -> memref<10240x128xf32, #tpu.memory_space<vmem_shared>>
        tpu.enqueue_indirect_dma source(%arg8 : memref<128x128xf32, #tpu.memory_space<vmem>>) target(%dma_start3A_245 : memref<10240x128xf32, #tpu.memory_space<vmem_shared>>) offsets(%dma_start3A_242 : memref<128xi32, #tpu.memory_space<vmem>>) semaphore(%arg13 : memref<!tpu.dma_semaphore, #tpu.memory_space<semaphore_mem>>) {add = true}
        %add3A_246 = arith.constant 5 : i32
        %add3A_247 = arith.addi %mul3A_53, %add3A_246 : i32
        %lt3A_248 = arith.constant 80 : i32
        %lt3A_249 = arith.cmpi slt, %add3A_247, %lt3A_248 : i32
        %convert_element_type3A_250 = arith.extui %lt3A_249 : i1 to i32
        %cond3A_251 = arith.constant 0 : i32
        %cond3A_252 = arith.cmpi ne, %convert_element_type3A_250, %cond3A_251 : i32
        scf.if %cond3A_252 {
          %add3A_268 = arith.constant 5 : i32
          %add3A_269 = arith.addi %mul3A_53, %add3A_268 : i32
          %dma_start3A_270 = arith.constant 1 : i32
          %dma_start3A_271 = arith.constant 0 : i32
          %dma_start3A_272 = arith.constant 0 : i32
          %dma_start3A_273 = tpu.memref_slice %arg6[%dma_start3A_270, %dma_start3A_271, %dma_start3A_272] : memref<4x2x128xi32, #tpu.memory_space<vmem>> -> memref<1x2x128xi32, #tpu.memory_space<vmem>>
          %dma_start3A_274 = tpu.memref_squeeze %dma_start3A_273 : memref<1x2x128xi32, #tpu.memory_space<vmem>> -> memref<2x128xi32, #tpu.memory_space<vmem>>
          %dma_start3A_275 = arith.constant 0 : i32
          %dma_start3A_276 = arith.constant 0 : i32
          %dma_start3A_277 = tpu.memref_slice %arg3[%add3A, %add3A_269, %dma_start3A_275, %dma_start3A_276] : memref<32x80x2x128xi32, #tpu.memory_space<hbm>> -> memref<1x1x2x128xi32, #tpu.memory_space<hbm>>
          %dma_start3A_278 = tpu.memref_squeeze %dma_start3A_277 : memref<1x1x2x128xi32, #tpu.memory_space<hbm>> -> memref<2x128xi32, #tpu.memory_space<hbm>>
          %dma_start3A_279 = arith.constant 0 : i32
          %dma_start3A_280 = arith.constant 0 : i32
          %dma_start3A_281 = tpu.memref_slice %arg6[%dma_start3A_270, %dma_start3A_279, %dma_start3A_280] : memref<4x2x128xi32, #tpu.memory_space<vmem>> -> memref<1x2x128xi32, #tpu.memory_space<vmem>>
          %dma_start3A_282 = tpu.memref_squeeze %dma_start3A_281 : memref<1x2x128xi32, #tpu.memory_space<vmem>> -> memref<2x128xi32, #tpu.memory_space<vmem>>
          %dma_start3A_283 = arith.constant 0 : i32
          %dma_start3A_284 = arith.constant 0 : i32
          %dma_start3A_285 = tpu.memref_slice %arg3[%add3A, %add3A_269, %dma_start3A_283, %dma_start3A_284] : memref<32x80x2x128xi32, #tpu.memory_space<hbm>> -> memref<1x1x2x128xi32, #tpu.memory_space<hbm>>
          %dma_start3A_286 = tpu.memref_squeeze %dma_start3A_285 : memref<1x1x2x128xi32, #tpu.memory_space<hbm>> -> memref<2x128xi32, #tpu.memory_space<hbm>>
          tpu.enqueue_dma source(%dma_start3A_286 : memref<2x128xi32, #tpu.memory_space<hbm>>) target(%dma_start3A_282 : memref<2x128xi32, #tpu.memory_space<vmem>>) target_semaphore(%arg14 : memref<!tpu.dma_semaphore, #tpu.memory_space<semaphore_mem>>)
        } else {
        }
        %dma_wait3A_253 = arith.constant 2 : i32
        %dma_wait3A_254 = arith.constant 1 : i32
        %dma_wait3A_255 = arith.constant 0 : i32
        %dma_wait3A_256 = tpu.memref_slice %arg6[%dma_wait3A_253, %dma_wait3A_254, %dma_wait3A_255] : memref<4x2x128xi32, #tpu.memory_space<vmem>> -> memref<1x1x128xi32, #tpu.memory_space<vmem>>
        %dma_wait3A_257 = tpu.memref_squeeze %dma_wait3A_256 : memref<1x1x128xi32, #tpu.memory_space<vmem>> -> memref<128xi32, #tpu.memory_space<vmem>>
        %dma_wait3A_258 = arith.constant 0 : i32
        %dma_wait3A_259 = arith.constant 0 : i32
        %dma_wait3A_260 = tpu.memref_slice %arg9[%dma_wait3A_258, %dma_wait3A_259] : memref<10240x128xf32, #tpu.memory_space<vmem_shared>> -> memref<10240x128xf32, #tpu.memory_space<vmem_shared>>
        tpu.wait_indirect_dma semaphore(%arg12 : memref<!tpu.dma_semaphore, #tpu.memory_space<semaphore_mem>>) src(%arg7 : memref<128x128xf32, #tpu.memory_space<vmem>>) dst(%dma_wait3A_260 : memref<10240x128xf32, #tpu.memory_space<vmem_shared>>)
        %add3A_261 = arith.constant 4 : i32
        %add3A_262 = arith.addi %mul3A_53, %add3A_261 : i32
        %lt3A_263 = arith.constant 80 : i32
        %lt3A_264 = arith.cmpi slt, %add3A_262, %lt3A_263 : i32
        %convert_element_type3A_265 = arith.extui %lt3A_264 : i1 to i32
        %cond3A_266 = arith.constant 0 : i32
        %cond3A_267 = arith.cmpi ne, %convert_element_type3A_265, %cond3A_266 : i32
        scf.if %cond3A_267 {
          %add3A_268 = arith.constant 4 : i32
          %add3A_269 = arith.addi %mul3A_53, %add3A_268 : i32
          %dma_wait3A_270 = arith.constant 0 : i32
          %dma_wait3A_271 = arith.constant 0 : i32
          %dma_wait3A_272 = arith.constant 0 : i32
          %dma_wait3A_273 = tpu.memref_slice %arg6[%dma_wait3A_270, %dma_wait3A_271, %dma_wait3A_272] : memref<4x2x128xi32, #tpu.memory_space<vmem>> -> memref<1x2x128xi32, #tpu.memory_space<vmem>>
          %dma_wait3A_274 = tpu.memref_squeeze %dma_wait3A_273 : memref<1x2x128xi32, #tpu.memory_space<vmem>> -> memref<2x128xi32, #tpu.memory_space<vmem>>
          %dma_wait3A_275 = arith.constant 0 : i32
          %dma_wait3A_276 = arith.constant 0 : i32
          %dma_wait3A_277 = tpu.memref_slice %arg3[%add3A, %add3A_269, %dma_wait3A_275, %dma_wait3A_276] : memref<32x80x2x128xi32, #tpu.memory_space<hbm>> -> memref<1x1x2x128xi32, #tpu.memory_space<hbm>>
          %dma_wait3A_278 = tpu.memref_squeeze %dma_wait3A_277 : memref<1x1x2x128xi32, #tpu.memory_space<hbm>> -> memref<2x128xi32, #tpu.memory_space<hbm>>
          %dma_wait3A_279 = arith.constant 0 : i32
          %dma_wait3A_280 = arith.constant 0 : i32
          %dma_wait3A_281 = tpu.memref_slice %arg6[%dma_wait3A_270, %dma_wait3A_279, %dma_wait3A_280] : memref<4x2x128xi32, #tpu.memory_space<vmem>> -> memref<1x2x128xi32, #tpu.memory_space<vmem>>
          %dma_wait3A_282 = tpu.memref_squeeze %dma_wait3A_281 : memref<1x2x128xi32, #tpu.memory_space<vmem>> -> memref<2x128xi32, #tpu.memory_space<vmem>>
          %dma_wait3A_283 = arith.constant 0 : i32
          %dma_wait3A_284 = arith.constant 0 : i32
          %dma_wait3A_285 = tpu.memref_slice %arg3[%add3A, %add3A_269, %dma_wait3A_283, %dma_wait3A_284] : memref<32x80x2x128xi32, #tpu.memory_space<hbm>> -> memref<1x1x2x128xi32, #tpu.memory_space<hbm>>
          %dma_wait3A_286 = tpu.memref_squeeze %dma_wait3A_285 : memref<1x1x2x128xi32, #tpu.memory_space<hbm>> -> memref<2x128xi32, #tpu.memory_space<hbm>>
          tpu.wait_dma2 semaphore(%arg14 : memref<!tpu.dma_semaphore, #tpu.memory_space<semaphore_mem>>) src(%dma_wait3A_286 : memref<2x128xi32, #tpu.memory_space<hbm>>) dst(%dma_wait3A_282 : memref<2x128xi32, #tpu.memory_space<vmem>>)
          %dma_start3A_287 = arith.constant 0 : i32
          %dma_start3A_288 = arith.constant 0 : i32
          %dma_start3A_289 = arith.constant 0 : i32
          %dma_start3A_290 = tpu.memref_slice %arg6[%dma_start3A_287, %dma_start3A_288, %dma_start3A_289] : memref<4x2x128xi32, #tpu.memory_space<vmem>> -> memref<1x1x128xi32, #tpu.memory_space<vmem>>
          %dma_start3A_291 = tpu.memref_squeeze %dma_start3A_290 : memref<1x1x128xi32, #tpu.memory_space<vmem>> -> memref<128xi32, #tpu.memory_space<vmem>>
          %dma_start3A_292 = arith.constant 0 : i32
          %dma_start3A_293 = arith.constant 0 : i32
          %dma_start3A_294 = tpu.memref_slice %arg2[%dma_start3A_292, %dma_start3A_293] : memref<10240x128xf32, #tpu.memory_space<hbm>> -> memref<10240x128xf32, #tpu.memory_space<hbm>>
          tpu.enqueue_indirect_dma source(%dma_start3A_294 : memref<10240x128xf32, #tpu.memory_space<hbm>>) target(%arg7 : memref<128x128xf32, #tpu.memory_space<vmem>>) offsets(%dma_start3A_291 : memref<128xi32, #tpu.memory_space<vmem>>) semaphore(%arg10 : memref<!tpu.dma_semaphore, #tpu.memory_space<semaphore_mem>>)
        } else {
        }
      } else {
      }
    }
    %scan3A_38 = arith.constant 20 : i32
    %dma_wait3A = arith.constant 3 : i32
    %dma_wait3A_39 = arith.constant 1 : i32
    %dma_wait3A_40 = arith.constant 0 : i32
    %dma_wait3A_41 = tpu.memref_slice %arg6[%dma_wait3A, %dma_wait3A_39, %dma_wait3A_40] : memref<4x2x128xi32, #tpu.memory_space<vmem>> -> memref<1x1x128xi32, #tpu.memory_space<vmem>>
    %dma_wait3A_42 = tpu.memref_squeeze %dma_wait3A_41 : memref<1x1x128xi32, #tpu.memory_space<vmem>> -> memref<128xi32, #tpu.memory_space<vmem>>
    %dma_wait3A_43 = arith.constant 0 : i32
    %dma_wait3A_44 = arith.constant 0 : i32
    %dma_wait3A_45 = tpu.memref_slice %arg9[%dma_wait3A_43, %dma_wait3A_44] : memref<10240x128xf32, #tpu.memory_space<vmem_shared>> -> memref<10240x128xf32, #tpu.memory_space<vmem_shared>>
    tpu.wait_indirect_dma semaphore(%arg13 : memref<!tpu.dma_semaphore, #tpu.memory_space<semaphore_mem>>) src(%arg8 : memref<128x128xf32, #tpu.memory_space<vmem>>) dst(%dma_wait3A_45 : memref<10240x128xf32, #tpu.memory_space<vmem_shared>>)
    %barrier3A_46 = arith.constant 0 : index
    tpu.barrier barrier_id(%barrier3A_46)
    %mul3A_47 = arith.constant 640 : i32
    %mul3A_48 = arith.muli %arg1, %mul3A_47 : i32
    %mul3A_49 = arith.constant 640 : i32
    %mul3A_50 = arith.muli %arg1, %mul3A_49 : i32
    "tpu.region"() ({
      %run_scoped3A_51 = tpu.sem_alloc : memref<!tpu.dma_semaphore, #tpu.memory_space<semaphore_mem>>
      %dma_start3A_52 = arith.constant 0 : i32
      %dma_start3A_53 = tpu.memref_slice %arg5[%arg0, %mul3A_50, %dma_start3A_52] : memref<2x10240x128xf32, #tpu.memory_space<hbm>> -> memref<1x640x128xf32, #tpu.memory_space<hbm>>
      %dma_start3A_54 = tpu.memref_squeeze %dma_start3A_53 : memref<1x640x128xf32, #tpu.memory_space<hbm>> -> memref<640x128xf32, #tpu.memory_space<hbm>>
      %dma_start3A_55 = arith.constant 0 : i32
      %dma_start3A_56 = tpu.memref_slice %arg9[%mul3A_48, %dma_start3A_55] : memref<10240x128xf32, #tpu.memory_space<vmem_shared>> -> memref<640x128xf32, #tpu.memory_space<vmem_shared>>
      tpu.enqueue_dma source(%dma_start3A_56 : memref<640x128xf32, #tpu.memory_space<vmem_shared>>) target(%dma_start3A_54 : memref<640x128xf32, #tpu.memory_space<hbm>>) target_semaphore(%run_scoped3A_51 : memref<!tpu.dma_semaphore, #tpu.memory_space<semaphore_mem>>)
      %dma_wait3A_57 = arith.constant 0 : i32
      %dma_wait3A_58 = tpu.memref_slice %arg5[%arg0, %mul3A_50, %dma_wait3A_57] : memref<2x10240x128xf32, #tpu.memory_space<hbm>> -> memref<1x640x128xf32, #tpu.memory_space<hbm>>
      %dma_wait3A_59 = tpu.memref_squeeze %dma_wait3A_58 : memref<1x640x128xf32, #tpu.memory_space<hbm>> -> memref<640x128xf32, #tpu.memory_space<hbm>>
      %dma_wait3A_60 = arith.constant 0 : i32
      %dma_wait3A_61 = tpu.memref_slice %arg9[%mul3A_48, %dma_wait3A_60] : memref<10240x128xf32, #tpu.memory_space<vmem_shared>> -> memref<640x128xf32, #tpu.memory_space<vmem_shared>>
      tpu.wait_dma2 semaphore(%run_scoped3A_51 : memref<!tpu.dma_semaphore, #tpu.memory_space<semaphore_mem>>) src(%dma_wait3A_61 : memref<640x128xf32, #tpu.memory_space<vmem_shared>>) dst(%dma_wait3A_59 : memref<640x128xf32, #tpu.memory_space<hbm>>)
      tpu.yield
    }) : () -> ()
    return
  }
}

#map = affine_map<(d0, d1) -> (0, 0)>
#map1 = affine_map<(d0, d1) -> (0, 0, 0, 0)>
#map2 = affine_map<(d0, d1) -> (0, 0, 0)>
module attributes {stable_mosaic.version = 14 : i64} {
  func.func @_sc_edge_body(%arg0: i32, %arg1: i32, %arg2: memref<10240x128xf32, #tpu.memory_space<hbm>>, %arg3: memref<32x80x2x128xi32, #tpu.memory_space<hbm>>, %arg4: memref<10240x128xf32, #tpu.memory_space<hbm>>, %arg5: memref<2x10240x128xf32, #tpu.memory_space<hbm>>, %arg6: memref<4x2x128xi32, #tpu.memory_space<vmem>>, %arg7: memref<128x128xf32, #tpu.memory_space<vmem>>, %arg8: memref<128x128xf32, #tpu.memory_space<vmem>>, %arg9: memref<10240x128xf32, #tpu.memory_space<vmem_shared>>, %arg10: memref<!tpu.dma_semaphore, #tpu.memory_space<semaphore_mem>>, %arg11: memref<!tpu.dma_semaphore, #tpu.memory_space<semaphore_mem>>, %arg12: memref<!tpu.dma_semaphore, #tpu.memory_space<semaphore_mem>>, %arg13: memref<!tpu.dma_semaphore, #tpu.memory_space<semaphore_mem>>, %arg14: memref<!tpu.dma_semaphore, #tpu.memory_space<semaphore_mem>>) attributes {dimension_semantics = [#tpu.dimension_semantics<core_parallel>, #tpu.dimension_semantics<subcore_parallel>], iteration_bounds = array<i64: 2, 16>, scalar_prefetch = 0 : i64, scratch_operands = 9 : i64, tpu.core_type = #tpu.core_type<sc_vector_subcore>, window_params = [{transform_indices = #map}, {transform_indices = #map1}, {transform_indices = #map}, {transform_indices = #map2}]} {
    %mul3A = arith.constant 16 : i32
    %mul3A_0 = arith.muli %arg0, %mul3A : i32
    %add3A = arith.addi %mul3A_0, %arg1 : i32
    %run_scoped3A = arith.constant 0 : i32
    %run_scoped3A_1 = arith.constant 0 : i32
    "tpu.region"() ({
      %run_scoped3A_51 = tpu.sem_alloc : memref<!tpu.dma_semaphore, #tpu.memory_space<semaphore_mem>>
      %dma_start3A_52 = arith.constant 0 : i32
      %dma_start3A_53 = arith.constant 0 : i32
      %dma_start3A_54 = tpu.memref_slice %arg6[%run_scoped3A_1, %dma_start3A_52, %dma_start3A_53] : memref<4x2x128xi32, #tpu.memory_space<vmem>> -> memref<1x2x128xi32, #tpu.memory_space<vmem>>
      %dma_start3A_55 = tpu.memref_squeeze %dma_start3A_54 : memref<1x2x128xi32, #tpu.memory_space<vmem>> -> memref<2x128xi32, #tpu.memory_space<vmem>>
      %dma_start3A_56 = arith.constant 0 : i32
      %dma_start3A_57 = arith.constant 0 : i32
      %dma_start3A_58 = tpu.memref_slice %arg3[%add3A, %run_scoped3A, %dma_start3A_56, %dma_start3A_57] : memref<32x80x2x128xi32, #tpu.memory_space<hbm>> -> memref<1x1x2x128xi32, #tpu.memory_space<hbm>>
      %dma_start3A_59 = tpu.memref_squeeze %dma_start3A_58 : memref<1x1x2x128xi32, #tpu.memory_space<hbm>> -> memref<2x128xi32, #tpu.memory_space<hbm>>
      %dma_start3A_60 = arith.constant 0 : i32
      %dma_start3A_61 = arith.constant 0 : i32
      %dma_start3A_62 = tpu.memref_slice %arg6[%run_scoped3A_1, %dma_start3A_60, %dma_start3A_61] : memref<4x2x128xi32, #tpu.memory_space<vmem>> -> memref<1x2x128xi32, #tpu.memory_space<vmem>>
      %dma_start3A_63 = tpu.memref_squeeze %dma_start3A_62 : memref<1x2x128xi32, #tpu.memory_space<vmem>> -> memref<2x128xi32, #tpu.memory_space<vmem>>
      %dma_start3A_64 = arith.constant 0 : i32
      %dma_start3A_65 = arith.constant 0 : i32
      %dma_start3A_66 = tpu.memref_slice %arg3[%add3A, %run_scoped3A, %dma_start3A_64, %dma_start3A_65] : memref<32x80x2x128xi32, #tpu.memory_space<hbm>> -> memref<1x1x2x128xi32, #tpu.memory_space<hbm>>
      %dma_start3A_67 = tpu.memref_squeeze %dma_start3A_66 : memref<1x1x2x128xi32, #tpu.memory_space<hbm>> -> memref<2x128xi32, #tpu.memory_space<hbm>>
      tpu.enqueue_dma source(%dma_start3A_67 : memref<2x128xi32, #tpu.memory_space<hbm>>) target(%dma_start3A_63 : memref<2x128xi32, #tpu.memory_space<vmem>>) target_semaphore(%run_scoped3A_51 : memref<!tpu.dma_semaphore, #tpu.memory_space<semaphore_mem>>)
      %dma_wait3A_68 = arith.constant 0 : i32
      %dma_wait3A_69 = arith.constant 0 : i32
      %dma_wait3A_70 = tpu.memref_slice %arg6[%run_scoped3A_1, %dma_wait3A_68, %dma_wait3A_69] : memref<4x2x128xi32, #tpu.memory_space<vmem>> -> memref<1x2x128xi32, #tpu.memory_space<vmem>>
      %dma_wait3A_71 = tpu.memref_squeeze %dma_wait3A_70 : memref<1x2x128xi32, #tpu.memory_space<vmem>> -> memref<2x128xi32, #tpu.memory_space<vmem>>
      %dma_wait3A_72 = arith.constant 0 : i32
      %dma_wait3A_73 = arith.constant 0 : i32
      %dma_wait3A_74 = tpu.memref_slice %arg3[%add3A, %run_scoped3A, %dma_wait3A_72, %dma_wait3A_73] : memref<32x80x2x128xi32, #tpu.memory_space<hbm>> -> memref<1x1x2x128xi32, #tpu.memory_space<hbm>>
      %dma_wait3A_75 = tpu.memref_squeeze %dma_wait3A_74 : memref<1x1x2x128xi32, #tpu.memory_space<hbm>> -> memref<2x128xi32, #tpu.memory_space<hbm>>
      %dma_wait3A_76 = arith.constant 0 : i32
      %dma_wait3A_77 = arith.constant 0 : i32
      %dma_wait3A_78 = tpu.memref_slice %arg6[%run_scoped3A_1, %dma_wait3A_76, %dma_wait3A_77] : memref<4x2x128xi32, #tpu.memory_space<vmem>> -> memref<1x2x128xi32, #tpu.memory_space<vmem>>
      %dma_wait3A_79 = tpu.memref_squeeze %dma_wait3A_78 : memref<1x2x128xi32, #tpu.memory_space<vmem>> -> memref<2x128xi32, #tpu.memory_space<vmem>>
      %dma_wait3A_80 = arith.constant 0 : i32
      %dma_wait3A_81 = arith.constant 0 : i32
      %dma_wait3A_82 = tpu.memref_slice %arg3[%add3A, %run_scoped3A, %dma_wait3A_80, %dma_wait3A_81] : memref<32x80x2x128xi32, #tpu.memory_space<hbm>> -> memref<1x1x2x128xi32, #tpu.memory_space<hbm>>
      %dma_wait3A_83 = tpu.memref_squeeze %dma_wait3A_82 : memref<1x1x2x128xi32, #tpu.memory_space<hbm>> -> memref<2x128xi32, #tpu.memory_space<hbm>>
      tpu.wait_dma2 semaphore(%run_scoped3A_51 : memref<!tpu.dma_semaphore, #tpu.memory_space<semaphore_mem>>) src(%dma_wait3A_83 : memref<2x128xi32, #tpu.memory_space<hbm>>) dst(%dma_wait3A_79 : memref<2x128xi32, #tpu.memory_space<vmem>>)
      tpu.yield
    }) : () -> ()
    %dma_start3A = arith.constant 0 : i32
    %dma_start3A_2 = arith.constant 0 : i32
    %dma_start3A_3 = arith.constant 0 : i32
    %dma_start3A_4 = tpu.memref_slice %arg6[%dma_start3A, %dma_start3A_2, %dma_start3A_3] : memref<4x2x128xi32, #tpu.memory_space<vmem>> -> memref<1x1x128xi32, #tpu.memory_space<vmem>>
    %dma_start3A_5 = tpu.memref_squeeze %dma_start3A_4 : memref<1x1x128xi32, #tpu.memory_space<vmem>> -> memref<128xi32, #tpu.memory_space<vmem>>
    %dma_start3A_6 = arith.constant 0 : i32
    %dma_start3A_7 = arith.constant 0 : i32
    %dma_start3A_8 = tpu.memref_slice %arg2[%dma_start3A_6, %dma_start3A_7] : memref<10240x128xf32, #tpu.memory_space<hbm>> -> memref<10240x128xf32, #tpu.memory_space<hbm>>
    tpu.enqueue_indirect_dma source(%dma_start3A_8 : memref<10240x128xf32, #tpu.memory_space<hbm>>) target(%arg7 : memref<128x128xf32, #tpu.memory_space<vmem>>) offsets(%dma_start3A_5 : memref<128xi32, #tpu.memory_space<vmem>>) semaphore(%arg10 : memref<!tpu.dma_semaphore, #tpu.memory_space<semaphore_mem>>)
    %dma_start3A_9 = arith.constant 1 : i32
    %dma_start3A_10 = arith.constant 1 : i32
    %dma_start3A_11 = arith.constant 0 : i32
    %dma_start3A_12 = arith.constant 0 : i32
    %dma_start3A_13 = tpu.memref_slice %arg6[%dma_start3A_10, %dma_start3A_11, %dma_start3A_12] : memref<4x2x128xi32, #tpu.memory_space<vmem>> -> memref<1x2x128xi32, #tpu.memory_space<vmem>>
    %dma_start3A_14 = tpu.memref_squeeze %dma_start3A_13 : memref<1x2x128xi32, #tpu.memory_space<vmem>> -> memref<2x128xi32, #tpu.memory_space<vmem>>
    %dma_start3A_15 = arith.constant 0 : i32
    %dma_start3A_16 = arith.constant 0 : i32
    %dma_start3A_17 = tpu.memref_slice %arg3[%add3A, %dma_start3A_9, %dma_start3A_15, %dma_start3A_16] : memref<32x80x2x128xi32, #tpu.memory_space<hbm>> -> memref<1x1x2x128xi32, #tpu.memory_space<hbm>>
    %dma_start3A_18 = tpu.memref_squeeze %dma_start3A_17 : memref<1x1x2x128xi32, #tpu.memory_space<hbm>> -> memref<2x128xi32, #tpu.memory_space<hbm>>
    %dma_start3A_19 = arith.constant 0 : i32
    %dma_start3A_20 = arith.constant 0 : i32
    %dma_start3A_21 = tpu.memref_slice %arg6[%dma_start3A_10, %dma_start3A_19, %dma_start3A_20] : memref<4x2x128xi32, #tpu.memory_space<vmem>> -> memref<1x2x128xi32, #tpu.memory_space<vmem>>
    %dma_start3A_22 = tpu.memref_squeeze %dma_start3A_21 : memref<1x2x128xi32, #tpu.memory_space<vmem>> -> memref<2x128xi32, #tpu.memory_space<vmem>>
    %dma_start3A_23 = arith.constant 0 : i32
    %dma_start3A_24 = arith.constant 0 : i32
    %dma_start3A_25 = tpu.memref_slice %arg3[%add3A, %dma_start3A_9, %dma_start3A_23, %dma_start3A_24] : memref<32x80x2x128xi32, #tpu.memory_space<hbm>> -> memref<1x1x2x128xi32, #tpu.memory_space<hbm>>
    %dma_start3A_26 = tpu.memref_squeeze %dma_start3A_25 : memref<1x1x2x128xi32, #tpu.memory_space<hbm>> -> memref<2x128xi32, #tpu.memory_space<hbm>>
    tpu.enqueue_dma source(%dma_start3A_26 : memref<2x128xi32, #tpu.memory_space<hbm>>) target(%dma_start3A_22 : memref<2x128xi32, #tpu.memory_space<vmem>>) target_semaphore(%arg14 : memref<!tpu.dma_semaphore, #tpu.memory_space<semaphore_mem>>)
    %eq3A = arith.constant 0 : i32
    %eq3A_27 = arith.cmpi eq, %arg0, %eq3A : i32
    %convert_element_type3A = arith.extui %eq3A_27 : i1 to i32
    %cond3A = arith.constant 0 : i32
    %cond3A_28 = arith.cmpi ne, %convert_element_type3A, %cond3A : i32
    scf.if %cond3A_28 {
      %mul3A_51 = arith.constant 640 : i32
      %mul3A_52 = arith.muli %arg1, %mul3A_51 : i32
      %mul3A_53 = arith.constant 640 : i32
      %mul3A_54 = arith.muli %arg1, %mul3A_53 : i32
      "tpu.region"() ({
        %run_scoped3A_55 = tpu.sem_alloc : memref<!tpu.dma_semaphore, #tpu.memory_space<semaphore_mem>>
        %dma_start3A_56 = arith.constant 0 : i32
        %dma_start3A_57 = tpu.memref_slice %arg9[%mul3A_54, %dma_start3A_56] : memref<10240x128xf32, #tpu.memory_space<vmem_shared>> -> memref<640x128xf32, #tpu.memory_space<vmem_shared>>
        %dma_start3A_58 = arith.constant 0 : i32
        %dma_start3A_59 = tpu.memref_slice %arg2[%mul3A_52, %dma_start3A_58] : memref<10240x128xf32, #tpu.memory_space<hbm>> -> memref<640x128xf32, #tpu.memory_space<hbm>>
        tpu.enqueue_dma source(%dma_start3A_59 : memref<640x128xf32, #tpu.memory_space<hbm>>) target(%dma_start3A_57 : memref<640x128xf32, #tpu.memory_space<vmem_shared>>) target_semaphore(%run_scoped3A_55 : memref<!tpu.dma_semaphore, #tpu.memory_space<semaphore_mem>>)
        %dma_wait3A_60 = arith.constant 0 : i32
        %dma_wait3A_61 = tpu.memref_slice %arg9[%mul3A_54, %dma_wait3A_60] : memref<10240x128xf32, #tpu.memory_space<vmem_shared>> -> memref<640x128xf32, #tpu.memory_space<vmem_shared>>
        %dma_wait3A_62 = arith.constant 0 : i32
        %dma_wait3A_63 = tpu.memref_slice %arg2[%mul3A_52, %dma_wait3A_62] : memref<10240x128xf32, #tpu.memory_space<hbm>> -> memref<640x128xf32, #tpu.memory_space<hbm>>
        tpu.wait_dma2 semaphore(%run_scoped3A_55 : memref<!tpu.dma_semaphore, #tpu.memory_space<semaphore_mem>>) src(%dma_wait3A_63 : memref<640x128xf32, #tpu.memory_space<hbm>>) dst(%dma_wait3A_61 : memref<640x128xf32, #tpu.memory_space<vmem_shared>>)
        tpu.yield
      }) : () -> ()
    } else {
    }
    %eq3A_29 = arith.constant 1 : i32
    %eq3A_30 = arith.cmpi eq, %arg0, %eq3A_29 : i32
    %convert_element_type3A_31 = arith.extui %eq3A_30 : i1 to i32
    %cond3A_32 = arith.constant 0 : i32
    %cond3A_33 = arith.cmpi ne, %convert_element_type3A_31, %cond3A_32 : i32
    scf.if %cond3A_33 {
      %mul3A_51 = arith.constant 640 : i32
      %mul3A_52 = arith.muli %arg1, %mul3A_51 : i32
      %mul3A_53 = arith.constant 640 : i32
      %mul3A_54 = arith.muli %arg1, %mul3A_53 : i32
      "tpu.region"() ({
        %run_scoped3A_55 = tpu.sem_alloc : memref<!tpu.dma_semaphore, #tpu.memory_space<semaphore_mem>>
        %dma_start3A_56 = arith.constant 0 : i32
        %dma_start3A_57 = tpu.memref_slice %arg9[%mul3A_54, %dma_start3A_56] : memref<10240x128xf32, #tpu.memory_space<vmem_shared>> -> memref<640x128xf32, #tpu.memory_space<vmem_shared>>
        %dma_start3A_58 = arith.constant 0 : i32
        %dma_start3A_59 = tpu.memref_slice %arg4[%mul3A_52, %dma_start3A_58] : memref<10240x128xf32, #tpu.memory_space<hbm>> -> memref<640x128xf32, #tpu.memory_space<hbm>>
        tpu.enqueue_dma source(%dma_start3A_59 : memref<640x128xf32, #tpu.memory_space<hbm>>) target(%dma_start3A_57 : memref<640x128xf32, #tpu.memory_space<vmem_shared>>) target_semaphore(%run_scoped3A_55 : memref<!tpu.dma_semaphore, #tpu.memory_space<semaphore_mem>>)
        %dma_wait3A_60 = arith.constant 0 : i32
        %dma_wait3A_61 = tpu.memref_slice %arg9[%mul3A_54, %dma_wait3A_60] : memref<10240x128xf32, #tpu.memory_space<vmem_shared>> -> memref<640x128xf32, #tpu.memory_space<vmem_shared>>
        %dma_wait3A_62 = arith.constant 0 : i32
        %dma_wait3A_63 = tpu.memref_slice %arg4[%mul3A_52, %dma_wait3A_62] : memref<10240x128xf32, #tpu.memory_space<hbm>> -> memref<640x128xf32, #tpu.memory_space<hbm>>
        tpu.wait_dma2 semaphore(%run_scoped3A_55 : memref<!tpu.dma_semaphore, #tpu.memory_space<semaphore_mem>>) src(%dma_wait3A_63 : memref<640x128xf32, #tpu.memory_space<hbm>>) dst(%dma_wait3A_61 : memref<640x128xf32, #tpu.memory_space<vmem_shared>>)
        tpu.yield
      }) : () -> ()
    } else {
    }
    %barrier3A = arith.constant 0 : index
    tpu.barrier barrier_id(%barrier3A)
    %scan3A = arith.constant 0 : i32
    %scan3A_34 = arith.constant 0 : i32
    %scan3A_35 = arith.constant 20 : i32
    %scan3A_36 = arith.addi %scan3A_34, %scan3A_35 : i32
    %scan3A_37 = arith.constant 1 : i32
    scf.for %scan3A_51 = %scan3A_34 to %scan3A_36 step %scan3A_37  : i32 {
      %mul3A_52 = arith.constant 4 : i32
      %mul3A_53 = arith.muli %mul3A_52, %scan3A_51 : i32
      %dma_wait3A_54 = arith.constant 0 : i32
      %dma_wait3A_55 = arith.constant 0 : i32
      %dma_wait3A_56 = arith.constant 0 : i32
      %dma_wait3A_57 = tpu.memref_slice %arg6[%dma_wait3A_54, %dma_wait3A_55, %dma_wait3A_56] : memref<4x2x128xi32, #tpu.memory_space<vmem>> -> memref<1x1x128xi32, #tpu.memory_space<vmem>>
      %dma_wait3A_58 = tpu.memref_squeeze %dma_wait3A_57 : memref<1x1x128xi32, #tpu.memory_space<vmem>> -> memref<128xi32, #tpu.memory_space<vmem>>
      %dma_wait3A_59 = arith.constant 0 : i32
      %dma_wait3A_60 = arith.constant 0 : i32
      %dma_wait3A_61 = tpu.memref_slice %arg2[%dma_wait3A_59, %dma_wait3A_60] : memref<10240x128xf32, #tpu.memory_space<hbm>> -> memref<10240x128xf32, #tpu.memory_space<hbm>>
      tpu.wait_indirect_dma semaphore(%arg10 : memref<!tpu.dma_semaphore, #tpu.memory_space<semaphore_mem>>) src(%dma_wait3A_61 : memref<10240x128xf32, #tpu.memory_space<hbm>>) dst(%arg7 : memref<128x128xf32, #tpu.memory_space<vmem>>)
      %dma_start3A_62 = arith.constant 0 : i32
      %dma_start3A_63 = arith.constant 1 : i32
      %dma_start3A_64 = arith.constant 0 : i32
      %dma_start3A_65 = tpu.memref_slice %arg6[%dma_start3A_62, %dma_start3A_63, %dma_start3A_64] : memref<4x2x128xi32, #tpu.memory_space<vmem>> -> memref<1x1x128xi32, #tpu.memory_space<vmem>>
      %dma_start3A_66 = tpu.memref_squeeze %dma_start3A_65 : memref<1x1x128xi32, #tpu.memory_space<vmem>> -> memref<128xi32, #tpu.memory_space<vmem>>
      %dma_start3A_67 = arith.constant 0 : i32
      %dma_start3A_68 = arith.constant 0 : i32
      %dma_start3A_69 = tpu.memref_slice %arg9[%dma_start3A_67, %dma_start3A_68] : memref<10240x128xf32, #tpu.memory_space<vmem_shared>> -> memref<10240x128xf32, #tpu.memory_space<vmem_shared>>
      tpu.enqueue_indirect_dma source(%arg7 : memref<128x128xf32, #tpu.memory_space<vmem>>) target(%dma_start3A_69 : memref<10240x128xf32, #tpu.memory_space<vmem_shared>>) offsets(%dma_start3A_66 : memref<128xi32, #tpu.memory_space<vmem>>) semaphore(%arg12 : memref<!tpu.dma_semaphore, #tpu.memory_space<semaphore_mem>>) {add = true}
      %add3A_70 = arith.constant 2 : i32
      %add3A_71 = arith.addi %mul3A_53, %add3A_70 : i32
      %lt3A = arith.constant 80 : i32
      %lt3A_72 = arith.cmpi slt, %add3A_71, %lt3A : i32
      %convert_element_type3A_73 = arith.extui %lt3A_72 : i1 to i32
      %cond3A_74 = arith.constant 0 : i32
      %cond3A_75 = arith.cmpi ne, %convert_element_type3A_73, %cond3A_74 : i32
      scf.if %cond3A_75 {
        %add3A_145 = arith.constant 2 : i32
        %add3A_146 = arith.addi %mul3A_53, %add3A_145 : i32
        %dma_start3A_147 = arith.constant 2 : i32
        %dma_start3A_148 = arith.constant 0 : i32
        %dma_start3A_149 = arith.constant 0 : i32
        %dma_start3A_150 = tpu.memref_slice %arg6[%dma_start3A_147, %dma_start3A_148, %dma_start3A_149] : memref<4x2x128xi32, #tpu.memory_space<vmem>> -> memref<1x2x128xi32, #tpu.memory_space<vmem>>
        %dma_start3A_151 = tpu.memref_squeeze %dma_start3A_150 : memref<1x2x128xi32, #tpu.memory_space<vmem>> -> memref<2x128xi32, #tpu.memory_space<vmem>>
        %dma_start3A_152 = arith.constant 0 : i32
        %dma_start3A_153 = arith.constant 0 : i32
        %dma_start3A_154 = tpu.memref_slice %arg3[%add3A, %add3A_146, %dma_start3A_152, %dma_start3A_153] : memref<32x80x2x128xi32, #tpu.memory_space<hbm>> -> memref<1x1x2x128xi32, #tpu.memory_space<hbm>>
        %dma_start3A_155 = tpu.memref_squeeze %dma_start3A_154 : memref<1x1x2x128xi32, #tpu.memory_space<hbm>> -> memref<2x128xi32, #tpu.memory_space<hbm>>
        %dma_start3A_156 = arith.constant 0 : i32
        %dma_start3A_157 = arith.constant 0 : i32
        %dma_start3A_158 = tpu.memref_slice %arg6[%dma_start3A_147, %dma_start3A_156, %dma_start3A_157] : memref<4x2x128xi32, #tpu.memory_space<vmem>> -> memref<1x2x128xi32, #tpu.memory_space<vmem>>
        %dma_start3A_159 = tpu.memref_squeeze %dma_start3A_158 : memref<1x2x128xi32, #tpu.memory_space<vmem>> -> memref<2x128xi32, #tpu.memory_space<vmem>>
        %dma_start3A_160 = arith.constant 0 : i32
        %dma_start3A_161 = arith.constant 0 : i32
        %dma_start3A_162 = tpu.memref_slice %arg3[%add3A, %add3A_146, %dma_start3A_160, %dma_start3A_161] : memref<32x80x2x128xi32, #tpu.memory_space<hbm>> -> memref<1x1x2x128xi32, #tpu.memory_space<hbm>>
        %dma_start3A_163 = tpu.memref_squeeze %dma_start3A_162 : memref<1x1x2x128xi32, #tpu.memory_space<hbm>> -> memref<2x128xi32, #tpu.memory_space<hbm>>
        tpu.enqueue_dma source(%dma_start3A_163 : memref<2x128xi32, #tpu.memory_space<hbm>>) target(%dma_start3A_159 : memref<2x128xi32, #tpu.memory_space<vmem>>) target_semaphore(%arg14 : memref<!tpu.dma_semaphore, #tpu.memory_space<semaphore_mem>>)
      } else {
      }
      %gt3A = arith.constant 0 : i32
      %gt3A_76 = arith.cmpi sgt, %scan3A_51, %gt3A : i32
      %convert_element_type3A_77 = arith.extui %gt3A_76 : i1 to i32
      %cond3A_78 = arith.constant 0 : i32
      %cond3A_79 = arith.cmpi ne, %convert_element_type3A_77, %cond3A_78 : i32
      scf.if %cond3A_79 {
        %dma_wait3A_145 = arith.constant 3 : i32
        %dma_wait3A_146 = arith.constant 1 : i32
        %dma_wait3A_147 = arith.constant 0 : i32
        %dma_wait3A_148 = tpu.memref_slice %arg6[%dma_wait3A_145, %dma_wait3A_146, %dma_wait3A_147] : memref<4x2x128xi32, #tpu.memory_space<vmem>> -> memref<1x1x128xi32, #tpu.memory_space<vmem>>
        %dma_wait3A_149 = tpu.memref_squeeze %dma_wait3A_148 : memref<1x1x128xi32, #tpu.memory_space<vmem>> -> memref<128xi32, #tpu.memory_space<vmem>>
        %dma_wait3A_150 = arith.constant 0 : i32
        %dma_wait3A_151 = arith.constant 0 : i32
        %dma_wait3A_152 = tpu.memref_slice %arg9[%dma_wait3A_150, %dma_wait3A_151] : memref<10240x128xf32, #tpu.memory_space<vmem_shared>> -> memref<10240x128xf32, #tpu.memory_space<vmem_shared>>
        tpu.wait_indirect_dma semaphore(%arg13 : memref<!tpu.dma_semaphore, #tpu.memory_space<semaphore_mem>>) src(%arg8 : memref<128x128xf32, #tpu.memory_space<vmem>>) dst(%dma_wait3A_152 : memref<10240x128xf32, #tpu.memory_space<vmem_shared>>)
      } else {
      }
      %add3A_80 = arith.constant 1 : i32
      %add3A_81 = arith.addi %mul3A_53, %add3A_80 : i32
      %dma_wait3A_82 = arith.constant 1 : i32
      %dma_wait3A_83 = arith.constant 0 : i32
      %dma_wait3A_84 = arith.constant 0 : i32
      %dma_wait3A_85 = tpu.memref_slice %arg6[%dma_wait3A_82, %dma_wait3A_83, %dma_wait3A_84] : memref<4x2x128xi32, #tpu.memory_space<vmem>> -> memref<1x2x128xi32, #tpu.memory_space<vmem>>
      %dma_wait3A_86 = tpu.memref_squeeze %dma_wait3A_85 : memref<1x2x128xi32, #tpu.memory_space<vmem>> -> memref<2x128xi32, #tpu.memory_space<vmem>>
      %dma_wait3A_87 = arith.constant 0 : i32
      %dma_wait3A_88 = arith.constant 0 : i32
      %dma_wait3A_89 = tpu.memref_slice %arg3[%add3A, %add3A_81, %dma_wait3A_87, %dma_wait3A_88] : memref<32x80x2x128xi32, #tpu.memory_space<hbm>> -> memref<1x1x2x128xi32, #tpu.memory_space<hbm>>
      %dma_wait3A_90 = tpu.memref_squeeze %dma_wait3A_89 : memref<1x1x2x128xi32, #tpu.memory_space<hbm>> -> memref<2x128xi32, #tpu.memory_space<hbm>>
      %dma_wait3A_91 = arith.constant 0 : i32
      %dma_wait3A_92 = arith.constant 0 : i32
      %dma_wait3A_93 = tpu.memref_slice %arg6[%dma_wait3A_82, %dma_wait3A_91, %dma_wait3A_92] : memref<4x2x128xi32, #tpu.memory_space<vmem>> -> memref<1x2x128xi32, #tpu.memory_space<vmem>>
      %dma_wait3A_94 = tpu.memref_squeeze %dma_wait3A_93 : memref<1x2x128xi32, #tpu.memory_space<vmem>> -> memref<2x128xi32, #tpu.memory_space<vmem>>
      %dma_wait3A_95 = arith.constant 0 : i32
      %dma_wait3A_96 = arith.constant 0 : i32
      %dma_wait3A_97 = tpu.memref_slice %arg3[%add3A, %add3A_81, %dma_wait3A_95, %dma_wait3A_96] : memref<32x80x2x128xi32, #tpu.memory_space<hbm>> -> memref<1x1x2x128xi32, #tpu.memory_space<hbm>>
      %dma_wait3A_98 = tpu.memref_squeeze %dma_wait3A_97 : memref<1x1x2x128xi32, #tpu.memory_space<hbm>> -> memref<2x128xi32, #tpu.memory_space<hbm>>
      tpu.wait_dma2 semaphore(%arg14 : memref<!tpu.dma_semaphore, #tpu.memory_space<semaphore_mem>>) src(%dma_wait3A_98 : memref<2x128xi32, #tpu.memory_space<hbm>>) dst(%dma_wait3A_94 : memref<2x128xi32, #tpu.memory_space<vmem>>)
      %dma_start3A_99 = arith.constant 1 : i32
      %dma_start3A_100 = arith.constant 0 : i32
      %dma_start3A_101 = arith.constant 0 : i32
      %dma_start3A_102 = tpu.memref_slice %arg6[%dma_start3A_99, %dma_start3A_100, %dma_start3A_101] : memref<4x2x128xi32, #tpu.memory_space<vmem>> -> memref<1x1x128xi32, #tpu.memory_space<vmem>>
      %dma_start3A_103 = tpu.memref_squeeze %dma_start3A_102 : memref<1x1x128xi32, #tpu.memory_space<vmem>> -> memref<128xi32, #tpu.memory_space<vmem>>
      %dma_start3A_104 = arith.constant 0 : i32
      %dma_start3A_105 = arith.constant 0 : i32
      %dma_start3A_106 = tpu.memref_slice %arg2[%dma_start3A_104, %dma_start3A_105] : memref<10240x128xf32, #tpu.memory_space<hbm>> -> memref<10240x128xf32, #tpu.memory_space<hbm>>
      tpu.enqueue_indirect_dma source(%dma_start3A_106 : memref<10240x128xf32, #tpu.memory_space<hbm>>) target(%arg8 : memref<128x128xf32, #tpu.memory_space<vmem>>) offsets(%dma_start3A_103 : memref<128xi32, #tpu.memory_space<vmem>>) semaphore(%arg11 : memref<!tpu.dma_semaphore, #tpu.memory_space<semaphore_mem>>)
      %dma_wait3A_107 = arith.constant 1 : i32
      %dma_wait3A_108 = arith.constant 0 : i32
      %dma_wait3A_109 = arith.constant 0 : i32
      %dma_wait3A_110 = tpu.memref_slice %arg6[%dma_wait3A_107, %dma_wait3A_108, %dma_wait3A_109] : memref<4x2x128xi32, #tpu.memory_space<vmem>> -> memref<1x1x128xi32, #tpu.memory_space<vmem>>
      %dma_wait3A_111 = tpu.memref_squeeze %dma_wait3A_110 : memref<1x1x128xi32, #tpu.memory_space<vmem>> -> memref<128xi32, #tpu.memory_space<vmem>>
      %dma_wait3A_112 = arith.constant 0 : i32
      %dma_wait3A_113 = arith.constant 0 : i32
      %dma_wait3A_114 = tpu.memref_slice %arg2[%dma_wait3A_112, %dma_wait3A_113] : memref<10240x128xf32, #tpu.memory_space<hbm>> -> memref<10240x128xf32, #tpu.memory_space<hbm>>
      tpu.wait_indirect_dma semaphore(%arg11 : memref<!tpu.dma_semaphore, #tpu.memory_space<semaphore_mem>>) src(%dma_wait3A_114 : memref<10240x128xf32, #tpu.memory_space<hbm>>) dst(%arg8 : memref<128x128xf32, #tpu.memory_space<vmem>>)
      %dma_start3A_115 = arith.constant 1 : i32
      %dma_start3A_116 = arith.constant 1 : i32
      %dma_start3A_117 = arith.constant 0 : i32
      %dma_start3A_118 = tpu.memref_slice %arg6[%dma_start3A_115, %dma_start3A_116, %dma_start3A_117] : memref<4x2x128xi32, #tpu.memory_space<vmem>> -> memref<1x1x128xi32, #tpu.memory_space<vmem>>
      %dma_start3A_119 = tpu.memref_squeeze %dma_start3A_118 : memref<1x1x128xi32, #tpu.memory_space<vmem>> -> memref<128xi32, #tpu.memory_space<vmem>>
      %dma_start3A_120 = arith.constant 0 : i32
      %dma_start3A_121 = arith.constant 0 : i32
      %dma_start3A_122 = tpu.memref_slice %arg9[%dma_start3A_120, %dma_start3A_121] : memref<10240x128xf32, #tpu.memory_space<vmem_shared>> -> memref<10240x128xf32, #tpu.memory_space<vmem_shared>>
      tpu.enqueue_indirect_dma source(%arg8 : memref<128x128xf32, #tpu.memory_space<vmem>>) target(%dma_start3A_122 : memref<10240x128xf32, #tpu.memory_space<vmem_shared>>) offsets(%dma_start3A_119 : memref<128xi32, #tpu.memory_space<vmem>>) semaphore(%arg13 : memref<!tpu.dma_semaphore, #tpu.memory_space<semaphore_mem>>) {add = true}
      %add3A_123 = arith.constant 3 : i32
      %add3A_124 = arith.addi %mul3A_53, %add3A_123 : i32
      %lt3A_125 = arith.constant 80 : i32
      %lt3A_126 = arith.cmpi slt, %add3A_124, %lt3A_125 : i32
      %convert_element_type3A_127 = arith.extui %lt3A_126 : i1 to i32
      %cond3A_128 = arith.constant 0 : i32
      %cond3A_129 = arith.cmpi ne, %convert_element_type3A_127, %cond3A_128 : i32
      scf.if %cond3A_129 {
        %add3A_145 = arith.constant 3 : i32
        %add3A_146 = arith.addi %mul3A_53, %add3A_145 : i32
        %dma_start3A_147 = arith.constant 3 : i32
        %dma_start3A_148 = arith.constant 0 : i32
        %dma_start3A_149 = arith.constant 0 : i32
        %dma_start3A_150 = tpu.memref_slice %arg6[%dma_start3A_147, %dma_start3A_148, %dma_start3A_149] : memref<4x2x128xi32, #tpu.memory_space<vmem>> -> memref<1x2x128xi32, #tpu.memory_space<vmem>>
        %dma_start3A_151 = tpu.memref_squeeze %dma_start3A_150 : memref<1x2x128xi32, #tpu.memory_space<vmem>> -> memref<2x128xi32, #tpu.memory_space<vmem>>
        %dma_start3A_152 = arith.constant 0 : i32
        %dma_start3A_153 = arith.constant 0 : i32
        %dma_start3A_154 = tpu.memref_slice %arg3[%add3A, %add3A_146, %dma_start3A_152, %dma_start3A_153] : memref<32x80x2x128xi32, #tpu.memory_space<hbm>> -> memref<1x1x2x128xi32, #tpu.memory_space<hbm>>
        %dma_start3A_155 = tpu.memref_squeeze %dma_start3A_154 : memref<1x1x2x128xi32, #tpu.memory_space<hbm>> -> memref<2x128xi32, #tpu.memory_space<hbm>>
        %dma_start3A_156 = arith.constant 0 : i32
        %dma_start3A_157 = arith.constant 0 : i32
        %dma_start3A_158 = tpu.memref_slice %arg6[%dma_start3A_147, %dma_start3A_156, %dma_start3A_157] : memref<4x2x128xi32, #tpu.memory_space<vmem>> -> memref<1x2x128xi32, #tpu.memory_space<vmem>>
        %dma_start3A_159 = tpu.memref_squeeze %dma_start3A_158 : memref<1x2x128xi32, #tpu.memory_space<vmem>> -> memref<2x128xi32, #tpu.memory_space<vmem>>
        %dma_start3A_160 = arith.constant 0 : i32
        %dma_start3A_161 = arith.constant 0 : i32
        %dma_start3A_162 = tpu.memref_slice %arg3[%add3A, %add3A_146, %dma_start3A_160, %dma_start3A_161] : memref<32x80x2x128xi32, #tpu.memory_space<hbm>> -> memref<1x1x2x128xi32, #tpu.memory_space<hbm>>
        %dma_start3A_163 = tpu.memref_squeeze %dma_start3A_162 : memref<1x1x2x128xi32, #tpu.memory_space<hbm>> -> memref<2x128xi32, #tpu.memory_space<hbm>>
        tpu.enqueue_dma source(%dma_start3A_163 : memref<2x128xi32, #tpu.memory_space<hbm>>) target(%dma_start3A_159 : memref<2x128xi32, #tpu.memory_space<vmem>>) target_semaphore(%arg14 : memref<!tpu.dma_semaphore, #tpu.memory_space<semaphore_mem>>)
      } else {
      }
      %dma_wait3A_130 = arith.constant 0 : i32
      %dma_wait3A_131 = arith.constant 1 : i32
      %dma_wait3A_132 = arith.constant 0 : i32
      %dma_wait3A_133 = tpu.memref_slice %arg6[%dma_wait3A_130, %dma_wait3A_131, %dma_wait3A_132] : memref<4x2x128xi32, #tpu.memory_space<vmem>> -> memref<1x1x128xi32, #tpu.memory_space<vmem>>
      %dma_wait3A_134 = tpu.memref_squeeze %dma_wait3A_133 : memref<1x1x128xi32, #tpu.memory_space<vmem>> -> memref<128xi32, #tpu.memory_space<vmem>>
      %dma_wait3A_135 = arith.constant 0 : i32
      %dma_wait3A_136 = arith.constant 0 : i32
      %dma_wait3A_137 = tpu.memref_slice %arg9[%dma_wait3A_135, %dma_wait3A_136] : memref<10240x128xf32, #tpu.memory_space<vmem_shared>> -> memref<10240x128xf32, #tpu.memory_space<vmem_shared>>
      tpu.wait_indirect_dma semaphore(%arg12 : memref<!tpu.dma_semaphore, #tpu.memory_space<semaphore_mem>>) src(%arg7 : memref<128x128xf32, #tpu.memory_space<vmem>>) dst(%dma_wait3A_137 : memref<10240x128xf32, #tpu.memory_space<vmem_shared>>)
      %add3A_138 = arith.constant 2 : i32
      %add3A_139 = arith.addi %mul3A_53, %add3A_138 : i32
      %lt3A_140 = arith.constant 80 : i32
      %lt3A_141 = arith.cmpi slt, %add3A_139, %lt3A_140 : i32
      %convert_element_type3A_142 = arith.extui %lt3A_141 : i1 to i32
      %cond3A_143 = arith.constant 0 : i32
      %cond3A_144 = arith.cmpi ne, %convert_element_type3A_142, %cond3A_143 : i32
      scf.if %cond3A_144 {
        %add3A_145 = arith.constant 2 : i32
        %add3A_146 = arith.addi %mul3A_53, %add3A_145 : i32
        %dma_wait3A_147 = arith.constant 2 : i32
        %dma_wait3A_148 = arith.constant 0 : i32
        %dma_wait3A_149 = arith.constant 0 : i32
        %dma_wait3A_150 = tpu.memref_slice %arg6[%dma_wait3A_147, %dma_wait3A_148, %dma_wait3A_149] : memref<4x2x128xi32, #tpu.memory_space<vmem>> -> memref<1x2x128xi32, #tpu.memory_space<vmem>>
        %dma_wait3A_151 = tpu.memref_squeeze %dma_wait3A_150 : memref<1x2x128xi32, #tpu.memory_space<vmem>> -> memref<2x128xi32, #tpu.memory_space<vmem>>
        %dma_wait3A_152 = arith.constant 0 : i32
        %dma_wait3A_153 = arith.constant 0 : i32
        %dma_wait3A_154 = tpu.memref_slice %arg3[%add3A, %add3A_146, %dma_wait3A_152, %dma_wait3A_153] : memref<32x80x2x128xi32, #tpu.memory_space<hbm>> -> memref<1x1x2x128xi32, #tpu.memory_space<hbm>>
        %dma_wait3A_155 = tpu.memref_squeeze %dma_wait3A_154 : memref<1x1x2x128xi32, #tpu.memory_space<hbm>> -> memref<2x128xi32, #tpu.memory_space<hbm>>
        %dma_wait3A_156 = arith.constant 0 : i32
        %dma_wait3A_157 = arith.constant 0 : i32
        %dma_wait3A_158 = tpu.memref_slice %arg6[%dma_wait3A_147, %dma_wait3A_156, %dma_wait3A_157] : memref<4x2x128xi32, #tpu.memory_space<vmem>> -> memref<1x2x128xi32, #tpu.memory_space<vmem>>
        %dma_wait3A_159 = tpu.memref_squeeze %dma_wait3A_158 : memref<1x2x128xi32, #tpu.memory_space<vmem>> -> memref<2x128xi32, #tpu.memory_space<vmem>>
        %dma_wait3A_160 = arith.constant 0 : i32
        %dma_wait3A_161 = arith.constant 0 : i32
        %dma_wait3A_162 = tpu.memref_slice %arg3[%add3A, %add3A_146, %dma_wait3A_160, %dma_wait3A_161] : memref<32x80x2x128xi32, #tpu.memory_space<hbm>> -> memref<1x1x2x128xi32, #tpu.memory_space<hbm>>
        %dma_wait3A_163 = tpu.memref_squeeze %dma_wait3A_162 : memref<1x1x2x128xi32, #tpu.memory_space<hbm>> -> memref<2x128xi32, #tpu.memory_space<hbm>>
        tpu.wait_dma2 semaphore(%arg14 : memref<!tpu.dma_semaphore, #tpu.memory_space<semaphore_mem>>) src(%dma_wait3A_163 : memref<2x128xi32, #tpu.memory_space<hbm>>) dst(%dma_wait3A_159 : memref<2x128xi32, #tpu.memory_space<vmem>>)
        %dma_start3A_164 = arith.constant 2 : i32
        %dma_start3A_165 = arith.constant 0 : i32
        %dma_start3A_166 = arith.constant 0 : i32
        %dma_start3A_167 = tpu.memref_slice %arg6[%dma_start3A_164, %dma_start3A_165, %dma_start3A_166] : memref<4x2x128xi32, #tpu.memory_space<vmem>> -> memref<1x1x128xi32, #tpu.memory_space<vmem>>
        %dma_start3A_168 = tpu.memref_squeeze %dma_start3A_167 : memref<1x1x128xi32, #tpu.memory_space<vmem>> -> memref<128xi32, #tpu.memory_space<vmem>>
        %dma_start3A_169 = arith.constant 0 : i32
        %dma_start3A_170 = arith.constant 0 : i32
        %dma_start3A_171 = tpu.memref_slice %arg2[%dma_start3A_169, %dma_start3A_170] : memref<10240x128xf32, #tpu.memory_space<hbm>> -> memref<10240x128xf32, #tpu.memory_space<hbm>>
        tpu.enqueue_indirect_dma source(%dma_start3A_171 : memref<10240x128xf32, #tpu.memory_space<hbm>>) target(%arg7 : memref<128x128xf32, #tpu.memory_space<vmem>>) offsets(%dma_start3A_168 : memref<128xi32, #tpu.memory_space<vmem>>) semaphore(%arg10 : memref<!tpu.dma_semaphore, #tpu.memory_space<semaphore_mem>>)
        %dma_wait3A_172 = arith.constant 2 : i32
        %dma_wait3A_173 = arith.constant 0 : i32
        %dma_wait3A_174 = arith.constant 0 : i32
        %dma_wait3A_175 = tpu.memref_slice %arg6[%dma_wait3A_172, %dma_wait3A_173, %dma_wait3A_174] : memref<4x2x128xi32, #tpu.memory_space<vmem>> -> memref<1x1x128xi32, #tpu.memory_space<vmem>>
        %dma_wait3A_176 = tpu.memref_squeeze %dma_wait3A_175 : memref<1x1x128xi32, #tpu.memory_space<vmem>> -> memref<128xi32, #tpu.memory_space<vmem>>
        %dma_wait3A_177 = arith.constant 0 : i32
        %dma_wait3A_178 = arith.constant 0 : i32
        %dma_wait3A_179 = tpu.memref_slice %arg2[%dma_wait3A_177, %dma_wait3A_178] : memref<10240x128xf32, #tpu.memory_space<hbm>> -> memref<10240x128xf32, #tpu.memory_space<hbm>>
        tpu.wait_indirect_dma semaphore(%arg10 : memref<!tpu.dma_semaphore, #tpu.memory_space<semaphore_mem>>) src(%dma_wait3A_179 : memref<10240x128xf32, #tpu.memory_space<hbm>>) dst(%arg7 : memref<128x128xf32, #tpu.memory_space<vmem>>)
        %dma_start3A_180 = arith.constant 2 : i32
        %dma_start3A_181 = arith.constant 1 : i32
        %dma_start3A_182 = arith.constant 0 : i32
        %dma_start3A_183 = tpu.memref_slice %arg6[%dma_start3A_180, %dma_start3A_181, %dma_start3A_182] : memref<4x2x128xi32, #tpu.memory_space<vmem>> -> memref<1x1x128xi32, #tpu.memory_space<vmem>>
        %dma_start3A_184 = tpu.memref_squeeze %dma_start3A_183 : memref<1x1x128xi32, #tpu.memory_space<vmem>> -> memref<128xi32, #tpu.memory_space<vmem>>
        %dma_start3A_185 = arith.constant 0 : i32
        %dma_start3A_186 = arith.constant 0 : i32
        %dma_start3A_187 = tpu.memref_slice %arg9[%dma_start3A_185, %dma_start3A_186] : memref<10240x128xf32, #tpu.memory_space<vmem_shared>> -> memref<10240x128xf32, #tpu.memory_space<vmem_shared>>
        tpu.enqueue_indirect_dma source(%arg7 : memref<128x128xf32, #tpu.memory_space<vmem>>) target(%dma_start3A_187 : memref<10240x128xf32, #tpu.memory_space<vmem_shared>>) offsets(%dma_start3A_184 : memref<128xi32, #tpu.memory_space<vmem>>) semaphore(%arg12 : memref<!tpu.dma_semaphore, #tpu.memory_space<semaphore_mem>>) {add = true}
        %add3A_188 = arith.constant 4 : i32
        %add3A_189 = arith.addi %mul3A_53, %add3A_188 : i32
        %lt3A_190 = arith.constant 80 : i32
        %lt3A_191 = arith.cmpi slt, %add3A_189, %lt3A_190 : i32
        %convert_element_type3A_192 = arith.extui %lt3A_191 : i1 to i32
        %cond3A_193 = arith.constant 0 : i32
        %cond3A_194 = arith.cmpi ne, %convert_element_type3A_192, %cond3A_193 : i32
        scf.if %cond3A_194 {
          %add3A_268 = arith.constant 4 : i32
          %add3A_269 = arith.addi %mul3A_53, %add3A_268 : i32
          %dma_start3A_270 = arith.constant 0 : i32
          %dma_start3A_271 = arith.constant 0 : i32
          %dma_start3A_272 = arith.constant 0 : i32
          %dma_start3A_273 = tpu.memref_slice %arg6[%dma_start3A_270, %dma_start3A_271, %dma_start3A_272] : memref<4x2x128xi32, #tpu.memory_space<vmem>> -> memref<1x2x128xi32, #tpu.memory_space<vmem>>
          %dma_start3A_274 = tpu.memref_squeeze %dma_start3A_273 : memref<1x2x128xi32, #tpu.memory_space<vmem>> -> memref<2x128xi32, #tpu.memory_space<vmem>>
          %dma_start3A_275 = arith.constant 0 : i32
          %dma_start3A_276 = arith.constant 0 : i32
          %dma_start3A_277 = tpu.memref_slice %arg3[%add3A, %add3A_269, %dma_start3A_275, %dma_start3A_276] : memref<32x80x2x128xi32, #tpu.memory_space<hbm>> -> memref<1x1x2x128xi32, #tpu.memory_space<hbm>>
          %dma_start3A_278 = tpu.memref_squeeze %dma_start3A_277 : memref<1x1x2x128xi32, #tpu.memory_space<hbm>> -> memref<2x128xi32, #tpu.memory_space<hbm>>
          %dma_start3A_279 = arith.constant 0 : i32
          %dma_start3A_280 = arith.constant 0 : i32
          %dma_start3A_281 = tpu.memref_slice %arg6[%dma_start3A_270, %dma_start3A_279, %dma_start3A_280] : memref<4x2x128xi32, #tpu.memory_space<vmem>> -> memref<1x2x128xi32, #tpu.memory_space<vmem>>
          %dma_start3A_282 = tpu.memref_squeeze %dma_start3A_281 : memref<1x2x128xi32, #tpu.memory_space<vmem>> -> memref<2x128xi32, #tpu.memory_space<vmem>>
          %dma_start3A_283 = arith.constant 0 : i32
          %dma_start3A_284 = arith.constant 0 : i32
          %dma_start3A_285 = tpu.memref_slice %arg3[%add3A, %add3A_269, %dma_start3A_283, %dma_start3A_284] : memref<32x80x2x128xi32, #tpu.memory_space<hbm>> -> memref<1x1x2x128xi32, #tpu.memory_space<hbm>>
          %dma_start3A_286 = tpu.memref_squeeze %dma_start3A_285 : memref<1x1x2x128xi32, #tpu.memory_space<hbm>> -> memref<2x128xi32, #tpu.memory_space<hbm>>
          tpu.enqueue_dma source(%dma_start3A_286 : memref<2x128xi32, #tpu.memory_space<hbm>>) target(%dma_start3A_282 : memref<2x128xi32, #tpu.memory_space<vmem>>) target_semaphore(%arg14 : memref<!tpu.dma_semaphore, #tpu.memory_space<semaphore_mem>>)
        } else {
        }
        %dma_wait3A_195 = arith.constant 1 : i32
        %dma_wait3A_196 = arith.constant 1 : i32
        %dma_wait3A_197 = arith.constant 0 : i32
        %dma_wait3A_198 = tpu.memref_slice %arg6[%dma_wait3A_195, %dma_wait3A_196, %dma_wait3A_197] : memref<4x2x128xi32, #tpu.memory_space<vmem>> -> memref<1x1x128xi32, #tpu.memory_space<vmem>>
        %dma_wait3A_199 = tpu.memref_squeeze %dma_wait3A_198 : memref<1x1x128xi32, #tpu.memory_space<vmem>> -> memref<128xi32, #tpu.memory_space<vmem>>
        %dma_wait3A_200 = arith.constant 0 : i32
        %dma_wait3A_201 = arith.constant 0 : i32
        %dma_wait3A_202 = tpu.memref_slice %arg9[%dma_wait3A_200, %dma_wait3A_201] : memref<10240x128xf32, #tpu.memory_space<vmem_shared>> -> memref<10240x128xf32, #tpu.memory_space<vmem_shared>>
        tpu.wait_indirect_dma semaphore(%arg13 : memref<!tpu.dma_semaphore, #tpu.memory_space<semaphore_mem>>) src(%arg8 : memref<128x128xf32, #tpu.memory_space<vmem>>) dst(%dma_wait3A_202 : memref<10240x128xf32, #tpu.memory_space<vmem_shared>>)
        %add3A_203 = arith.constant 3 : i32
        %add3A_204 = arith.addi %mul3A_53, %add3A_203 : i32
        %dma_wait3A_205 = arith.constant 3 : i32
        %dma_wait3A_206 = arith.constant 0 : i32
        %dma_wait3A_207 = arith.constant 0 : i32
        %dma_wait3A_208 = tpu.memref_slice %arg6[%dma_wait3A_205, %dma_wait3A_206, %dma_wait3A_207] : memref<4x2x128xi32, #tpu.memory_space<vmem>> -> memref<1x2x128xi32, #tpu.memory_space<vmem>>
        %dma_wait3A_209 = tpu.memref_squeeze %dma_wait3A_208 : memref<1x2x128xi32, #tpu.memory_space<vmem>> -> memref<2x128xi32, #tpu.memory_space<vmem>>
        %dma_wait3A_210 = arith.constant 0 : i32
        %dma_wait3A_211 = arith.constant 0 : i32
        %dma_wait3A_212 = tpu.memref_slice %arg3[%add3A, %add3A_204, %dma_wait3A_210, %dma_wait3A_211] : memref<32x80x2x128xi32, #tpu.memory_space<hbm>> -> memref<1x1x2x128xi32, #tpu.memory_space<hbm>>
        %dma_wait3A_213 = tpu.memref_squeeze %dma_wait3A_212 : memref<1x1x2x128xi32, #tpu.memory_space<hbm>> -> memref<2x128xi32, #tpu.memory_space<hbm>>
        %dma_wait3A_214 = arith.constant 0 : i32
        %dma_wait3A_215 = arith.constant 0 : i32
        %dma_wait3A_216 = tpu.memref_slice %arg6[%dma_wait3A_205, %dma_wait3A_214, %dma_wait3A_215] : memref<4x2x128xi32, #tpu.memory_space<vmem>> -> memref<1x2x128xi32, #tpu.memory_space<vmem>>
        %dma_wait3A_217 = tpu.memref_squeeze %dma_wait3A_216 : memref<1x2x128xi32, #tpu.memory_space<vmem>> -> memref<2x128xi32, #tpu.memory_space<vmem>>
        %dma_wait3A_218 = arith.constant 0 : i32
        %dma_wait3A_219 = arith.constant 0 : i32
        %dma_wait3A_220 = tpu.memref_slice %arg3[%add3A, %add3A_204, %dma_wait3A_218, %dma_wait3A_219] : memref<32x80x2x128xi32, #tpu.memory_space<hbm>> -> memref<1x1x2x128xi32, #tpu.memory_space<hbm>>
        %dma_wait3A_221 = tpu.memref_squeeze %dma_wait3A_220 : memref<1x1x2x128xi32, #tpu.memory_space<hbm>> -> memref<2x128xi32, #tpu.memory_space<hbm>>
        tpu.wait_dma2 semaphore(%arg14 : memref<!tpu.dma_semaphore, #tpu.memory_space<semaphore_mem>>) src(%dma_wait3A_221 : memref<2x128xi32, #tpu.memory_space<hbm>>) dst(%dma_wait3A_217 : memref<2x128xi32, #tpu.memory_space<vmem>>)
        %dma_start3A_222 = arith.constant 3 : i32
        %dma_start3A_223 = arith.constant 0 : i32
        %dma_start3A_224 = arith.constant 0 : i32
        %dma_start3A_225 = tpu.memref_slice %arg6[%dma_start3A_222, %dma_start3A_223, %dma_start3A_224] : memref<4x2x128xi32, #tpu.memory_space<vmem>> -> memref<1x1x128xi32, #tpu.memory_space<vmem>>
        %dma_start3A_226 = tpu.memref_squeeze %dma_start3A_225 : memref<1x1x128xi32, #tpu.memory_space<vmem>> -> memref<128xi32, #tpu.memory_space<vmem>>
        %dma_start3A_227 = arith.constant 0 : i32
        %dma_start3A_228 = arith.constant 0 : i32
        %dma_start3A_229 = tpu.memref_slice %arg2[%dma_start3A_227, %dma_start3A_228] : memref<10240x128xf32, #tpu.memory_space<hbm>> -> memref<10240x128xf32, #tpu.memory_space<hbm>>
        tpu.enqueue_indirect_dma source(%dma_start3A_229 : memref<10240x128xf32, #tpu.memory_space<hbm>>) target(%arg8 : memref<128x128xf32, #tpu.memory_space<vmem>>) offsets(%dma_start3A_226 : memref<128xi32, #tpu.memory_space<vmem>>) semaphore(%arg11 : memref<!tpu.dma_semaphore, #tpu.memory_space<semaphore_mem>>)
        %dma_wait3A_230 = arith.constant 3 : i32
        %dma_wait3A_231 = arith.constant 0 : i32
        %dma_wait3A_232 = arith.constant 0 : i32
        %dma_wait3A_233 = tpu.memref_slice %arg6[%dma_wait3A_230, %dma_wait3A_231, %dma_wait3A_232] : memref<4x2x128xi32, #tpu.memory_space<vmem>> -> memref<1x1x128xi32, #tpu.memory_space<vmem>>
        %dma_wait3A_234 = tpu.memref_squeeze %dma_wait3A_233 : memref<1x1x128xi32, #tpu.memory_space<vmem>> -> memref<128xi32, #tpu.memory_space<vmem>>
        %dma_wait3A_235 = arith.constant 0 : i32
        %dma_wait3A_236 = arith.constant 0 : i32
        %dma_wait3A_237 = tpu.memref_slice %arg2[%dma_wait3A_235, %dma_wait3A_236] : memref<10240x128xf32, #tpu.memory_space<hbm>> -> memref<10240x128xf32, #tpu.memory_space<hbm>>
        tpu.wait_indirect_dma semaphore(%arg11 : memref<!tpu.dma_semaphore, #tpu.memory_space<semaphore_mem>>) src(%dma_wait3A_237 : memref<10240x128xf32, #tpu.memory_space<hbm>>) dst(%arg8 : memref<128x128xf32, #tpu.memory_space<vmem>>)
        %dma_start3A_238 = arith.constant 3 : i32
        %dma_start3A_239 = arith.constant 1 : i32
        %dma_start3A_240 = arith.constant 0 : i32
        %dma_start3A_241 = tpu.memref_slice %arg6[%dma_start3A_238, %dma_start3A_239, %dma_start3A_240] : memref<4x2x128xi32, #tpu.memory_space<vmem>> -> memref<1x1x128xi32, #tpu.memory_space<vmem>>
        %dma_start3A_242 = tpu.memref_squeeze %dma_start3A_241 : memref<1x1x128xi32, #tpu.memory_space<vmem>> -> memref<128xi32, #tpu.memory_space<vmem>>
        %dma_start3A_243 = arith.constant 0 : i32
        %dma_start3A_244 = arith.constant 0 : i32
        %dma_start3A_245 = tpu.memref_slice %arg9[%dma_start3A_243, %dma_start3A_244] : memref<10240x128xf32, #tpu.memory_space<vmem_shared>> -> memref<10240x128xf32, #tpu.memory_space<vmem_shared>>
        tpu.enqueue_indirect_dma source(%arg8 : memref<128x128xf32, #tpu.memory_space<vmem>>) target(%dma_start3A_245 : memref<10240x128xf32, #tpu.memory_space<vmem_shared>>) offsets(%dma_start3A_242 : memref<128xi32, #tpu.memory_space<vmem>>) semaphore(%arg13 : memref<!tpu.dma_semaphore, #tpu.memory_space<semaphore_mem>>) {add = true}
        %add3A_246 = arith.constant 5 : i32
        %add3A_247 = arith.addi %mul3A_53, %add3A_246 : i32
        %lt3A_248 = arith.constant 80 : i32
        %lt3A_249 = arith.cmpi slt, %add3A_247, %lt3A_248 : i32
        %convert_element_type3A_250 = arith.extui %lt3A_249 : i1 to i32
        %cond3A_251 = arith.constant 0 : i32
        %cond3A_252 = arith.cmpi ne, %convert_element_type3A_250, %cond3A_251 : i32
        scf.if %cond3A_252 {
          %add3A_268 = arith.constant 5 : i32
          %add3A_269 = arith.addi %mul3A_53, %add3A_268 : i32
          %dma_start3A_270 = arith.constant 1 : i32
          %dma_start3A_271 = arith.constant 0 : i32
          %dma_start3A_272 = arith.constant 0 : i32
          %dma_start3A_273 = tpu.memref_slice %arg6[%dma_start3A_270, %dma_start3A_271, %dma_start3A_272] : memref<4x2x128xi32, #tpu.memory_space<vmem>> -> memref<1x2x128xi32, #tpu.memory_space<vmem>>
          %dma_start3A_274 = tpu.memref_squeeze %dma_start3A_273 : memref<1x2x128xi32, #tpu.memory_space<vmem>> -> memref<2x128xi32, #tpu.memory_space<vmem>>
          %dma_start3A_275 = arith.constant 0 : i32
          %dma_start3A_276 = arith.constant 0 : i32
          %dma_start3A_277 = tpu.memref_slice %arg3[%add3A, %add3A_269, %dma_start3A_275, %dma_start3A_276] : memref<32x80x2x128xi32, #tpu.memory_space<hbm>> -> memref<1x1x2x128xi32, #tpu.memory_space<hbm>>
          %dma_start3A_278 = tpu.memref_squeeze %dma_start3A_277 : memref<1x1x2x128xi32, #tpu.memory_space<hbm>> -> memref<2x128xi32, #tpu.memory_space<hbm>>
          %dma_start3A_279 = arith.constant 0 : i32
          %dma_start3A_280 = arith.constant 0 : i32
          %dma_start3A_281 = tpu.memref_slice %arg6[%dma_start3A_270, %dma_start3A_279, %dma_start3A_280] : memref<4x2x128xi32, #tpu.memory_space<vmem>> -> memref<1x2x128xi32, #tpu.memory_space<vmem>>
          %dma_start3A_282 = tpu.memref_squeeze %dma_start3A_281 : memref<1x2x128xi32, #tpu.memory_space<vmem>> -> memref<2x128xi32, #tpu.memory_space<vmem>>
          %dma_start3A_283 = arith.constant 0 : i32
          %dma_start3A_284 = arith.constant 0 : i32
          %dma_start3A_285 = tpu.memref_slice %arg3[%add3A, %add3A_269, %dma_start3A_283, %dma_start3A_284] : memref<32x80x2x128xi32, #tpu.memory_space<hbm>> -> memref<1x1x2x128xi32, #tpu.memory_space<hbm>>
          %dma_start3A_286 = tpu.memref_squeeze %dma_start3A_285 : memref<1x1x2x128xi32, #tpu.memory_space<hbm>> -> memref<2x128xi32, #tpu.memory_space<hbm>>
          tpu.enqueue_dma source(%dma_start3A_286 : memref<2x128xi32, #tpu.memory_space<hbm>>) target(%dma_start3A_282 : memref<2x128xi32, #tpu.memory_space<vmem>>) target_semaphore(%arg14 : memref<!tpu.dma_semaphore, #tpu.memory_space<semaphore_mem>>)
        } else {
        }
        %dma_wait3A_253 = arith.constant 2 : i32
        %dma_wait3A_254 = arith.constant 1 : i32
        %dma_wait3A_255 = arith.constant 0 : i32
        %dma_wait3A_256 = tpu.memref_slice %arg6[%dma_wait3A_253, %dma_wait3A_254, %dma_wait3A_255] : memref<4x2x128xi32, #tpu.memory_space<vmem>> -> memref<1x1x128xi32, #tpu.memory_space<vmem>>
        %dma_wait3A_257 = tpu.memref_squeeze %dma_wait3A_256 : memref<1x1x128xi32, #tpu.memory_space<vmem>> -> memref<128xi32, #tpu.memory_space<vmem>>
        %dma_wait3A_258 = arith.constant 0 : i32
        %dma_wait3A_259 = arith.constant 0 : i32
        %dma_wait3A_260 = tpu.memref_slice %arg9[%dma_wait3A_258, %dma_wait3A_259] : memref<10240x128xf32, #tpu.memory_space<vmem_shared>> -> memref<10240x128xf32, #tpu.memory_space<vmem_shared>>
        tpu.wait_indirect_dma semaphore(%arg12 : memref<!tpu.dma_semaphore, #tpu.memory_space<semaphore_mem>>) src(%arg7 : memref<128x128xf32, #tpu.memory_space<vmem>>) dst(%dma_wait3A_260 : memref<10240x128xf32, #tpu.memory_space<vmem_shared>>)
        %add3A_261 = arith.constant 4 : i32
        %add3A_262 = arith.addi %mul3A_53, %add3A_261 : i32
        %lt3A_263 = arith.constant 80 : i32
        %lt3A_264 = arith.cmpi slt, %add3A_262, %lt3A_263 : i32
        %convert_element_type3A_265 = arith.extui %lt3A_264 : i1 to i32
        %cond3A_266 = arith.constant 0 : i32
        %cond3A_267 = arith.cmpi ne, %convert_element_type3A_265, %cond3A_266 : i32
        scf.if %cond3A_267 {
          %add3A_268 = arith.constant 4 : i32
          %add3A_269 = arith.addi %mul3A_53, %add3A_268 : i32
          %dma_wait3A_270 = arith.constant 0 : i32
          %dma_wait3A_271 = arith.constant 0 : i32
          %dma_wait3A_272 = arith.constant 0 : i32
          %dma_wait3A_273 = tpu.memref_slice %arg6[%dma_wait3A_270, %dma_wait3A_271, %dma_wait3A_272] : memref<4x2x128xi32, #tpu.memory_space<vmem>> -> memref<1x2x128xi32, #tpu.memory_space<vmem>>
          %dma_wait3A_274 = tpu.memref_squeeze %dma_wait3A_273 : memref<1x2x128xi32, #tpu.memory_space<vmem>> -> memref<2x128xi32, #tpu.memory_space<vmem>>
          %dma_wait3A_275 = arith.constant 0 : i32
          %dma_wait3A_276 = arith.constant 0 : i32
          %dma_wait3A_277 = tpu.memref_slice %arg3[%add3A, %add3A_269, %dma_wait3A_275, %dma_wait3A_276] : memref<32x80x2x128xi32, #tpu.memory_space<hbm>> -> memref<1x1x2x128xi32, #tpu.memory_space<hbm>>
          %dma_wait3A_278 = tpu.memref_squeeze %dma_wait3A_277 : memref<1x1x2x128xi32, #tpu.memory_space<hbm>> -> memref<2x128xi32, #tpu.memory_space<hbm>>
          %dma_wait3A_279 = arith.constant 0 : i32
          %dma_wait3A_280 = arith.constant 0 : i32
          %dma_wait3A_281 = tpu.memref_slice %arg6[%dma_wait3A_270, %dma_wait3A_279, %dma_wait3A_280] : memref<4x2x128xi32, #tpu.memory_space<vmem>> -> memref<1x2x128xi32, #tpu.memory_space<vmem>>
          %dma_wait3A_282 = tpu.memref_squeeze %dma_wait3A_281 : memref<1x2x128xi32, #tpu.memory_space<vmem>> -> memref<2x128xi32, #tpu.memory_space<vmem>>
          %dma_wait3A_283 = arith.constant 0 : i32
          %dma_wait3A_284 = arith.constant 0 : i32
          %dma_wait3A_285 = tpu.memref_slice %arg3[%add3A, %add3A_269, %dma_wait3A_283, %dma_wait3A_284] : memref<32x80x2x128xi32, #tpu.memory_space<hbm>> -> memref<1x1x2x128xi32, #tpu.memory_space<hbm>>
          %dma_wait3A_286 = tpu.memref_squeeze %dma_wait3A_285 : memref<1x1x2x128xi32, #tpu.memory_space<hbm>> -> memref<2x128xi32, #tpu.memory_space<hbm>>
          tpu.wait_dma2 semaphore(%arg14 : memref<!tpu.dma_semaphore, #tpu.memory_space<semaphore_mem>>) src(%dma_wait3A_286 : memref<2x128xi32, #tpu.memory_space<hbm>>) dst(%dma_wait3A_282 : memref<2x128xi32, #tpu.memory_space<vmem>>)
          %dma_start3A_287 = arith.constant 0 : i32
          %dma_start3A_288 = arith.constant 0 : i32
          %dma_start3A_289 = arith.constant 0 : i32
          %dma_start3A_290 = tpu.memref_slice %arg6[%dma_start3A_287, %dma_start3A_288, %dma_start3A_289] : memref<4x2x128xi32, #tpu.memory_space<vmem>> -> memref<1x1x128xi32, #tpu.memory_space<vmem>>
          %dma_start3A_291 = tpu.memref_squeeze %dma_start3A_290 : memref<1x1x128xi32, #tpu.memory_space<vmem>> -> memref<128xi32, #tpu.memory_space<vmem>>
          %dma_start3A_292 = arith.constant 0 : i32
          %dma_start3A_293 = arith.constant 0 : i32
          %dma_start3A_294 = tpu.memref_slice %arg2[%dma_start3A_292, %dma_start3A_293] : memref<10240x128xf32, #tpu.memory_space<hbm>> -> memref<10240x128xf32, #tpu.memory_space<hbm>>
          tpu.enqueue_indirect_dma source(%dma_start3A_294 : memref<10240x128xf32, #tpu.memory_space<hbm>>) target(%arg7 : memref<128x128xf32, #tpu.memory_space<vmem>>) offsets(%dma_start3A_291 : memref<128xi32, #tpu.memory_space<vmem>>) semaphore(%arg10 : memref<!tpu.dma_semaphore, #tpu.memory_space<semaphore_mem>>)
        } else {
        }
      } else {
      }
    }
    %scan3A_38 = arith.constant 20 : i32
    %dma_wait3A = arith.constant 3 : i32
    %dma_wait3A_39 = arith.constant 1 : i32
    %dma_wait3A_40 = arith.constant 0 : i32
    %dma_wait3A_41 = tpu.memref_slice %arg6[%dma_wait3A, %dma_wait3A_39, %dma_wait3A_40] : memref<4x2x128xi32, #tpu.memory_space<vmem>> -> memref<1x1x128xi32, #tpu.memory_space<vmem>>
    %dma_wait3A_42 = tpu.memref_squeeze %dma_wait3A_41 : memref<1x1x128xi32, #tpu.memory_space<vmem>> -> memref<128xi32, #tpu.memory_space<vmem>>
    %dma_wait3A_43 = arith.constant 0 : i32
    %dma_wait3A_44 = arith.constant 0 : i32
    %dma_wait3A_45 = tpu.memref_slice %arg9[%dma_wait3A_43, %dma_wait3A_44] : memref<10240x128xf32, #tpu.memory_space<vmem_shared>> -> memref<10240x128xf32, #tpu.memory_space<vmem_shared>>
    tpu.wait_indirect_dma semaphore(%arg13 : memref<!tpu.dma_semaphore, #tpu.memory_space<semaphore_mem>>) src(%arg8 : memref<128x128xf32, #tpu.memory_space<vmem>>) dst(%dma_wait3A_45 : memref<10240x128xf32, #tpu.memory_space<vmem_shared>>)
    %barrier3A_46 = arith.constant 0 : index
    tpu.barrier barrier_id(%barrier3A_46)
    %mul3A_47 = arith.constant 640 : i32
    %mul3A_48 = arith.muli %arg1, %mul3A_47 : i32
    %mul3A_49 = arith.constant 640 : i32
    %mul3A_50 = arith.muli %arg1, %mul3A_49 : i32
    "tpu.region"() ({
      %run_scoped3A_51 = tpu.sem_alloc : memref<!tpu.dma_semaphore, #tpu.memory_space<semaphore_mem>>
      %dma_start3A_52 = arith.constant 0 : i32
      %dma_start3A_53 = tpu.memref_slice %arg5[%arg0, %mul3A_50, %dma_start3A_52] : memref<2x10240x128xf32, #tpu.memory_space<hbm>> -> memref<1x640x128xf32, #tpu.memory_space<hbm>>
      %dma_start3A_54 = tpu.memref_squeeze %dma_start3A_53 : memref<1x640x128xf32, #tpu.memory_space<hbm>> -> memref<640x128xf32, #tpu.memory_space<hbm>>
      %dma_start3A_55 = arith.constant 0 : i32
      %dma_start3A_56 = tpu.memref_slice %arg9[%mul3A_48, %dma_start3A_55] : memref<10240x128xf32, #tpu.memory_space<vmem_shared>> -> memref<640x128xf32, #tpu.memory_space<vmem_shared>>
      tpu.enqueue_dma source(%dma_start3A_56 : memref<640x128xf32, #tpu.memory_space<vmem_shared>>) target(%dma_start3A_54 : memref<640x128xf32, #tpu.memory_space<hbm>>) target_semaphore(%run_scoped3A_51 : memref<!tpu.dma_semaphore, #tpu.memory_space<semaphore_mem>>)
      %dma_wait3A_57 = arith.constant 0 : i32
      %dma_wait3A_58 = tpu.memref_slice %arg5[%arg0, %mul3A_50, %dma_wait3A_57] : memref<2x10240x128xf32, #tpu.memory_space<hbm>> -> memref<1x640x128xf32, #tpu.memory_space<hbm>>
      %dma_wait3A_59 = tpu.memref_squeeze %dma_wait3A_58 : memref<1x640x128xf32, #tpu.memory_space<hbm>> -> memref<640x128xf32, #tpu.memory_space<hbm>>
      %dma_wait3A_60 = arith.constant 0 : i32
      %dma_wait3A_61 = tpu.memref_slice %arg9[%mul3A_48, %dma_wait3A_60] : memref<10240x128xf32, #tpu.memory_space<vmem_shared>> -> memref<640x128xf32, #tpu.memory_space<vmem_shared>>
      tpu.wait_dma2 semaphore(%run_scoped3A_51 : memref<!tpu.dma_semaphore, #tpu.memory_space<semaphore_mem>>) src(%dma_wait3A_61 : memref<640x128xf32, #tpu.memory_space<vmem_shared>>) dst(%dma_wait3A_59 : memref<640x128xf32, #tpu.memory_space<hbm>>)
      tpu.yield
    }) : () -> ()
    return
  }
}

module attributes {stable_mosaic.version = 14 : i64} {
  func.func @_t0_body(%arg0: memref<32x80x128xf32, #tpu.memory_space<vmem>>, %arg1: memref<80x128xf32, #tpu.memory_space<vmem>>) attributes {dimension_semantics = [], scalar_prefetch = 0 : i64, scratch_operands = 0 : i64, tpu.core_type = #tpu.core_type<tc>} {
    %get3A = arith.constant 0 : index
    %get3A_0 = arith.constant 0 : index
    %get3A_1 = arith.constant 0 : index
    %get3A_2 = vector.load %arg0[%get3A, %get3A_0, %get3A_1] : memref<32x80x128xf32, #tpu.memory_space<vmem>>, vector<32x80x128xf32>
    %reduce_sum3A = arith.constant dense<0.000000e+00> : vector<80x128xf32>
    %reduce_sum3A_3 = vector.multi_reduction <add>, %get3A_2, %reduce_sum3A [0] : vector<32x80x128xf32> to vector<80x128xf32>
    %add3A = arith.constant 1.000000e+00 : f32
    %add3A_4 = vector.broadcast %add3A : f32 to vector<80x128xf32>
    %add3A_5 = arith.addf %reduce_sum3A_3, %add3A_4 : vector<80x128xf32>
    %rsqrt3A = math.rsqrt %add3A_5 : vector<80x128xf32>
    %swap3A = arith.constant 0 : index
    %swap3A_6 = arith.constant 0 : index
    %swap3A_7 = vector.load %arg1[%swap3A, %swap3A_6] : memref<80x128xf32, #tpu.memory_space<vmem>>, vector<80x128xf32>
    tpu.vector_store %arg1[%swap3A, %swap3A_6], %rsqrt3A {strides = array<i32>} : memref<80x128xf32, #tpu.memory_space<vmem>>, vector<80x128xf32>,
    return
  }
}

module attributes {stable_mosaic.version = 14 : i64} {
  func.func @_t1_body(%arg0: i32, %arg1: memref<2048x128xf32, #tpu.memory_space<vmem>>, %arg2: memref<128x128xf32, #tpu.memory_space<vmem>>, %arg3: memref<2048x1xf32, #tpu.memory_space<vmem>>, %arg4: memref<2048x128xf32, #tpu.memory_space<vmem>>) attributes {dimension_semantics = [#tpu.dimension_semantics<arbitrary>], iteration_bounds = array<i64: 5>, scalar_prefetch = 0 : i64, scratch_operands = 0 : i64, tpu.core_type = #tpu.core_type<tc>, window_params = [{transform_indices = @transform_0, window_bounds = array<i64: 2048, 128>}, {pipeline_mode = #tpu.pipeline_mode<synchronous>, transform_indices = @transform_1, window_bounds = array<i64: 128, 128>}, {transform_indices = @transform_2, window_bounds = array<i64: 2048, 1>}, {transform_indices = @transform_3, window_bounds = array<i64: 2048, 128>}]} {
    %get3A = arith.constant 0 : index
    %get3A_0 = arith.constant 0 : index
    %get3A_1 = vector.load %arg1[%get3A, %get3A_0] : memref<2048x128xf32, #tpu.memory_space<vmem>>, vector<2048x128xf32>
    %get3A_2 = arith.constant 0 : index
    %get3A_3 = arith.constant 0 : index
    %get3A_4 = vector.load %arg2[%get3A_2, %get3A_3] : memref<128x128xf32, #tpu.memory_space<vmem>>, vector<128x128xf32>
    %dot_general3A = arith.constant dense<0.000000e+00> : vector<2048x128xf32>
    %dot_general3A_5 = tpu.matmul %get3A_1, %get3A_4, %dot_general3A {dimension_numbers = #tpu.dot_dimension_numbers<[1], [0], [0], [1], [0, 0, 1, 1], [], []>, transpose_lhs_hint = false} : vector<2048x128xf32>, vector<128x128xf32>, vector<2048x128xf32> -> vector<2048x128xf32>
    %get3A_6 = arith.constant 0 : index
    %get3A_7 = arith.constant 0 : index
    %get3A_8 = vector.load %arg3[%get3A_6, %get3A_7] : memref<2048x1xf32, #tpu.memory_space<vmem>>, vector<2048x1xf32>
    %mul3A = vector.broadcast %get3A_8 : vector<2048x1xf32> to vector<2048x128xf32>
    %mul3A_9 = arith.mulf %dot_general3A_5, %mul3A : vector<2048x128xf32>
    %swap3A = arith.constant 0 : index
    %swap3A_10 = arith.constant 0 : index
    %swap3A_11 = vector.load %arg4[%swap3A, %swap3A_10] : memref<2048x128xf32, #tpu.memory_space<vmem>>, vector<2048x128xf32>
    tpu.vector_store %arg4[%swap3A, %swap3A_10], %mul3A_9 {strides = array<i32>} : memref<2048x128xf32, #tpu.memory_space<vmem>>, vector<2048x128xf32>,
    return
  }
  func.func @transform_0(%arg0: i32) -> (i32, i32) {
    %c0_i32 = arith.constant 0 : i32
    %c0_i32_0 = arith.constant 0 : i32
    return %arg0, %c0_i32 : i32, i32
  }
  func.func @transform_1(%arg0: i32) -> (i32, i32) {
    %c0_i32 = arith.constant 0 : i32
    %c0_i32_0 = arith.constant 0 : i32
    %c0_i32_1 = arith.constant 0 : i32
    return %c0_i32, %c0_i32_0 : i32, i32
  }
  func.func @transform_2(%arg0: i32) -> (i32, i32) {
    %c0_i32 = arith.constant 0 : i32
    %c0_i32_0 = arith.constant 0 : i32
    return %arg0, %c0_i32 : i32, i32
  }
  func.func @transform_3(%arg0: i32) -> (i32, i32) {
    %c0_i32 = arith.constant 0 : i32
    %c0_i32_0 = arith.constant 0 : i32
    return %arg0, %c0_i32 : i32, i32
  }
}

module attributes {stable_mosaic.version = 14 : i64} {
  func.func @_t2_body(%arg0: i32, %arg1: memref<1x2048x128xf32, #tpu.memory_space<vmem>>, %arg2: memref<1x2048x128xf32, #tpu.memory_space<vmem>>, %arg3: memref<2048x1xf32, #tpu.memory_space<vmem>>, %arg4: memref<1x128xf32, #tpu.memory_space<vmem>>, %arg5: memref<128x128xf32, #tpu.memory_space<vmem>>, %arg6: memref<2048x128xf32, #tpu.memory_space<vmem>>) attributes {dimension_semantics = [#tpu.dimension_semantics<arbitrary>], iteration_bounds = array<i64: 5>, scalar_prefetch = 0 : i64, scratch_operands = 0 : i64, tpu.core_type = #tpu.core_type<tc>, window_params = [{transform_indices = @transform_0, window_bounds = array<i64: 1, 2048, 128>}, {transform_indices = @transform_1, window_bounds = array<i64: 1, 2048, 128>}, {transform_indices = @transform_2, window_bounds = array<i64: 2048, 1>}, {pipeline_mode = #tpu.pipeline_mode<synchronous>, transform_indices = @transform_3, window_bounds = array<i64: 1, 128>}, {pipeline_mode = #tpu.pipeline_mode<synchronous>, transform_indices = @transform_4, window_bounds = array<i64: 128, 128>}, {transform_indices = @transform_5, window_bounds = array<i64: 2048, 128>}]} {
    %get3A = arith.constant 0 : index
    %get3A_0 = arith.constant 0 : index
    %get3A_1 = arith.constant 0 : index
    %get3A_2 = vector.load %arg1[%get3A, %get3A_0, %get3A_1] : memref<1x2048x128xf32, #tpu.memory_space<vmem>>, vector<1x2048x128xf32>
    %get3A_3 = vector.shape_cast %get3A_2 : vector<1x2048x128xf32> to vector<2048x128xf32>
    %get3A_4 = arith.constant 0 : index
    %get3A_5 = arith.constant 0 : index
    %get3A_6 = arith.constant 0 : index
    %get3A_7 = vector.load %arg2[%get3A_4, %get3A_5, %get3A_6] : memref<1x2048x128xf32, #tpu.memory_space<vmem>>, vector<1x2048x128xf32>
    %get3A_8 = vector.shape_cast %get3A_7 : vector<1x2048x128xf32> to vector<2048x128xf32>
    %add3A = arith.addf %get3A_3, %get3A_8 : vector<2048x128xf32>
    %get3A_9 = arith.constant 0 : index
    %get3A_10 = arith.constant 0 : index
    %get3A_11 = vector.load %arg3[%get3A_9, %get3A_10] : memref<2048x1xf32, #tpu.memory_space<vmem>>, vector<2048x1xf32>
    %mul3A = vector.broadcast %get3A_11 : vector<2048x1xf32> to vector<2048x128xf32>
    %mul3A_12 = arith.mulf %add3A, %mul3A : vector<2048x128xf32>
    %get3A_13 = arith.constant 0 : index
    %get3A_14 = arith.constant 0 : index
    %get3A_15 = vector.load %arg4[%get3A_13, %get3A_14] : memref<1x128xf32, #tpu.memory_space<vmem>>, vector<1x128xf32>
    %add3A_16 = vector.broadcast %get3A_15 : vector<1x128xf32> to vector<2048x128xf32>
    %add3A_17 = arith.addf %mul3A_12, %add3A_16 : vector<2048x128xf32>
    %max3A = arith.constant 0.000000e+00 : f32
    %max3A_18 = vector.broadcast %max3A : f32 to vector<2048x128xf32>
    %max3A_19 = arith.maximumf %add3A_17, %max3A_18 : vector<2048x128xf32>
    %get3A_20 = arith.constant 0 : index
    %get3A_21 = arith.constant 0 : index
    %get3A_22 = vector.load %arg5[%get3A_20, %get3A_21] : memref<128x128xf32, #tpu.memory_space<vmem>>, vector<128x128xf32>
    %dot_general3A = arith.constant dense<0.000000e+00> : vector<2048x128xf32>
    %dot_general3A_23 = tpu.matmul %max3A_19, %get3A_22, %dot_general3A {dimension_numbers = #tpu.dot_dimension_numbers<[1], [0], [0], [1], [0, 0, 1, 1], [], []>, transpose_lhs_hint = false} : vector<2048x128xf32>, vector<128x128xf32>, vector<2048x128xf32> -> vector<2048x128xf32>
    %get3A_24 = arith.constant 0 : index
    %get3A_25 = arith.constant 0 : index
    %get3A_26 = vector.load %arg3[%get3A_24, %get3A_25] : memref<2048x1xf32, #tpu.memory_space<vmem>>, vector<2048x1xf32>
    %mul3A_27 = vector.broadcast %get3A_26 : vector<2048x1xf32> to vector<2048x128xf32>
    %mul3A_28 = arith.mulf %dot_general3A_23, %mul3A_27 : vector<2048x128xf32>
    %swap3A = arith.constant 0 : index
    %swap3A_29 = arith.constant 0 : index
    %swap3A_30 = vector.load %arg6[%swap3A, %swap3A_29] : memref<2048x128xf32, #tpu.memory_space<vmem>>, vector<2048x128xf32>
    tpu.vector_store %arg6[%swap3A, %swap3A_29], %mul3A_28 {strides = array<i32>} : memref<2048x128xf32, #tpu.memory_space<vmem>>, vector<2048x128xf32>,
    return
  }
  func.func @transform_0(%arg0: i32) -> (i32, i32, i32) {
    %c0_i32 = arith.constant 0 : i32
    %c0_i32_0 = arith.constant 0 : i32
    %c0_i32_1 = arith.constant 0 : i32
    return %c0_i32, %arg0, %c0_i32_0 : i32, i32, i32
  }
  func.func @transform_1(%arg0: i32) -> (i32, i32, i32) {
    %c1_i32 = arith.constant 1 : i32
    %c0_i32 = arith.constant 0 : i32
    %c0_i32_0 = arith.constant 0 : i32
    return %c1_i32, %arg0, %c0_i32 : i32, i32, i32
  }
  func.func @transform_2(%arg0: i32) -> (i32, i32) {
    %c0_i32 = arith.constant 0 : i32
    %c0_i32_0 = arith.constant 0 : i32
    return %arg0, %c0_i32 : i32, i32
  }
  func.func @transform_3(%arg0: i32) -> (i32, i32) {
    %c0_i32 = arith.constant 0 : i32
    %c0_i32_0 = arith.constant 0 : i32
    %c0_i32_1 = arith.constant 0 : i32
    return %c0_i32, %c0_i32_0 : i32, i32
  }
  func.func @transform_4(%arg0: i32) -> (i32, i32) {
    %c0_i32 = arith.constant 0 : i32
    %c0_i32_0 = arith.constant 0 : i32
    %c0_i32_1 = arith.constant 0 : i32
    return %c0_i32, %c0_i32_0 : i32, i32
  }
  func.func @transform_5(%arg0: i32) -> (i32, i32) {
    %c0_i32 = arith.constant 0 : i32
    %c0_i32_0 = arith.constant 0 : i32
    return %arg0, %c0_i32 : i32, i32
  }
}

module attributes {stable_mosaic.version = 14 : i64} {
  func.func @_t3_body(%arg0: i32, %arg1: memref<1x2048x128xf32, #tpu.memory_space<vmem>>, %arg2: memref<1x2048x128xf32, #tpu.memory_space<vmem>>, %arg3: memref<2048x1xf32, #tpu.memory_space<vmem>>, %arg4: memref<1x128xf32, #tpu.memory_space<vmem>>, %arg5: memref<2048x128xf32, #tpu.memory_space<vmem>>) attributes {dimension_semantics = [#tpu.dimension_semantics<arbitrary>], iteration_bounds = array<i64: 5>, scalar_prefetch = 0 : i64, scratch_operands = 0 : i64, tpu.core_type = #tpu.core_type<tc>, window_params = [{transform_indices = @transform_0, window_bounds = array<i64: 1, 2048, 128>}, {transform_indices = @transform_1, window_bounds = array<i64: 1, 2048, 128>}, {transform_indices = @transform_2, window_bounds = array<i64: 2048, 1>}, {pipeline_mode = #tpu.pipeline_mode<synchronous>, transform_indices = @transform_3, window_bounds = array<i64: 1, 128>}, {transform_indices = @transform_4, window_bounds = array<i64: 2048, 128>}]} {
    %get3A = arith.constant 0 : index
    %get3A_0 = arith.constant 0 : index
    %get3A_1 = arith.constant 0 : index
    %get3A_2 = vector.load %arg1[%get3A, %get3A_0, %get3A_1] : memref<1x2048x128xf32, #tpu.memory_space<vmem>>, vector<1x2048x128xf32>
    %get3A_3 = vector.shape_cast %get3A_2 : vector<1x2048x128xf32> to vector<2048x128xf32>
    %get3A_4 = arith.constant 0 : index
    %get3A_5 = arith.constant 0 : index
    %get3A_6 = arith.constant 0 : index
    %get3A_7 = vector.load %arg2[%get3A_4, %get3A_5, %get3A_6] : memref<1x2048x128xf32, #tpu.memory_space<vmem>>, vector<1x2048x128xf32>
    %get3A_8 = vector.shape_cast %get3A_7 : vector<1x2048x128xf32> to vector<2048x128xf32>
    %add3A = arith.addf %get3A_3, %get3A_8 : vector<2048x128xf32>
    %get3A_9 = arith.constant 0 : index
    %get3A_10 = arith.constant 0 : index
    %get3A_11 = vector.load %arg3[%get3A_9, %get3A_10] : memref<2048x1xf32, #tpu.memory_space<vmem>>, vector<2048x1xf32>
    %mul3A = vector.broadcast %get3A_11 : vector<2048x1xf32> to vector<2048x128xf32>
    %mul3A_12 = arith.mulf %add3A, %mul3A : vector<2048x128xf32>
    %get3A_13 = arith.constant 0 : index
    %get3A_14 = arith.constant 0 : index
    %get3A_15 = vector.load %arg4[%get3A_13, %get3A_14] : memref<1x128xf32, #tpu.memory_space<vmem>>, vector<1x128xf32>
    %add3A_16 = vector.broadcast %get3A_15 : vector<1x128xf32> to vector<2048x128xf32>
    %add3A_17 = arith.addf %mul3A_12, %add3A_16 : vector<2048x128xf32>
    %swap3A = arith.constant 0 : index
    %swap3A_18 = arith.constant 0 : index
    %swap3A_19 = vector.load %arg5[%swap3A, %swap3A_18] : memref<2048x128xf32, #tpu.memory_space<vmem>>, vector<2048x128xf32>
    tpu.vector_store %arg5[%swap3A, %swap3A_18], %add3A_17 {strides = array<i32>} : memref<2048x128xf32, #tpu.memory_space<vmem>>, vector<2048x128xf32>,
    return
  }
  func.func @transform_0(%arg0: i32) -> (i32, i32, i32) {
    %c0_i32 = arith.constant 0 : i32
    %c0_i32_0 = arith.constant 0 : i32
    %c0_i32_1 = arith.constant 0 : i32
    return %c0_i32, %arg0, %c0_i32_0 : i32, i32, i32
  }
  func.func @transform_1(%arg0: i32) -> (i32, i32, i32) {
    %c1_i32 = arith.constant 1 : i32
    %c0_i32 = arith.constant 0 : i32
    %c0_i32_0 = arith.constant 0 : i32
    return %c1_i32, %arg0, %c0_i32 : i32, i32, i32
  }
  func.func @transform_2(%arg0: i32) -> (i32, i32) {
    %c0_i32 = arith.constant 0 : i32
    %c0_i32_0 = arith.constant 0 : i32
    return %arg0, %c0_i32 : i32, i32
  }
  func.func @transform_3(%arg0: i32) -> (i32, i32) {
    %c0_i32 = arith.constant 0 : i32
    %c0_i32_0 = arith.constant 0 : i32
    %c0_i32_1 = arith.constant 0 : i32
    return %c0_i32, %c0_i32_0 : i32, i32
  }
  func.func @transform_4(%arg0: i32) -> (i32, i32) {
    %c0_i32 = arith.constant 0 : i32
    %c0_i32_0 = arith.constant 0 : i32
    return %arg0, %c0_i32 : i32, i32
  }
}

</mosaic_0001>

<sc_bundles>
// kernel: kernel.11.cloned.1.call-start
scs
__scs_entry_jumppad:
0x0: {  	(pc) =	sbr.rel $0x88, $3  }
0x1: {  	(tag) =	ssettag $0x0;
	lr =	simm.s32 $0x1  }
0x2: {  	[smem:$0x3F99] =	sst lr;
	_ =	strace $0xD0000000  }
0x3: {  	_ = 	snop  }
0x4: {  	_ = 	snop  }
0x5: {  	_ = 	snop  }
0x6: {  	_ = 	snop  }
0x7: {  	_ = 	snop  }
__scs_overlays_trampoline_lowered:
0x8: {  	[smem:$0x3FA8] =	sst s0  }
0x9: {  	[smem:$0x3FA9] =	sst s1  }
0xa: {  	[smem:$0x3FAA] =	sst s2  }
0xb: {  	[smem:$0x3FAB] =	sst s3  }
0xc: {  	[smem:$0x3FAC] =	sst s4  }
0xd: {  	[smem:$0x3FAD] =	sst s5  }
0xe: {  	[smem:$0x3FAE] =	sst s6  }
0xf: {  	[smem:$0x3FAF] =	sst s7  }
0x10: {  	[smem:$0x3FB0] =	sst s8  }
0x11: {  	[smem:$0x3FB1] =	sst s9;
	s0 =	simm.s32 @!p0 $0x0  }
0x12: {  	s1 =	sld [smem:$0x3F97];
	s0 =	simm.s32 @p0 $0x1  }
0x13: {  	[smem:$0x3FB2] =	sst s0;
	s0 =	simm.s32 @!p1 $0x0  }
0x14: {  	s2 =	sld [smem:$0x3F96];
	s0 =	simm.s32 @p1 $0x1  }
0x15: {  	[smem:$0x3FB3] =	sst s0;
	s0 =	simm.s32 @!p2 $0x0  }
0x16: {  	s3 =	sld [smem:$0x3FDB];
	s0 =	simm.s32 @p2 $0x1  }
0x17: {  	s4 =	simm.s32 $0x1BF5;
	[smem:$0x3FB5] =	sst s0  }
0x18: {  	s0 =	sld [smem:$0x3F98];
	_ =	swait.ge [sflag:s4], $0x0  }
0x19: {  	s7 =	sld [smem:$0x3F99]  }
0x1a: {  	s8 =	sadd.s32 $0xFFFFE003, lr  }
0x1b: {  	s9 =	sadd.s32 $0xFFFFFEF7, lr;
	s5 =	simm.s32 $0xFFFFFFFF;
	p2 =	slt.u32 s8, $0xFFFFF086  }
0x1c: {  	p1 =	slt.u32 s9, $0xF7A;
	s5 =	simm.s32 @!p2 $0x0  }
0x1d: {  	s5 =	simm.s32 @p1 $0x1;
	p0 =	seq.s32 s7, s2  }
0x1e: {  	s7 =	smul.u32 @!p0 $0xF7A, s2;
	p2 =	seq.s32 @!p0 s5, $0x0  }
0x1f: {  	s9 =	smul.u32 $0xF7A, s1;
	s8 =	simm.s32 @!p0 $0x1BF5;
	p2 =	por !p2, p0  }
0x20: {  	[sflag:s8] =	ssyncset.s32 @!p0 $0xFFFFF086;
	s6 =	sadd.s32 @!p0 s3, s7;
	s7 =	simm.s32 @!p0 $0x108  }
0x21: {  	s3 =	sadd.s32 s3, s9;
	s6 =	sadd.s32 @!p0 $0x88, s6;
	s7 =	simm.s32 @p2 $0x1082  }
0x22: {  	[simem:s7], [sflag:s8] =	dma.local @!p0 [hbm:s6], $0xF7A  }
0x23: {  	s9 =	sor.u32 $0xD0000000, s2;
	s6 =	simm.s32 $0x108;
	_ =	swait.ge @!p0 [sflag:s8], $0x0  }
0x24: {  	s3 =	sadd.s32 $0x88, s3;
	s6 =	simm.s32 @!p1 $0x1082;
	[sflag:s4] =	ssyncset.s32 $0xFFFFF086  }
0x25: {  	[simem:s6], [sflag:s4] =	dma.local [hbm:s3], $0xF7A  }
0x26: {  	[smem:$0x3F99] =	sst s1;
	(tag) =	ssettag s2;
	_ =	strace s9  }
0x27: {  	s1 =	sld [smem:$0x3FA9]  }
0x28: {  	s2 =	sld [smem:$0x3FAA]  }
0x29: {  	s4 =	sld [smem:$0x3FAC]  }
0x2a: {  	p0 =	seq.s32 s5, $0x0;
	s5 =	sld [smem:$0x3FAD]  }
0x2b: {  	s6 =	sld [smem:$0x3FAE]  }
0x2c: {  	s7 =	sld [smem:$0x3FAF]  }
0x2d: {  	s3 =	simm.s32 $0x108;
	s8 =	sld [smem:$0x3FB0]  }
0x2e: {  	s3 =	simm.s32 @!p0 $0x1082;
	s9 =	sld [smem:$0x3FB1]  }
0x2f: {  	lr =	sadd.s32 s0, s3;
	s0 =	sld [smem:$0x3FA8]  }
0x30: {  	s3 =	sld [smem:$0x3FAB]  }
0x31: {  	[smem:$0x3FB4] =	sst s10  }
0x32: {  	s10 =	sld [smem:$0x3FB2];
	_ =	sdelay $0x3  }
0x33: {  	p0 =	seq.s32 s10, $0x1;
	s10 =	sld [smem:$0x3FB4];
	_ =	sdelay $0x3  }
0x34: {  	[smem:$0x3FB4] =	sst s10  }
0x35: {  	s10 =	sld [smem:$0x3FB3];
	_ =	sdelay $0x3  }
0x36: {  	p1 =	seq.s32 s10, $0x1;
	s10 =	sld [smem:$0x3FB4];
	_ =	sdelay $0x3  }
0x37: {  	[smem:$0x3FB4] =	sst s10  }
0x38: {  	s10 =	sld [smem:$0x3FB5]  }
0x39: {  	_ = 	snop;
	(pc) =	sbr.ind lr, $3  }
0x3a: {  	_ = 	snop  }
0x3b: {  	_ = 	snop  }
0x3c: {  	p2 =	seq.s32 s10, $0x1;
	s10 =	sld [smem:$0x3FB4]  }
0x3d: {  	_ =	shalt  }
0x3e: {  	_ =	shalt  }
0x3f: {  	_ =	shalt  }
0x40: {  	_ =	shalt  }
0x41: {  	_ =	shalt  }
0x42: {  	_ =	shalt  }
0x43: {  	_ =	shalt  }
0x44: {  	_ =	shalt  }
0x45: {  	_ =	shalt  }
0x46: {  	_ =	shalt  }
0x47: {  	_ =	shalt  }
0x48: {  	_ =	shalt  }
0x49: {  	_ =	shalt  }
0x4a: {  	_ =	shalt  }
0x4b: {  	_ =	shalt  }
0x4c: {  	_ =	shalt  }
0x4d: {  	_ =	shalt  }
0x4e: {  	_ =	shalt  }
0x4f: {  	_ =	shalt  }
0x50: {  	_ =	shalt  }
0x51: {  	_ =	shalt  }
0x52: {  	_ =	shalt  }
0x53: {  	_ =	shalt  }
0x54: {  	_ =	shalt  }
0x55: {  	_ =	shalt  }
0x56: {  	_ =	shalt  }
0x57: {  	_ =	shalt  }
0x58: {  	_ =	shalt  }
0x59: {  	_ =	shalt  }
0x5a: {  	_ =	shalt  }
0x5b: {  	_ =	shalt  }
0x5c: {  	_ =	shalt  }
0x5d: {  	_ =	shalt  }
0x5e: {  	_ =	shalt  }
0x5f: {  	_ =	shalt  }
0x60: {  	_ =	shalt  }
0x61: {  	_ =	shalt  }
0x62: {  	_ =	shalt  }
0x63: {  	_ =	shalt  }
0x64: {  	_ =	shalt  }
0x65: {  	_ =	shalt  }
0x66: {  	_ =	shalt  }
0x67: {  	_ =	shalt  }
0x68: {  	_ =	shalt  }
0x69: {  	_ =	shalt  }
0x6a: {  	_ =	shalt  }
0x6b: {  	_ =	shalt  }
0x6c: {  	_ =	shalt  }
0x6d: {  	_ =	shalt  }
0x6e: {  	_ =	shalt  }
0x6f: {  	_ =	shalt  }
0x70: {  	_ =	shalt  }
0x71: {  	_ =	shalt  }
0x72: {  	_ =	shalt  }
0x73: {  	_ =	shalt  }
0x74: {  	_ =	shalt  }
0x75: {  	_ =	shalt  }
0x76: {  	_ =	shalt  }
0x77: {  	_ =	shalt  }
0x78: {  	_ =	shalt  }
0x79: {  	_ =	shalt  }
0x7a: {  	_ =	shalt  }
0x7b: {  	_ =	shalt  }
0x7c: {  	_ =	shalt  }
0x7d: {  	_ =	shalt  }
0x7e: {  	_ =	shalt  }
0x7f: {  	_ =	shalt  }
0x80: {  	_ =	shalt  }
0x81: {  	_ =	shalt  }
0x82: {  	_ =	shalt  }
0x83: {  	_ =	shalt  }
0x84: {  	_ =	shalt  }
0x85: {  	_ =	shalt  }
0x86: {  	_ =	shalt  }
0x87: {  	_ =	shalt  }
.Lfunc_end0:
.L_simem_size_0:
called_computation_lowered:
.L_overlay_start_0:
0x88: {  	s2 =	sld [smem:$0x3FD9]  }
0x89: {  	s3 =	sld [smem:$0x3FFE];
	_ =	sdelay $0x1  }
0x8a: {  	s1 =	srdreg.scid  }
0x8b: {  	s0 =	sand.u32 $0x1, s1  }
0x8c: {  	s16 =	sshll.u32 s0, $0xA;
	s2 =	sadd.s32 s3, s2  }
0x8d: {  	s2 =	sadd.s32 s2, s16  }
0x8e: {  	[smem:$0x3FC0] =	sst s2  }
0x8f: {  	_ = 	snop  }
0x90: {  	(tm) =	ssettm $0x1  }
0x91: {  	s17 =	sld [smem:$0x3FFB];
	_ =	sdelay $0x3  }
0x92: {  	_ =	strace s17  }
0x93: {  	s2 =	sld [smem:$0x3FFC];
	_ =	sdelay $0x3  }
0x94: {  	_ =	strace s2  }
0x95: {  	s2 =	sld [smem:$0x3FFD];
	_ =	sdelay $0x3  }
0x96: {  	_ =	strace s2  }
0x97: {  	_ =	strace $0x8FFFFFFF  }
0x98: {  	s18 =	sld [smem:$0x3FDB];
	_ =	sdelay $0x1  }
0x99: {  	s19 =	simm.s32 $_scs_section_size  }
0x9a: {  	s4 =	simm.s32 $_size__tile_overlayer_lowered;
	s5 =	simm.s32 $_tile_overlayer_lowered  }
0x9b: {  	s22 =	simm.s32 $0x1BFF;
	s21 =	sshll.u32 s5, $0x1;
	s2 =	sadd.s32 s19, s18  }
0x9c: {  	s6 =	simm.s32 $0x0;
	s20 =	sshll.u32 s4, $0x1;
	s4 =	sadd.s32 s21, s2  }
0x9d: {  	[timem:s6], [sflag:s22] =	dma.local [hbm:s4], s20  }
0x9e: {  	_ =	swait.ge [sflag:s22], s20  }
0x9f: {  	s3 =	ssub.s32 $0x0, s20;
	[sflag:s22] =	ssyncset.done $0x0  }
0xa0: {  	[sflag:s22] =	ssyncadd.s32 s3;
	_ =	sdelay $0x1  }
0xa1: {  	s23 =	simm.s32 $0x1B8B  }
0xa2: {  	_ =	swait.ge [sflag:s23], $0x1  }
0xa3: {  	[sflag:s23] =	ssyncset.done $0x0  }
0xa4: {  	s25 =	simm.s32 $0x1B8E;
	s24 =	sld [smem:$0x3FFE];
	[sflag:s23] =	ssyncadd.s32 $0xFFFFFFFF  }
0xa5: {  	s26 =	simm.s32 $execute0_lowered;
	[smem:$0x3FD2] =	sst s25  }
0xa6: {  	s4 =	sshll.u32 s26, $0x1;
	_ =	strace $0x80000046;
	[dreg:$0x1] =	wrdreg $0xFFFFFFFF  }
0xa7: {  	s28 =	simm.s32 $_size_execute0_lowered;
	s2 =	sadd.s32 s2, s4;
	[dreg:$0x0] =	wrdreg $0x0  }
0xa8: {  	s4 =	sshll.u32 s28, $0x1;
	[dreg:$0x2] =	wrdreg s2  }
0xa9: {  	[dreg:$0x3] =	wrdreg s4  }
0xaa: {  	[dreg:$0x4] =	wrdreg $0xC0  }
0xab: {  	_ =	task [dreg:s6], $0x5FFFF  }
0xac: {  	[dreg:$0x1] =	wrdreg $0xFFFFFFFF  }
0xad: {  	[dreg:$0x0] =	wrdreg $0x60  }
0xae: {  	[dreg:$0x2] =	wrdreg s24  }
0xaf: {  	[dreg:$0x3] =	wrdreg $0x9  }
0xb0: {  	_ =	task.clear_ibuf [dreg:s6], $0x4FFFF;
	_ =	strace $0x90000046  }
0xb1: {  	s29 =	simm.s32 $0x9;
	_ =	strace $0x80000048  }
0xb2: {  	_ =	swait.ge [sflag:s29], $0x1  }
0xb3: {  	[sflag:s29] =	ssyncadd.s32 $0xFFFFFFFF  }
0xb4: {  	_ =	strace $0x90000048  }
0xb5: {  	_ =	sfence  }
0xb6: {  	s30 =	sld [smem:$0x0];
	_ =	sdelay $0x2  }
0xb7: {  	s31 =	sshll.u32 s1, $0xD;
	s1 =	sshrl.u32 s1, $0x2  }
0xb8: {  	s3 =	sand.u32 $0x4000, s31;
	s1 =	sadd.s32 s1, s30  }
0xb9: {  	s0 =	sor.u32 s3, s0;
	s1 =	sshll.u32 s1, $0x11  }
0xba: {  	s0 =	sor.u32 s1, s0  }
0xbb: {  	s0 =	sadd.s32 $0x8F2B, s0  }
0xbc: {  	[sflag:s0] =	ssyncadd.remote.s32 $0x1  }
0xbd: {  	_ =	sfence.sel $0xFFFF  }
0xbe: {  	[dreg:$0x0] =	wrdreg $0xFFFFFFFF;
	(pc) =	sbr.abs _section_cstart, $3  }
0xbf: {  	[dreg:$0x1] =	wrdreg $0xFFFFFFFF  }
0xc0: {  	_ =	task.clear_ibuf [dreg:s6], $0x2FFFF;
	_ =	strace $0x9FFFFFFF  }
0xc1: {  	(tm) =	ssettm $0x7FFFFFFF  }
tec
execute0_lowered:
.L_overlay_start_1:
0x0: {  	(tag) =	ssettag $0x1  }
0x1: {  	s0 =	srdreg.scid  }
0x2: {  	s3 =	sand.u32 $0x1, s0  }
0x3: {  	s0 =	stileid.u32;
	s1 =	sshll.u32 s3, $0x4  }
0x4: {  	s6 =	rddreg [dreg:$0x0];
	s2 =	simm.s32 $0x0;
	s4 =	sor.u32 s0, s1  }
0x5: {  	s8 =	simm.s32 $0x400;
	s9 =	simm.s32 $0x1;
	s1 =	sshrl.u32 s4, $0x3  }
0x6: {  	s10 =	simm.s32 $0x2780;
	s29 =	sshll.u32 s0, $0x7;
	s5 =	smul.u32 $0x13C00, s1  }
0x7: {  	s11 =	simm.s32 $0x0;
	[smem:$0x7FF] =	sst s2;
	s7 =	sand.u32 $0x380, s29  }
0x8: {  	s30 =	ssub.s32 $0x2, s3;
	s3 =	sadd.s32 $0xCA00, s6;
	s5 =	sor.u32 s7, s5  }
0x9: {  	s31 =	sshrl.u32 s30, $0x1;
	s4 =	smul.u32 $0x500, s4;
	s5 =	sshrl.u32 s5, $0x3  }
0xa: {  	s1 =	rddreg [dreg:$0x1];
	_ =	strace $0x80000047;
	s5 =	sadd.s32 s5, s6  }
0xb: {  	s7 =	ssub.s32 s30, s31;
	s6 =	sadd.s32 s4, s6;
	s4 =	sadd.s32 $0x2C00, s5  }
0xc: {  	v0 =	vimm.f32 $1.000000000e+00;
	s5 =	sadd.s32 $0xD000, s6;
	s6 =	smax.u32 s7, $0x1;
	s7 =	simm.s32 $0x80  }
.LBB2_1:
0xd: {  	[tilespmem:s2], [sflag:$0x1] =	stream.strided.gather [hbm4b:s4+s7], $0x2780, s8, s7, $0x38;
	[tilespmem:$0x4F80] =	vst v63  }
0xe: {  	_ =	swait.ge [sflag:s9], $0x2780  }
0xf: {  	[sflag:s9] =	ssyncset.done $0x0  }
0x10: {  	[sflag:s9] =	ssyncadd.s32 $0xFFFFD880  }
0x11: {  	[tilespmem:s10], [sflag:$0x1] =	stream.linear.gather [hbm4b:s3+s2], $0x2800, $0x38;
	[tilespmem:$0x4F80] =	vst v63  }
0x12: {  	_ =	swait.ge [sflag:s9], $0x2800  }
0x13: {  	[sflag:s9] =	ssyncset.done $0x0  }
0x14: {  	s13 =	simm.s32 $0x0;
	s12 =	simm.s32 $0x40;
	[sflag:s9] =	ssyncadd.s32 $0xFFFFD800  }
.LBB2_2:
0x15: {  	p0 =	sne.s32 s12, $0x9C00;
	v1 =	vld [tilespmem:s13+$0x0];
	_ =	sdelay $0x3  }
.Ltmp0:
0x16: {  	(pc) =	sbr.rel @p0 .LBB2_2-.Ltmp0, $2  }
0x17: {  	_ =	sdelay $0x2  }
0x18: {  	s13 =	sshra.s32 s12, $0x2;
	s12 =	sadd.s32 $0x40, s12;
	[tilespmem:v1+s10+$0x0] =	vst.idx.add.f32.msk $0xffff, v0  }
0x19: {  	v1 =	vld [tilespmem:s13+$0x0];
	_ =	sdelay $0x5  }
0x1a: {  	s11 =	sadd.s32 $0x1, s11  }
0x1b: {  	p0 =	sne.s32 s11, s6  }
.Ltmp1:
0x1c: {  	[tilespmem:v1+s10+$0x0] =	vst.idx.add.f32.msk $0xffff, v0;
	(pc) =	sbr.rel @p0 .LBB2_1-.Ltmp1, $4  }
0x1d: {  	[hbm4b:s5+s2] =	stream.linear.scatter [tilespmem:s10], [sflag:$0x1], $0x2800, $0x38;
	[tilespmem:$0x4F80] =	vst v63  }
0x1e: {  	_ =	swait.ge [sflag:s9], $0x2800  }
0x1f: {  	[sflag:s9] =	ssyncset.done $0x0  }
0x20: {  	[sflag:s9] =	ssyncadd.s32 $0xFFFFD800  }
0x21: {  	_ =	sfence.sel $0x180000  }
0x22: {  	[bflag:$0x0] =	sbarrier.arrive $0xFFFF  }
0x23: {  	p0 =	sne.s32 s0, $0x0;
	_ =	strace $0x90000047  }
0x24: {  	s0 =	sadd.s32 @!p0 $0x100000, s1;
	[bflag:$0x2] =	sbarrier.arrive $0xFFFF  }
0x25: {  	[sflag:s0] =	ssyncadd.tile.s32 @!p0 $0x1;
	_ =	shalt  }
.Lfunc_end2:
_tile_overlayer_lowered:
.L_overlay_start_2:
0x26: {  	(tag) =	ssettag $0x2  }
0x27: {  	s0 =	rddreg [dreg:$0x0];
	s2 =	stileid.u32  }
0x28: {  	s1 =	rddreg [dreg:$0x1];
	p0 =	sne.s32 s2, $0x0  }
0x29: {  	s3 =	rddreg [dreg:$0x2];
	[bflag:$0x3] =	sbarrier.arrive $0xFFFF;
	s2 =	simm.s32 @!p0 $0x1C01  }
0x2a: {  	[timem:s3], [sflag:s2] =	dma.local @!p0 [hbm:s0], s1  }
0x2b: {  	s0 =	simm.s32 @!p0 $0x1  }
0x2c: {  	_ =	swait.ge @!p0 [sflag:s0], s1  }
0x2d: {  	s1 =	ssub.s32 @!p0 $0x0, s1;
	[sflag:s0] =	ssyncset.done @!p0 $0x0  }
0x2e: {  	[sflag:s0] =	ssyncadd.s32 @!p0 s1  }
0x2f: {  	[bflag:$0x3] =	sbarrier.arrive $0xFFFF  }
0x30: {  	_ =	shalt  }

// kernel: kernel.14.cloned.1.call-start
scs
__scs_entry_jumppad:
0x0: {  	(pc) =	sbr.rel $0x88, $3  }
0x1: {  	(tag) =	ssettag $0x0;
	lr =	simm.s32 $0x1  }
0x2: {  	[smem:$0x3F99] =	sst lr;
	_ =	strace $0xD0000000  }
0x3: {  	_ = 	snop  }
0x4: {  	_ = 	snop  }
0x5: {  	_ = 	snop  }
0x6: {  	_ = 	snop  }
0x7: {  	_ = 	snop  }
__scs_overlays_trampoline_lowered:
0x8: {  	[smem:$0x3FA8] =	sst s0  }
0x9: {  	[smem:$0x3FA9] =	sst s1  }
0xa: {  	[smem:$0x3FAA] =	sst s2  }
0xb: {  	[smem:$0x3FAB] =	sst s3  }
0xc: {  	[smem:$0x3FAC] =	sst s4  }
0xd: {  	[smem:$0x3FAD] =	sst s5  }
0xe: {  	[smem:$0x3FAE] =	sst s6  }
0xf: {  	[smem:$0x3FAF] =	sst s7  }
0x10: {  	[smem:$0x3FB0] =	sst s8  }
0x11: {  	[smem:$0x3FB1] =	sst s9;
	s0 =	simm.s32 @!p0 $0x0  }
0x12: {  	s1 =	sld [smem:$0x3F97];
	s0 =	simm.s32 @p0 $0x1  }
0x13: {  	[smem:$0x3FB2] =	sst s0;
	s0 =	simm.s32 @!p1 $0x0  }
0x14: {  	s2 =	sld [smem:$0x3F96];
	s0 =	simm.s32 @p1 $0x1  }
0x15: {  	[smem:$0x3FB3] =	sst s0;
	s0 =	simm.s32 @!p2 $0x0  }
0x16: {  	s3 =	sld [smem:$0x3FDB];
	s0 =	simm.s32 @p2 $0x1  }
0x17: {  	s4 =	simm.s32 $0x1BF5;
	[smem:$0x3FB5] =	sst s0  }
0x18: {  	s0 =	sld [smem:$0x3F98];
	_ =	swait.ge [sflag:s4], $0x0  }
0x19: {  	s7 =	sld [smem:$0x3F99]  }
0x1a: {  	s8 =	sadd.s32 $0xFFFFE003, lr  }
0x1b: {  	s9 =	sadd.s32 $0xFFFFFEF7, lr;
	s5 =	simm.s32 $0xFFFFFFFF;
	p2 =	slt.u32 s8, $0xFFFFF086  }
0x1c: {  	p1 =	slt.u32 s9, $0xF7A;
	s5 =	simm.s32 @!p2 $0x0  }
0x1d: {  	s5 =	simm.s32 @p1 $0x1;
	p0 =	seq.s32 s7, s2  }
0x1e: {  	s7 =	smul.u32 @!p0 $0xF7A, s2;
	p2 =	seq.s32 @!p0 s5, $0x0  }
0x1f: {  	s9 =	smul.u32 $0xF7A, s1;
	s8 =	simm.s32 @!p0 $0x1BF5;
	p2 =	por !p2, p0  }
0x20: {  	[sflag:s8] =	ssyncset.s32 @!p0 $0xFFFFF086;
	s6 =	sadd.s32 @!p0 s3, s7;
	s7 =	simm.s32 @!p0 $0x108  }
0x21: {  	s3 =	sadd.s32 s3, s9;
	s6 =	sadd.s32 @!p0 $0x88, s6;
	s7 =	simm.s32 @p2 $0x1082  }
0x22: {  	[simem:s7], [sflag:s8] =	dma.local @!p0 [hbm:s6], $0xF7A  }
0x23: {  	s9 =	sor.u32 $0xD0000000, s2;
	s6 =	simm.s32 $0x108;
	_ =	swait.ge @!p0 [sflag:s8], $0x0  }
0x24: {  	s3 =	sadd.s32 $0x88, s3;
	s6 =	simm.s32 @!p1 $0x1082;
	[sflag:s4] =	ssyncset.s32 $0xFFFFF086  }
0x25: {  	[simem:s6], [sflag:s4] =	dma.local [hbm:s3], $0xF7A  }
0x26: {  	[smem:$0x3F99] =	sst s1;
	(tag) =	ssettag s2;
	_ =	strace s9  }
0x27: {  	s1 =	sld [smem:$0x3FA9]  }
0x28: {  	s2 =	sld [smem:$0x3FAA]  }
0x29: {  	s4 =	sld [smem:$0x3FAC]  }
0x2a: {  	p0 =	seq.s32 s5, $0x0;
	s5 =	sld [smem:$0x3FAD]  }
0x2b: {  	s6 =	sld [smem:$0x3FAE]  }
0x2c: {  	s7 =	sld [smem:$0x3FAF]  }
0x2d: {  	s3 =	simm.s32 $0x108;
	s8 =	sld [smem:$0x3FB0]  }
0x2e: {  	s3 =	simm.s32 @!p0 $0x1082;
	s9 =	sld [smem:$0x3FB1]  }
0x2f: {  	lr =	sadd.s32 s0, s3;
	s0 =	sld [smem:$0x3FA8]  }
0x30: {  	s3 =	sld [smem:$0x3FAB]  }
0x31: {  	[smem:$0x3FB4] =	sst s10  }
0x32: {  	s10 =	sld [smem:$0x3FB2];
	_ =	sdelay $0x3  }
0x33: {  	p0 =	seq.s32 s10, $0x1;
	s10 =	sld [smem:$0x3FB4];
	_ =	sdelay $0x3  }
0x34: {  	[smem:$0x3FB4] =	sst s10  }
0x35: {  	s10 =	sld [smem:$0x3FB3];
	_ =	sdelay $0x3  }
0x36: {  	p1 =	seq.s32 s10, $0x1;
	s10 =	sld [smem:$0x3FB4];
	_ =	sdelay $0x3  }
0x37: {  	[smem:$0x3FB4] =	sst s10  }
0x38: {  	s10 =	sld [smem:$0x3FB5]  }
0x39: {  	_ = 	snop;
	(pc) =	sbr.ind lr, $3  }
0x3a: {  	_ = 	snop  }
0x3b: {  	_ = 	snop  }
0x3c: {  	p2 =	seq.s32 s10, $0x1;
	s10 =	sld [smem:$0x3FB4]  }
0x3d: {  	_ =	shalt  }
0x3e: {  	_ =	shalt  }
0x3f: {  	_ =	shalt  }
0x40: {  	_ =	shalt  }
0x41: {  	_ =	shalt  }
0x42: {  	_ =	shalt  }
0x43: {  	_ =	shalt  }
0x44: {  	_ =	shalt  }
0x45: {  	_ =	shalt  }
0x46: {  	_ =	shalt  }
0x47: {  	_ =	shalt  }
0x48: {  	_ =	shalt  }
0x49: {  	_ =	shalt  }
0x4a: {  	_ =	shalt  }
0x4b: {  	_ =	shalt  }
0x4c: {  	_ =	shalt  }
0x4d: {  	_ =	shalt  }
0x4e: {  	_ =	shalt  }
0x4f: {  	_ =	shalt  }
0x50: {  	_ =	shalt  }
0x51: {  	_ =	shalt  }
0x52: {  	_ =	shalt  }
0x53: {  	_ =	shalt  }
0x54: {  	_ =	shalt  }
0x55: {  	_ =	shalt  }
0x56: {  	_ =	shalt  }
0x57: {  	_ =	shalt  }
0x58: {  	_ =	shalt  }
0x59: {  	_ =	shalt  }
0x5a: {  	_ =	shalt  }
0x5b: {  	_ =	shalt  }
0x5c: {  	_ =	shalt  }
0x5d: {  	_ =	shalt  }
0x5e: {  	_ =	shalt  }
0x5f: {  	_ =	shalt  }
0x60: {  	_ =	shalt  }
0x61: {  	_ =	shalt  }
0x62: {  	_ =	shalt  }
0x63: {  	_ =	shalt  }
0x64: {  	_ =	shalt  }
0x65: {  	_ =	shalt  }
0x66: {  	_ =	shalt  }
0x67: {  	_ =	shalt  }
0x68: {  	_ =	shalt  }
0x69: {  	_ =	shalt  }
0x6a: {  	_ =	shalt  }
0x6b: {  	_ =	shalt  }
0x6c: {  	_ =	shalt  }
0x6d: {  	_ =	shalt  }
0x6e: {  	_ =	shalt  }
0x6f: {  	_ =	shalt  }
0x70: {  	_ =	shalt  }
0x71: {  	_ =	shalt  }
0x72: {  	_ =	shalt  }
0x73: {  	_ =	shalt  }
0x74: {  	_ =	shalt  }
0x75: {  	_ =	shalt  }
0x76: {  	_ =	shalt  }
0x77: {  	_ =	shalt  }
0x78: {  	_ =	shalt  }
0x79: {  	_ =	shalt  }
0x7a: {  	_ =	shalt  }
0x7b: {  	_ =	shalt  }
0x7c: {  	_ =	shalt  }
0x7d: {  	_ =	shalt  }
0x7e: {  	_ =	shalt  }
0x7f: {  	_ =	shalt  }
0x80: {  	_ =	shalt  }
0x81: {  	_ =	shalt  }
0x82: {  	_ =	shalt  }
0x83: {  	_ =	shalt  }
0x84: {  	_ =	shalt  }
0x85: {  	_ =	shalt  }
0x86: {  	_ =	shalt  }
0x87: {  	_ =	shalt  }
.Lfunc_end0:
.L_simem_size_0:
called_computation.1_lowered:
.L_overlay_start_0:
0x88: {  	s2 =	sld [smem:$0x3FD9]  }
0x89: {  	s3 =	sld [smem:$0x3FFE];
	_ =	sdelay $0x1  }
0x8a: {  	s1 =	srdreg.scid  }
0x8b: {  	s0 =	sand.u32 $0x1, s1  }
0x8c: {  	s17 =	sshll.u32 s0, $0xA;
	s2 =	sadd.s32 s3, s2  }
0x8d: {  	s2 =	sadd.s32 s2, s17  }
0x8e: {  	[smem:$0x3FC0] =	sst s2  }
0x8f: {  	_ = 	snop  }
0x90: {  	s2 =	sld [smem:$0x3FD0];
	(tm) =	ssettm $0x1  }
0x91: {  	s18 =	sld [smem:$0x3FFB];
	_ =	sdelay $0x3  }
0x92: {  	_ =	strace s18  }
0x93: {  	s3 =	sld [smem:$0x3FFC];
	_ =	sdelay $0x3  }
0x94: {  	_ =	strace s3  }
0x95: {  	s3 =	sld [smem:$0x3FFD];
	_ =	sdelay $0x3  }
0x96: {  	_ =	strace s3  }
0x97: {  	_ =	strace $0x8FFFFFFF  }
0x98: {  	s19 =	sld [smem:$0x3FDB];
	_ =	sdelay $0x1  }
0x99: {  	s4 =	simm.s32 $_scs_section_size  }
0x9a: {  	s5 =	simm.s32 $_size__tile_overlayer_lowered;
	s6 =	simm.s32 $_tile_overlayer_lowered  }
0x9b: {  	s22 =	simm.s32 $0x1BFF;
	s21 =	sshll.u32 s6, $0x1;
	s3 =	sadd.s32 s4, s19  }
0x9c: {  	s7 =	simm.s32 $0x0;
	s20 =	sshll.u32 s5, $0x1;
	s5 =	sadd.s32 s21, s3  }
0x9d: {  	[timem:s7], [sflag:s22] =	dma.local [hbm:s5], s20  }
0x9e: {  	_ =	swait.ge [sflag:s22], s20  }
0x9f: {  	s4 =	ssub.s32 $0x0, s20;
	[sflag:s22] =	ssyncset.done $0x0  }
0xa0: {  	[sflag:s22] =	ssyncadd.s32 s4;
	_ =	sdelay $0x1  }
0xa1: {  	s23 =	simm.s32 $0x1B8B  }
0xa2: {  	_ =	swait.ge [sflag:s23], $0x1  }
0xa3: {  	[sflag:s23] =	ssyncset.done $0x0  }
0xa4: {  	s25 =	simm.s32 $0x1B8E;
	s24 =	sld [smem:$0x3FFE];
	[sflag:s23] =	ssyncadd.s32 $0xFFFFFFFF  }
0xa5: {  	s26 =	simm.s32 $execute0_lowered;
	[smem:$0x3FD2] =	sst s25  }
0xa6: {  	s5 =	sshll.u32 s26, $0x1;
	_ =	strace $0x80000049;
	[dreg:$0x1] =	wrdreg $0xFFFFFFFF  }
0xa7: {  	s28 =	simm.s32 $_size_execute0_lowered;
	s3 =	sadd.s32 s3, s5;
	[dreg:$0x0] =	wrdreg $0x0  }
0xa8: {  	s5 =	sshll.u32 s28, $0x1;
	[dreg:$0x2] =	wrdreg s3  }
0xa9: {  	[dreg:$0x3] =	wrdreg s5  }
0xaa: {  	[dreg:$0x4] =	wrdreg $0xC0  }
0xab: {  	_ =	task [dreg:s7], $0x5FFFF  }
0xac: {  	[dreg:$0x1] =	wrdreg $0xFFFFFFFF  }
0xad: {  	[dreg:$0x0] =	wrdreg $0x60  }
0xae: {  	[dreg:$0x2] =	wrdreg s24  }
0xaf: {  	[dreg:$0x3] =	wrdreg s2  }
0xb0: {  	[dreg:$0x4] =	wrdreg $0x84000  }
0xb1: {  	[dreg:$0x5] =	wrdreg $0x9  }
0xb2: {  	_ =	task.clear_ibuf [dreg:s7], $0x6FFFF;
	_ =	strace $0x90000049  }
0xb3: {  	s29 =	simm.s32 $0x9;
	_ =	strace $0x8000004B  }
0xb4: {  	_ =	swait.ge [sflag:s29], $0x1  }
0xb5: {  	[sflag:s29] =	ssyncadd.s32 $0xFFFFFFFF  }
0xb6: {  	_ =	strace $0x9000004B  }
0xb7: {  	_ =	sfence  }
0xb8: {  	s30 =	sld [smem:$0x0];
	_ =	sdelay $0x2  }
0xb9: {  	s31 =	sshll.u32 s1, $0xD;
	s1 =	sshrl.u32 s1, $0x2  }
0xba: {  	s3 =	sand.u32 $0x4000, s31;
	s1 =	sadd.s32 s1, s30  }
0xbb: {  	s0 =	sor.u32 s3, s0;
	s1 =	sshll.u32 s1, $0x11  }
0xbc: {  	s0 =	sor.u32 s1, s0  }
0xbd: {  	s0 =	sadd.s32 $0x8F2B, s0  }
0xbe: {  	[sflag:s0] =	ssyncadd.remote.s32 $0x1  }
0xbf: {  	_ =	sfence.sel $0xFFFF  }
0xc0: {  	[dreg:$0x0] =	wrdreg $0xFFFFFFFF;
	(pc) =	sbr.abs _section_cstart, $3  }
0xc1: {  	[dreg:$0x1] =	wrdreg $0xFFFFFFFF  }
0xc2: {  	_ =	task.clear_ibuf [dreg:s7], $0x2FFFF;
	_ =	strace $0x9FFFFFFF  }
0xc3: {  	(tm) =	ssettm $0x7FFFFFFF  }
tec
execute0_lowered:
.L_overlay_start_1:
0x0: {  	(tag) =	ssettag $0x1  }
0x1: {  	s0 =	rddreg [dreg:$0x0]  }
0x2: {  	s1 =	rddreg [dreg:$0x1];
	s3 =	srdreg.scid  }
0x3: {  	s2 =	rddreg [dreg:$0x2];
	s17 =	stileid.u32;
	s14 =	simm.s32 $0x6  }
0x4: {  	s15 =	simm.s32 $0x80;
	s16 =	simm.s32 $0x400;
	s5 =	smul.u32 $0x14000, s17  }
0x5: {  	s28 =	simm.s32 $0x3;
	s29 =	simm.s32 $0x280;
	s8 =	smul.u32 $0x50000, s17  }
0x6: {  	s30 =	simm.s32 $0x4;
	s31 =	simm.s32 $0x380;
	s12 =	smul.u32 $0x5000, s17  }
0x7: {  	s7 =	sand.u32 $0x1, s3;
	s3 =	simm.s32 $0x0;
	s20 =	smul.u32 $0x2800, s17  }
0x8: {  	s9 =	sadd.s32 $0x2AC00, s0;
	s26 =	sshll.u32 s17, $0x6;
	s4 =	smul.u32 $0x140000, s7  }
0x9: {  	[smem:$0x7FF] =	sst s3;
	s6 =	sshll.u32 s7, $0x4;
	s10 =	ssub.s32 $0x2, s7  }
0xa: {  	s11 =	smul.u32 $0x50000, s7;
	p0 =	seq.s32 s7, $0x1;
	_ =	strace $0x8000004A  }
0xb: {  	s6 =	sor.u32 s17, s6;
	s19 =	sshrl.u32 s10, $0x1;
	s8 =	sshrl.u32 s8, $0x2  }
0xc: {  	s17 =	simm.s32 $0x100;
	s5 =	sadd.s32 s5, s4;
	s4 =	sadd.s32 $0x2C00, s0  }
0xd: {  	s6 =	smul.u32 $0x5000, s6;
	s10 =	ssub.s32 s10, s19;
	s11 =	sadd.s32 s12, s11  }
0xe: {  	s19 =	sadd.s32 s8, s2;
	s5 =	sshrl.u32 s5, $0x3;
	s13 =	sor.u32 $0x500, s11  }
0xf: {  	s8 =	smax.u32 s10, $0x1;
	s22 =	sor.u32 $0x400, s11;
	s23 =	sor.u32 $0x300, s11  }
0x10: {  	s24 =	sor.u32 $0x200, s11;
	s19 =	sshrl.u32 s19, $0x3;
	s0 =	sadd.s32 s5, s0  }
0x11: {  	s18 =	sshrl.u32 s6, $0x3;
	s21 =	sshrl.u32 s13, $0x3;
	s25 =	sshrl.u32 s23, $0x3  }
0x12: {  	s13 =	sshrl.u32 s24, $0x3;
	s23 =	simm.s32 $0x4400;
	s24 =	simm.s32 $0x2  }
0x13: {  	s5 =	sadd.s32 s1, s18;
	s7 =	sadd.s32 $0x52C00, s0;
	s0 =	smov.u32 s4  }
0x14: {  	s10 =	sadd.s32 s21, s1;
	s12 =	sadd.s32 s25, s1;
	s13 =	sadd.s32 s13, s1  }
.Ltmp0:
0x15: {  	s18 =	sor.u32 $0x1C06, s26;
	s21 =	simm.s32 $0x200;
	(pc) =	sbr.rel .LBB2_1-.Ltmp0, $4  }
0x16: {  	s25 =	simm.s32 $0x180;
	[dreg:$0x4] =	wrdreg s5;
	s5 =	sadd.s32 $0x20, s5  }
0x17: {  	s26 =	simm.s32 $0x300;
	s0 =	smov.u32 @p0 s9;
	[dreg:$0x5] =	wrdreg s5  }
0x18: {  	s9 =	sadd.s32 s0, s20;
	s0 =	sshrl.u32 s22, $0x3;
	s20 =	simm.s32 $0x1  }
0x19: {  	s22 =	simm.s32 $0x5;
	s11 =	sadd.s32 s0, s1;
	s0 =	simm.s32 $0x0  }
.LBB2_4:
0x1a: {  	_ =	swait.ge [sflag:s28], $0x4000  }
0x1b: {  	[sflag:s28] =	ssyncset.done $0x0  }
0x1c: {  	[sflag:s28] =	ssyncadd.s32 $0xFFFFC000  }
0x1d: {  	_ =	swait.ge [sflag:s30], $0x4000  }
0x1e: {  	s0 =	sadd.s32 $0x1, s0;
	[sflag:s30] =	ssyncset.done $0x0  }
0x1f: {  	p0 =	sne.s32 s0, s8;
	[sflag:s30] =	ssyncadd.s32 $0xFFFFC000  }
.Ltmp1:
0x20: {  	[bflag:$0x0] =	sbarrier.arrive $0xFFFF;
	(pc) =	sbr.rel @!p0 .LBB2_5-.Ltmp1, $4  }
0x21: {  	[hbm:s7], [sflag:s18] =	dma.local [spmem:s19], $0x2800  }
0x22: {  	_ =	swait.ge [sflag:s14], $0x2800  }
0x23: {  	[sflag:s14] =	ssyncset.done $0x0  }
0x24: {  	[sflag:s14] =	ssyncadd.s32 $0xFFFFD800  }
.LBB2_1:
0x25: {  	s1 =	rddreg [dreg:$0x4]  }
0x26: {  	[tilespmem:s3], [sflag:$0x6] =	stream.linear.gather [hbm4b:s1+s3], $0x100, $0x38;
	[tilespmem:$0x1C400] =	vst v63  }
0x27: {  	_ =	swait.ge [sflag:s14], $0x100  }
0x28: {  	[sflag:s14] =	ssyncset.done $0x0  }
0x29: {  	[sflag:s14] =	ssyncadd.s32 $0xFFFFFF00  }
0x2a: {  	[tilespmem:s16], [sflag:$0x1] =	stream.indirect.gather [hbm4b:s4+s15], $0x80, s3, s15, $0xb8;
	[tilespmem:$0x1C400] =	vst v63  }
0x2b: {  	s6 =	rddreg [dreg:$0x5]  }
0x2c: {  	[tilespmem:s17], [sflag:$0x5] =	stream.linear.gather [hbm4b:s6+s3], $0x100, $0x38;
	[tilespmem:$0x1C400] =	vst v63  }
0x2d: {  	[spmem:s19], [sflag:s18] =	dma.local [hbm:s9], $0x2800  }
0x2e: {  	_ =	swait.ge [sflag:s14], $0x2800  }
0x2f: {  	[sflag:s14] =	ssyncset.done $0x0  }
0x30: {  	[sflag:s14] =	ssyncadd.s32 $0xFFFFD800  }
0x31: {  	s1 =	simm.s32 $0x0;
	[bflag:$0x0] =	sbarrier.arrive $0xFFFF  }
.LBB2_2:
0x32: {  	_ =	swait.ge [sflag:s20], $0x4000  }
0x33: {  	[sflag:s20] =	ssyncset.done $0x0  }
0x34: {  	[sflag:s20] =	ssyncadd.s32 $0xFFFFC000  }
0x35: {  	[spmem:s2] =	stream.indirect.scatter.add.f32 [tilespmem:s16], [sflag:$0x3], $0x80, s15, s15, $0xb8;
	[tilespmem:$0x1C400] =	vst v63  }
0x36: {  	s6 =	sadd.s32 s1, s13;
	p0 =	seq.s32 s1, $0x0  }
0x37: {  	[tilespmem:s21], [sflag:$0x5] =	stream.linear.gather [hbm4b:s6+s3], $0x100, $0x38;
	[tilespmem:$0x1C400] =	vst v63  }
0x38: {  	s6 =	simm.s32 @!p0 $0x4  }
0x39: {  	_ =	swait.ge @!p0 [sflag:s6], $0x4000  }
0x3a: {  	[sflag:s6] =	ssyncset.done @!p0 $0x0  }
0x3b: {  	[sflag:s6] =	ssyncadd.s32 @!p0 $0xFFFFC000  }
0x3c: {  	_ =	swait.ge [sflag:s22], $0x100  }
0x3d: {  	[sflag:s22] =	ssyncset.done $0x0  }
0x3e: {  	[sflag:s22] =	ssyncadd.s32 $0xFFFFFF00  }
0x3f: {  	[tilespmem:s23], [sflag:$0x2] =	stream.indirect.gather [hbm4b:s4+s15], $0x80, s17, s15, $0xb8;
	[tilespmem:$0x1C400] =	vst v63  }
0x40: {  	_ =	swait.ge [sflag:s24], $0x4000  }
0x41: {  	[sflag:s24] =	ssyncset.done $0x0  }
0x42: {  	[sflag:s24] =	ssyncadd.s32 $0xFFFFC000  }
0x43: {  	[spmem:s2] =	stream.indirect.scatter.add.f32 [tilespmem:s23], [sflag:$0x4], $0x80, s25, s15, $0xb8;
	[tilespmem:$0x1C400] =	vst v63  }
0x44: {  	s5 =	sadd.s32 s1, s12  }
0x45: {  	[tilespmem:s26], [sflag:$0x5] =	stream.linear.gather [hbm4b:s5+s3], $0x100, $0x38;
	[tilespmem:$0x1C400] =	vst v63  }
0x46: {  	_ =	swait.ge [sflag:s28], $0x4000  }
0x47: {  	[sflag:s28] =	ssyncset.done $0x0  }
0x48: {  	[sflag:s28] =	ssyncadd.s32 $0xFFFFC000  }
0x49: {  	_ =	swait.ge [sflag:s22], $0x100  }
0x4a: {  	[sflag:s22] =	ssyncset.done $0x0  }
0x4b: {  	[sflag:s22] =	ssyncadd.s32 $0xFFFFFF00  }
0x4c: {  	[tilespmem:s16], [sflag:$0x1] =	stream.indirect.gather [hbm4b:s4+s15], $0x80, s21, s15, $0xb8;
	[tilespmem:$0x1C400] =	vst v63  }
0x4d: {  	_ =	swait.ge [sflag:s20], $0x4000  }
0x4e: {  	[sflag:s20] =	ssyncset.done $0x0  }
0x4f: {  	p0 =	seq.s32 s1, $0x980;
	[sflag:s20] =	ssyncadd.s32 $0xFFFFC000  }
0x50: {  	[spmem:s2] =	stream.indirect.scatter.add.f32 [tilespmem:s16], [sflag:$0x3], $0x80, s29, s15, $0xb8;
	[tilespmem:$0x1C400] =	vst v63  }
0x51: {  	s6 =	sadd.s32 @!p0 s1, s11;
	s5 =	simm.s32 @!p0 $0x0  }
0x52: {  	[tilespmem:s5], [sflag:$0x5] =	stream.linear.gather @!p0 [hbm4b:s6+s5], $0x100, $0x38;
	[tilespmem:$0x1C400] =	vst v63  }
0x53: {  	_ =	swait.ge [sflag:s30], $0x4000  }
0x54: {  	[sflag:s30] =	ssyncset.done $0x0  }
0x55: {  	[sflag:s30] =	ssyncadd.s32 $0xFFFFC000  }
0x56: {  	_ =	swait.ge [sflag:s22], $0x100  }
0x57: {  	[sflag:s22] =	ssyncset.done $0x0  }
0x58: {  	[sflag:s22] =	ssyncadd.s32 $0xFFFFFF00  }
0x59: {  	[tilespmem:s23], [sflag:$0x2] =	stream.indirect.gather [hbm4b:s4+s15], $0x80, s26, s15, $0xb8;
	[tilespmem:$0x1C400] =	vst v63  }
.Ltmp2:
0x5a: {  	_ = 	snop;
	(pc) =	sbr.rel @p0 .LBB2_4-.Ltmp2, $4  }
0x5b: {  	_ =	swait.ge [sflag:s24], $0x4000  }
0x5c: {  	[sflag:s24] =	ssyncset.done $0x0  }
0x5d: {  	[sflag:s24] =	ssyncadd.s32 $0xFFFFC000  }
0x5e: {  	[spmem:s2] =	stream.indirect.scatter.add.f32 [tilespmem:s23], [sflag:$0x4], $0x80, s31, s15, $0xb8;
	[tilespmem:$0x1C400] =	vst v63  }
0x5f: {  	s5 =	sadd.s32 s1, s10  }
0x60: {  	[tilespmem:s17], [sflag:$0x5] =	stream.linear.gather [hbm4b:s5+s3], $0x100, $0x38;
	[tilespmem:$0x1C400] =	vst v63  }
0x61: {  	_ =	swait.ge [sflag:s28], $0x4000  }
0x62: {  	[sflag:s28] =	ssyncset.done $0x0  }
.Ltmp3:
0x63: {  	[sflag:s28] =	ssyncadd.s32 $0xFFFFC000;
	(pc) =	sbr.rel .LBB2_2-.Ltmp3, $4  }
0x64: {  	_ =	swait.ge [sflag:s22], $0x100  }
0x65: {  	[sflag:s22] =	ssyncset.done $0x0  }
0x66: {  	s1 =	sadd.s32 $0x80, s1;
	[sflag:s22] =	ssyncadd.s32 $0xFFFFFF00  }
0x67: {  	[tilespmem:s16], [sflag:$0x1] =	stream.indirect.gather [hbm4b:s4+s15], $0x80, s3, s15, $0xb8;
	[tilespmem:$0x1C400] =	vst v63  }
.LBB2_5:
0x68: {  	_ =	sfence.sel $0x180000  }
0x69: {  	[bflag:$0x0] =	sbarrier.arrive $0xFFFF  }
0x6a: {  	_ =	strace $0x9000004A  }
0x6b: {  	s0 =	stileid.u32;
	[bflag:$0x2] =	sbarrier.arrive $0xFFFF  }
0x6c: {  	p0 =	sne.s32 s0, $0x0;
	s0 =	rddreg [dreg:$0x3]  }
0x6d: {  	s0 =	sadd.s32 @!p0 $0x100000, s0  }
0x6e: {  	[sflag:s0] =	ssyncadd.tile.s32 @!p0 $0x1;
	_ =	shalt  }
.Lfunc_end2:
_tile_overlayer_lowered:
.L_overlay_start_2:
0x6f: {  	(tag) =	ssettag $0x2  }
0x70: {  	s0 =	rddreg [dreg:$0x0];
	s2 =	stileid.u32  }
0x71: {  	s1 =	rddreg [dreg:$0x1];
	p0 =	sne.s32 s2, $0x0  }
0x72: {  	s3 =	rddreg [dreg:$0x2];
	[bflag:$0x3] =	sbarrier.arrive $0xFFFF;
	s2 =	simm.s32 @!p0 $0x1C06  }
0x73: {  	[timem:s3], [sflag:s2] =	dma.local @!p0 [hbm:s0], s1  }
0x74: {  	s0 =	simm.s32 @!p0 $0x6  }
0x75: {  	_ =	swait.ge @!p0 [sflag:s0], s1  }
0x76: {  	s1 =	ssub.s32 @!p0 $0x0, s1;
	[sflag:s0] =	ssyncset.done @!p0 $0x0  }
0x77: {  	[sflag:s0] =	ssyncadd.s32 @!p0 s1  }
0x78: {  	[bflag:$0x3] =	sbarrier.arrive $0xFFFF  }
0x79: {  	_ =	shalt  }

// kernel: kernel.17.cloned.1.call-start
scs
__scs_entry_jumppad:
0x0: {  	(pc) =	sbr.rel $0x88, $3  }
0x1: {  	(tag) =	ssettag $0x0;
	lr =	simm.s32 $0x1  }
0x2: {  	[smem:$0x3F99] =	sst lr;
	_ =	strace $0xD0000000  }
0x3: {  	_ = 	snop  }
0x4: {  	_ = 	snop  }
0x5: {  	_ = 	snop  }
0x6: {  	_ = 	snop  }
0x7: {  	_ = 	snop  }
__scs_overlays_trampoline_lowered:
0x8: {  	[smem:$0x3FA8] =	sst s0  }
0x9: {  	[smem:$0x3FA9] =	sst s1  }
0xa: {  	[smem:$0x3FAA] =	sst s2  }
0xb: {  	[smem:$0x3FAB] =	sst s3  }
0xc: {  	[smem:$0x3FAC] =	sst s4  }
0xd: {  	[smem:$0x3FAD] =	sst s5  }
0xe: {  	[smem:$0x3FAE] =	sst s6  }
0xf: {  	[smem:$0x3FAF] =	sst s7  }
0x10: {  	[smem:$0x3FB0] =	sst s8  }
0x11: {  	[smem:$0x3FB1] =	sst s9;
	s0 =	simm.s32 @!p0 $0x0  }
0x12: {  	s1 =	sld [smem:$0x3F97];
	s0 =	simm.s32 @p0 $0x1  }
0x13: {  	[smem:$0x3FB2] =	sst s0;
	s0 =	simm.s32 @!p1 $0x0  }
0x14: {  	s2 =	sld [smem:$0x3F96];
	s0 =	simm.s32 @p1 $0x1  }
0x15: {  	[smem:$0x3FB3] =	sst s0;
	s0 =	simm.s32 @!p2 $0x0  }
0x16: {  	s3 =	sld [smem:$0x3FDB];
	s0 =	simm.s32 @p2 $0x1  }
0x17: {  	s4 =	simm.s32 $0x1BF5;
	[smem:$0x3FB5] =	sst s0  }
0x18: {  	s0 =	sld [smem:$0x3F98];
	_ =	swait.ge [sflag:s4], $0x0  }
0x19: {  	s7 =	sld [smem:$0x3F99]  }
0x1a: {  	s8 =	sadd.s32 $0xFFFFE003, lr  }
0x1b: {  	s9 =	sadd.s32 $0xFFFFFEF7, lr;
	s5 =	simm.s32 $0xFFFFFFFF;
	p2 =	slt.u32 s8, $0xFFFFF086  }
0x1c: {  	p1 =	slt.u32 s9, $0xF7A;
	s5 =	simm.s32 @!p2 $0x0  }
0x1d: {  	s5 =	simm.s32 @p1 $0x1;
	p0 =	seq.s32 s7, s2  }
0x1e: {  	s7 =	smul.u32 @!p0 $0xF7A, s2;
	p2 =	seq.s32 @!p0 s5, $0x0  }
0x1f: {  	s9 =	smul.u32 $0xF7A, s1;
	s8 =	simm.s32 @!p0 $0x1BF5;
	p2 =	por !p2, p0  }
0x20: {  	[sflag:s8] =	ssyncset.s32 @!p0 $0xFFFFF086;
	s6 =	sadd.s32 @!p0 s3, s7;
	s7 =	simm.s32 @!p0 $0x108  }
0x21: {  	s3 =	sadd.s32 s3, s9;
	s6 =	sadd.s32 @!p0 $0x88, s6;
	s7 =	simm.s32 @p2 $0x1082  }
0x22: {  	[simem:s7], [sflag:s8] =	dma.local @!p0 [hbm:s6], $0xF7A  }
0x23: {  	s9 =	sor.u32 $0xD0000000, s2;
	s6 =	simm.s32 $0x108;
	_ =	swait.ge @!p0 [sflag:s8], $0x0  }
0x24: {  	s3 =	sadd.s32 $0x88, s3;
	s6 =	simm.s32 @!p1 $0x1082;
	[sflag:s4] =	ssyncset.s32 $0xFFFFF086  }
0x25: {  	[simem:s6], [sflag:s4] =	dma.local [hbm:s3], $0xF7A  }
0x26: {  	[smem:$0x3F99] =	sst s1;
	(tag) =	ssettag s2;
	_ =	strace s9  }
0x27: {  	s1 =	sld [smem:$0x3FA9]  }
0x28: {  	s2 =	sld [smem:$0x3FAA]  }
0x29: {  	s4 =	sld [smem:$0x3FAC]  }
0x2a: {  	p0 =	seq.s32 s5, $0x0;
	s5 =	sld [smem:$0x3FAD]  }
0x2b: {  	s6 =	sld [smem:$0x3FAE]  }
0x2c: {  	s7 =	sld [smem:$0x3FAF]  }
0x2d: {  	s3 =	simm.s32 $0x108;
	s8 =	sld [smem:$0x3FB0]  }
0x2e: {  	s3 =	simm.s32 @!p0 $0x1082;
	s9 =	sld [smem:$0x3FB1]  }
0x2f: {  	lr =	sadd.s32 s0, s3;
	s0 =	sld [smem:$0x3FA8]  }
0x30: {  	s3 =	sld [smem:$0x3FAB]  }
0x31: {  	[smem:$0x3FB4] =	sst s10  }
0x32: {  	s10 =	sld [smem:$0x3FB2];
	_ =	sdelay $0x3  }
0x33: {  	p0 =	seq.s32 s10, $0x1;
	s10 =	sld [smem:$0x3FB4];
	_ =	sdelay $0x3  }
0x34: {  	[smem:$0x3FB4] =	sst s10  }
0x35: {  	s10 =	sld [smem:$0x3FB3];
	_ =	sdelay $0x3  }
0x36: {  	p1 =	seq.s32 s10, $0x1;
	s10 =	sld [smem:$0x3FB4];
	_ =	sdelay $0x3  }
0x37: {  	[smem:$0x3FB4] =	sst s10  }
0x38: {  	s10 =	sld [smem:$0x3FB5]  }
0x39: {  	_ = 	snop;
	(pc) =	sbr.ind lr, $3  }
0x3a: {  	_ = 	snop  }
0x3b: {  	_ = 	snop  }
0x3c: {  	p2 =	seq.s32 s10, $0x1;
	s10 =	sld [smem:$0x3FB4]  }
0x3d: {  	_ =	shalt  }
0x3e: {  	_ =	shalt  }
0x3f: {  	_ =	shalt  }
0x40: {  	_ =	shalt  }
0x41: {  	_ =	shalt  }
0x42: {  	_ =	shalt  }
0x43: {  	_ =	shalt  }
0x44: {  	_ =	shalt  }
0x45: {  	_ =	shalt  }
0x46: {  	_ =	shalt  }
0x47: {  	_ =	shalt  }
0x48: {  	_ =	shalt  }
0x49: {  	_ =	shalt  }
0x4a: {  	_ =	shalt  }
0x4b: {  	_ =	shalt  }
0x4c: {  	_ =	shalt  }
0x4d: {  	_ =	shalt  }
0x4e: {  	_ =	shalt  }
0x4f: {  	_ =	shalt  }
0x50: {  	_ =	shalt  }
0x51: {  	_ =	shalt  }
0x52: {  	_ =	shalt  }
0x53: {  	_ =	shalt  }
0x54: {  	_ =	shalt  }
0x55: {  	_ =	shalt  }
0x56: {  	_ =	shalt  }
0x57: {  	_ =	shalt  }
0x58: {  	_ =	shalt  }
0x59: {  	_ =	shalt  }
0x5a: {  	_ =	shalt  }
0x5b: {  	_ =	shalt  }
0x5c: {  	_ =	shalt  }
0x5d: {  	_ =	shalt  }
0x5e: {  	_ =	shalt  }
0x5f: {  	_ =	shalt  }
0x60: {  	_ =	shalt  }
0x61: {  	_ =	shalt  }
0x62: {  	_ =	shalt  }
0x63: {  	_ =	shalt  }
0x64: {  	_ =	shalt  }
0x65: {  	_ =	shalt  }
0x66: {  	_ =	shalt  }
0x67: {  	_ =	shalt  }
0x68: {  	_ =	shalt  }
0x69: {  	_ =	shalt  }
0x6a: {  	_ =	shalt  }
0x6b: {  	_ =	shalt  }
0x6c: {  	_ =	shalt  }
0x6d: {  	_ =	shalt  }
0x6e: {  	_ =	shalt  }
0x6f: {  	_ =	shalt  }
0x70: {  	_ =	shalt  }
0x71: {  	_ =	shalt  }
0x72: {  	_ =	shalt  }
0x73: {  	_ =	shalt  }
0x74: {  	_ =	shalt  }
0x75: {  	_ =	shalt  }
0x76: {  	_ =	shalt  }
0x77: {  	_ =	shalt  }
0x78: {  	_ =	shalt  }
0x79: {  	_ =	shalt  }
0x7a: {  	_ =	shalt  }
0x7b: {  	_ =	shalt  }
0x7c: {  	_ =	shalt  }
0x7d: {  	_ =	shalt  }
0x7e: {  	_ =	shalt  }
0x7f: {  	_ =	shalt  }
0x80: {  	_ =	shalt  }
0x81: {  	_ =	shalt  }
0x82: {  	_ =	shalt  }
0x83: {  	_ =	shalt  }
0x84: {  	_ =	shalt  }
0x85: {  	_ =	shalt  }
0x86: {  	_ =	shalt  }
0x87: {  	_ =	shalt  }
.Lfunc_end0:
.L_simem_size_0:
called_computation.2_lowered:
.L_overlay_start_0:
0x88: {  	s2 =	sld [smem:$0x3FD9]  }
0x89: {  	s3 =	sld [smem:$0x3FFE];
	_ =	sdelay $0x1  }
0x8a: {  	s1 =	srdreg.scid  }
0x8b: {  	s0 =	sand.u32 $0x1, s1  }
0x8c: {  	s17 =	sshll.u32 s0, $0xA;
	s2 =	sadd.s32 s3, s2  }
0x8d: {  	s2 =	sadd.s32 s2, s17  }
0x8e: {  	[smem:$0x3FC0] =	sst s2  }
0x8f: {  	_ = 	snop  }
0x90: {  	s2 =	sld [smem:$0x3FD0];
	(tm) =	ssettm $0x1  }
0x91: {  	s18 =	sld [smem:$0x3FFB];
	_ =	sdelay $0x3  }
0x92: {  	_ =	strace s18  }
0x93: {  	s3 =	sld [smem:$0x3FFC];
	_ =	sdelay $0x3  }
0x94: {  	_ =	strace s3  }
0x95: {  	s3 =	sld [smem:$0x3FFD];
	_ =	sdelay $0x3  }
0x96: {  	_ =	strace s3  }
0x97: {  	_ =	strace $0x8FFFFFFF  }
0x98: {  	s19 =	sld [smem:$0x3FDB];
	_ =	sdelay $0x1  }
0x99: {  	s4 =	simm.s32 $_scs_section_size  }
0x9a: {  	s5 =	simm.s32 $_size__tile_overlayer_lowered;
	s6 =	simm.s32 $_tile_overlayer_lowered  }
0x9b: {  	s22 =	simm.s32 $0x1BFF;
	s21 =	sshll.u32 s6, $0x1;
	s3 =	sadd.s32 s4, s19  }
0x9c: {  	s7 =	simm.s32 $0x0;
	s20 =	sshll.u32 s5, $0x1;
	s5 =	sadd.s32 s21, s3  }
0x9d: {  	[timem:s7], [sflag:s22] =	dma.local [hbm:s5], s20  }
0x9e: {  	_ =	swait.ge [sflag:s22], s20  }
0x9f: {  	s4 =	ssub.s32 $0x0, s20;
	[sflag:s22] =	ssyncset.done $0x0  }
0xa0: {  	[sflag:s22] =	ssyncadd.s32 s4;
	_ =	sdelay $0x1  }
0xa1: {  	s23 =	simm.s32 $0x1B8B  }
0xa2: {  	_ =	swait.ge [sflag:s23], $0x1  }
0xa3: {  	[sflag:s23] =	ssyncset.done $0x0  }
0xa4: {  	s25 =	simm.s32 $0x1B8E;
	s24 =	sld [smem:$0x3FFE];
	[sflag:s23] =	ssyncadd.s32 $0xFFFFFFFF  }
0xa5: {  	s26 =	simm.s32 $execute0_lowered;
	[smem:$0x3FD2] =	sst s25  }
0xa6: {  	s5 =	sshll.u32 s26, $0x1;
	_ =	strace $0x8000004C;
	[dreg:$0x1] =	wrdreg $0xFFFFFFFF  }
0xa7: {  	s28 =	simm.s32 $_size_execute0_lowered;
	s3 =	sadd.s32 s3, s5;
	[dreg:$0x0] =	wrdreg $0x0  }
0xa8: {  	s5 =	sshll.u32 s28, $0x1;
	[dreg:$0x2] =	wrdreg s3  }
0xa9: {  	[dreg:$0x3] =	wrdreg s5  }
0xaa: {  	[dreg:$0x4] =	wrdreg $0xC0  }
0xab: {  	_ =	task [dreg:s7], $0x5FFFF  }
0xac: {  	[dreg:$0x1] =	wrdreg $0xFFFFFFFF  }
0xad: {  	[dreg:$0x0] =	wrdreg $0x60  }
0xae: {  	[dreg:$0x2] =	wrdreg s24  }
0xaf: {  	[dreg:$0x3] =	wrdreg s2  }
0xb0: {  	[dreg:$0x4] =	wrdreg $0x84000  }
0xb1: {  	[dreg:$0x5] =	wrdreg $0x9  }
0xb2: {  	_ =	task.clear_ibuf [dreg:s7], $0x6FFFF;
	_ =	strace $0x9000004C  }
0xb3: {  	s29 =	simm.s32 $0x9;
	_ =	strace $0x8000004E  }
0xb4: {  	_ =	swait.ge [sflag:s29], $0x1  }
0xb5: {  	[sflag:s29] =	ssyncadd.s32 $0xFFFFFFFF  }
0xb6: {  	_ =	strace $0x9000004E  }
0xb7: {  	_ =	sfence  }
0xb8: {  	s30 =	sld [smem:$0x0];
	_ =	sdelay $0x2  }
0xb9: {  	s31 =	sshll.u32 s1, $0xD;
	s1 =	sshrl.u32 s1, $0x2  }
0xba: {  	s3 =	sand.u32 $0x4000, s31;
	s1 =	sadd.s32 s1, s30  }
0xbb: {  	s0 =	sor.u32 s3, s0;
	s1 =	sshll.u32 s1, $0x11  }
0xbc: {  	s0 =	sor.u32 s1, s0  }
0xbd: {  	s0 =	sadd.s32 $0x8F2B, s0  }
0xbe: {  	[sflag:s0] =	ssyncadd.remote.s32 $0x1  }
0xbf: {  	_ =	sfence.sel $0xFFFF  }
0xc0: {  	[dreg:$0x0] =	wrdreg $0xFFFFFFFF;
	(pc) =	sbr.abs _section_cstart, $3  }
0xc1: {  	[dreg:$0x1] =	wrdreg $0xFFFFFFFF  }
0xc2: {  	_ =	task.clear_ibuf [dreg:s7], $0x2FFFF;
	_ =	strace $0x9FFFFFFF  }
0xc3: {  	(tm) =	ssettm $0x7FFFFFFF  }
tec
execute0_lowered:
.L_overlay_start_1:
0x0: {  	(tag) =	ssettag $0x1  }
0x1: {  	s0 =	rddreg [dreg:$0x0]  }
0x2: {  	s1 =	rddreg [dreg:$0x1];
	s3 =	srdreg.scid  }
0x3: {  	s2 =	rddreg [dreg:$0x2];
	s17 =	stileid.u32;
	s14 =	simm.s32 $0x6  }
0x4: {  	s15 =	simm.s32 $0x80;
	s16 =	simm.s32 $0x400;
	s5 =	smul.u32 $0x14000, s17  }
0x5: {  	s28 =	simm.s32 $0x3;
	s29 =	simm.s32 $0x280;
	s8 =	smul.u32 $0x50000, s17  }
0x6: {  	s30 =	simm.s32 $0x4;
	s31 =	simm.s32 $0x380;
	s12 =	smul.u32 $0x5000, s17  }
0x7: {  	s7 =	sand.u32 $0x1, s3;
	s3 =	simm.s32 $0x0;
	s20 =	smul.u32 $0x2800, s17  }
0x8: {  	s9 =	sadd.s32 $0x2AC00, s0;
	s26 =	sshll.u32 s17, $0x6;
	s4 =	smul.u32 $0x140000, s7  }
0x9: {  	[smem:$0x7FF] =	sst s3;
	s6 =	sshll.u32 s7, $0x4;
	s10 =	ssub.s32 $0x2, s7  }
0xa: {  	s11 =	smul.u32 $0x50000, s7;
	p0 =	seq.s32 s7, $0x1;
	_ =	strace $0x8000004D  }
0xb: {  	s6 =	sor.u32 s17, s6;
	s19 =	sshrl.u32 s10, $0x1;
	s8 =	sshrl.u32 s8, $0x2  }
0xc: {  	s17 =	simm.s32 $0x100;
	s5 =	sadd.s32 s5, s4;
	s4 =	sadd.s32 $0x2C00, s0  }
0xd: {  	s6 =	smul.u32 $0x5000, s6;
	s10 =	ssub.s32 s10, s19;
	s11 =	sadd.s32 s12, s11  }
0xe: {  	s19 =	sadd.s32 s8, s2;
	s5 =	sshrl.u32 s5, $0x3;
	s13 =	sor.u32 $0x500, s11  }
0xf: {  	s8 =	smax.u32 s10, $0x1;
	s22 =	sor.u32 $0x400, s11;
	s23 =	sor.u32 $0x300, s11  }
0x10: {  	s24 =	sor.u32 $0x200, s11;
	s19 =	sshrl.u32 s19, $0x3;
	s0 =	sadd.s32 s5, s0  }
0x11: {  	s18 =	sshrl.u32 s6, $0x3;
	s21 =	sshrl.u32 s13, $0x3;
	s25 =	sshrl.u32 s23, $0x3  }
0x12: {  	s13 =	sshrl.u32 s24, $0x3;
	s23 =	simm.s32 $0x4400;
	s24 =	simm.s32 $0x2  }
0x13: {  	s5 =	sadd.s32 s1, s18;
	s7 =	sadd.s32 $0x52C00, s0;
	s0 =	smov.u32 s4  }
0x14: {  	s10 =	sadd.s32 s21, s1;
	s12 =	sadd.s32 s25, s1;
	s13 =	sadd.s32 s13, s1  }
.Ltmp0:
0x15: {  	s18 =	sor.u32 $0x1C06, s26;
	s21 =	simm.s32 $0x200;
	(pc) =	sbr.rel .LBB2_1-.Ltmp0, $4  }
0x16: {  	s25 =	simm.s32 $0x180;
	[dreg:$0x4] =	wrdreg s5;
	s5 =	sadd.s32 $0x20, s5  }
0x17: {  	s26 =	simm.s32 $0x300;
	s0 =	smov.u32 @p0 s9;
	[dreg:$0x5] =	wrdreg s5  }
0x18: {  	s9 =	sadd.s32 s0, s20;
	s0 =	sshrl.u32 s22, $0x3;
	s20 =	simm.s32 $0x1  }
0x19: {  	s22 =	simm.s32 $0x5;
	s11 =	sadd.s32 s0, s1;
	s0 =	simm.s32 $0x0  }
.LBB2_4:
0x1a: {  	_ =	swait.ge [sflag:s28], $0x4000  }
0x1b: {  	[sflag:s28] =	ssyncset.done $0x0  }
0x1c: {  	[sflag:s28] =	ssyncadd.s32 $0xFFFFC000  }
0x1d: {  	_ =	swait.ge [sflag:s30], $0x4000  }
0x1e: {  	s0 =	sadd.s32 $0x1, s0;
	[sflag:s30] =	ssyncset.done $0x0  }
0x1f: {  	p0 =	sne.s32 s0, s8;
	[sflag:s30] =	ssyncadd.s32 $0xFFFFC000  }
.Ltmp1:
0x20: {  	[bflag:$0x0] =	sbarrier.arrive $0xFFFF;
	(pc) =	sbr.rel @!p0 .LBB2_5-.Ltmp1, $4  }
0x21: {  	[hbm:s7], [sflag:s18] =	dma.local [spmem:s19], $0x2800  }
0x22: {  	_ =	swait.ge [sflag:s14], $0x2800  }
0x23: {  	[sflag:s14] =	ssyncset.done $0x0  }
0x24: {  	[sflag:s14] =	ssyncadd.s32 $0xFFFFD800  }
.LBB2_1:
0x25: {  	s1 =	rddreg [dreg:$0x4]  }
0x26: {  	[tilespmem:s3], [sflag:$0x6] =	stream.linear.gather [hbm4b:s1+s3], $0x100, $0x38;
	[tilespmem:$0x1C400] =	vst v63  }
0x27: {  	_ =	swait.ge [sflag:s14], $0x100  }
0x28: {  	[sflag:s14] =	ssyncset.done $0x0  }
0x29: {  	[sflag:s14] =	ssyncadd.s32 $0xFFFFFF00  }
0x2a: {  	[tilespmem:s16], [sflag:$0x1] =	stream.indirect.gather [hbm4b:s4+s15], $0x80, s3, s15, $0xb8;
	[tilespmem:$0x1C400] =	vst v63  }
0x2b: {  	s6 =	rddreg [dreg:$0x5]  }
0x2c: {  	[tilespmem:s17], [sflag:$0x5] =	stream.linear.gather [hbm4b:s6+s3], $0x100, $0x38;
	[tilespmem:$0x1C400] =	vst v63  }
0x2d: {  	[spmem:s19], [sflag:s18] =	dma.local [hbm:s9], $0x2800  }
0x2e: {  	_ =	swait.ge [sflag:s14], $0x2800  }
0x2f: {  	[sflag:s14] =	ssyncset.done $0x0  }
0x30: {  	[sflag:s14] =	ssyncadd.s32 $0xFFFFD800  }
0x31: {  	s1 =	simm.s32 $0x0;
	[bflag:$0x0] =	sbarrier.arrive $0xFFFF  }
.LBB2_2:
0x32: {  	_ =	swait.ge [sflag:s20], $0x4000  }
0x33: {  	[sflag:s20] =	ssyncset.done $0x0  }
0x34: {  	[sflag:s20] =	ssyncadd.s32 $0xFFFFC000  }
0x35: {  	[spmem:s2] =	stream.indirect.scatter.add.f32 [tilespmem:s16], [sflag:$0x3], $0x80, s15, s15, $0xb8;
	[tilespmem:$0x1C400] =	vst v63  }
0x36: {  	s6 =	sadd.s32 s1, s13;
	p0 =	seq.s32 s1, $0x0  }
0x37: {  	[tilespmem:s21], [sflag:$0x5] =	stream.linear.gather [hbm4b:s6+s3], $0x100, $0x38;
	[tilespmem:$0x1C400] =	vst v63  }
0x38: {  	s6 =	simm.s32 @!p0 $0x4  }
0x39: {  	_ =	swait.ge @!p0 [sflag:s6], $0x4000  }
0x3a: {  	[sflag:s6] =	ssyncset.done @!p0 $0x0  }
0x3b: {  	[sflag:s6] =	ssyncadd.s32 @!p0 $0xFFFFC000  }
0x3c: {  	_ =	swait.ge [sflag:s22], $0x100  }
0x3d: {  	[sflag:s22] =	ssyncset.done $0x0  }
0x3e: {  	[sflag:s22] =	ssyncadd.s32 $0xFFFFFF00  }
0x3f: {  	[tilespmem:s23], [sflag:$0x2] =	stream.indirect.gather [hbm4b:s4+s15], $0x80, s17, s15, $0xb8;
	[tilespmem:$0x1C400] =	vst v63  }
0x40: {  	_ =	swait.ge [sflag:s24], $0x4000  }
0x41: {  	[sflag:s24] =	ssyncset.done $0x0  }
0x42: {  	[sflag:s24] =	ssyncadd.s32 $0xFFFFC000  }
0x43: {  	[spmem:s2] =	stream.indirect.scatter.add.f32 [tilespmem:s23], [sflag:$0x4], $0x80, s25, s15, $0xb8;
	[tilespmem:$0x1C400] =	vst v63  }
0x44: {  	s5 =	sadd.s32 s1, s12  }
0x45: {  	[tilespmem:s26], [sflag:$0x5] =	stream.linear.gather [hbm4b:s5+s3], $0x100, $0x38;
	[tilespmem:$0x1C400] =	vst v63  }
0x46: {  	_ =	swait.ge [sflag:s28], $0x4000  }
0x47: {  	[sflag:s28] =	ssyncset.done $0x0  }
0x48: {  	[sflag:s28] =	ssyncadd.s32 $0xFFFFC000  }
0x49: {  	_ =	swait.ge [sflag:s22], $0x100  }
0x4a: {  	[sflag:s22] =	ssyncset.done $0x0  }
0x4b: {  	[sflag:s22] =	ssyncadd.s32 $0xFFFFFF00  }
0x4c: {  	[tilespmem:s16], [sflag:$0x1] =	stream.indirect.gather [hbm4b:s4+s15], $0x80, s21, s15, $0xb8;
	[tilespmem:$0x1C400] =	vst v63  }
0x4d: {  	_ =	swait.ge [sflag:s20], $0x4000  }
0x4e: {  	[sflag:s20] =	ssyncset.done $0x0  }
0x4f: {  	p0 =	seq.s32 s1, $0x980;
	[sflag:s20] =	ssyncadd.s32 $0xFFFFC000  }
0x50: {  	[spmem:s2] =	stream.indirect.scatter.add.f32 [tilespmem:s16], [sflag:$0x3], $0x80, s29, s15, $0xb8;
	[tilespmem:$0x1C400] =	vst v63  }
0x51: {  	s6 =	sadd.s32 @!p0 s1, s11;
	s5 =	simm.s32 @!p0 $0x0  }
0x52: {  	[tilespmem:s5], [sflag:$0x5] =	stream.linear.gather @!p0 [hbm4b:s6+s5], $0x100, $0x38;
	[tilespmem:$0x1C400] =	vst v63  }
0x53: {  	_ =	swait.ge [sflag:s30], $0x4000  }
0x54: {  	[sflag:s30] =	ssyncset.done $0x0  }
0x55: {  	[sflag:s30] =	ssyncadd.s32 $0xFFFFC000  }
0x56: {  	_ =	swait.ge [sflag:s22], $0x100  }
0x57: {  	[sflag:s22] =	ssyncset.done $0x0  }
0x58: {  	[sflag:s22] =	ssyncadd.s32 $0xFFFFFF00  }
0x59: {  	[tilespmem:s23], [sflag:$0x2] =	stream.indirect.gather [hbm4b:s4+s15], $0x80, s26, s15, $0xb8;
	[tilespmem:$0x1C400] =	vst v63  }
.Ltmp2:
0x5a: {  	_ = 	snop;
	(pc) =	sbr.rel @p0 .LBB2_4-.Ltmp2, $4  }
0x5b: {  	_ =	swait.ge [sflag:s24], $0x4000  }
0x5c: {  	[sflag:s24] =	ssyncset.done $0x0  }
0x5d: {  	[sflag:s24] =	ssyncadd.s32 $0xFFFFC000  }
0x5e: {  	[spmem:s2] =	stream.indirect.scatter.add.f32 [tilespmem:s23], [sflag:$0x4], $0x80, s31, s15, $0xb8;
	[tilespmem:$0x1C400] =	vst v63  }
0x5f: {  	s5 =	sadd.s32 s1, s10  }
0x60: {  	[tilespmem:s17], [sflag:$0x5] =	stream.linear.gather [hbm4b:s5+s3], $0x100, $0x38;
	[tilespmem:$0x1C400] =	vst v63  }
0x61: {  	_ =	swait.ge [sflag:s28], $0x4000  }
0x62: {  	[sflag:s28] =	ssyncset.done $0x0  }
.Ltmp3:
0x63: {  	[sflag:s28] =	ssyncadd.s32 $0xFFFFC000;
	(pc) =	sbr.rel .LBB2_2-.Ltmp3, $4  }
0x64: {  	_ =	swait.ge [sflag:s22], $0x100  }
0x65: {  	[sflag:s22] =	ssyncset.done $0x0  }
0x66: {  	s1 =	sadd.s32 $0x80, s1;
	[sflag:s22] =	ssyncadd.s32 $0xFFFFFF00  }
0x67: {  	[tilespmem:s16], [sflag:$0x1] =	stream.indirect.gather [hbm4b:s4+s15], $0x80, s3, s15, $0xb8;
	[tilespmem:$0x1C400] =	vst v63  }
.LBB2_5:
0x68: {  	_ =	sfence.sel $0x180000  }
0x69: {  	[bflag:$0x0] =	sbarrier.arrive $0xFFFF  }
0x6a: {  	_ =	strace $0x9000004D  }
0x6b: {  	s0 =	stileid.u32;
	[bflag:$0x2] =	sbarrier.arrive $0xFFFF  }
0x6c: {  	p0 =	sne.s32 s0, $0x0;
	s0 =	rddreg [dreg:$0x3]  }
0x6d: {  	s0 =	sadd.s32 @!p0 $0x100000, s0  }
0x6e: {  	[sflag:s0] =	ssyncadd.tile.s32 @!p0 $0x1;
	_ =	shalt  }
.Lfunc_end2:
_tile_overlayer_lowered:
.L_overlay_start_2:
0x6f: {  	(tag) =	ssettag $0x2  }
0x70: {  	s0 =	rddreg [dreg:$0x0];
	s2 =	stileid.u32  }
0x71: {  	s1 =	rddreg [dreg:$0x1];
	p0 =	sne.s32 s2, $0x0  }
0x72: {  	s3 =	rddreg [dreg:$0x2];
	[bflag:$0x3] =	sbarrier.arrive $0xFFFF;
	s2 =	simm.s32 @!p0 $0x1C06  }
0x73: {  	[timem:s3], [sflag:s2] =	dma.local @!p0 [hbm:s0], s1  }
0x74: {  	s0 =	simm.s32 @!p0 $0x6  }
0x75: {  	_ =	swait.ge @!p0 [sflag:s0], s1  }
0x76: {  	s1 =	ssub.s32 @!p0 $0x0, s1;
	[sflag:s0] =	ssyncset.done @!p0 $0x0  }
0x77: {  	[sflag:s0] =	ssyncadd.s32 @!p0 s1  }
0x78: {  	[bflag:$0x3] =	sbarrier.arrive $0xFFFF  }
0x79: {  	_ =	shalt  }

// kernel: kernel.20.cloned.1.call-start
scs
__scs_entry_jumppad:
0x0: {  	(pc) =	sbr.rel $0x88, $3  }
0x1: {  	(tag) =	ssettag $0x0;
	lr =	simm.s32 $0x1  }
0x2: {  	[smem:$0x3F99] =	sst lr;
	_ =	strace $0xD0000000  }
0x3: {  	_ = 	snop  }
0x4: {  	_ = 	snop  }
0x5: {  	_ = 	snop  }
0x6: {  	_ = 	snop  }
0x7: {  	_ = 	snop  }
__scs_overlays_trampoline_lowered:
0x8: {  	[smem:$0x3FA8] =	sst s0  }
0x9: {  	[smem:$0x3FA9] =	sst s1  }
0xa: {  	[smem:$0x3FAA] =	sst s2  }
0xb: {  	[smem:$0x3FAB] =	sst s3  }
0xc: {  	[smem:$0x3FAC] =	sst s4  }
0xd: {  	[smem:$0x3FAD] =	sst s5  }
0xe: {  	[smem:$0x3FAE] =	sst s6  }
0xf: {  	[smem:$0x3FAF] =	sst s7  }
0x10: {  	[smem:$0x3FB0] =	sst s8  }
0x11: {  	[smem:$0x3FB1] =	sst s9;
	s0 =	simm.s32 @!p0 $0x0  }
0x12: {  	s1 =	sld [smem:$0x3F97];
	s0 =	simm.s32 @p0 $0x1  }
0x13: {  	[smem:$0x3FB2] =	sst s0;
	s0 =	simm.s32 @!p1 $0x0  }
0x14: {  	s2 =	sld [smem:$0x3F96];
	s0 =	simm.s32 @p1 $0x1  }
0x15: {  	[smem:$0x3FB3] =	sst s0;
	s0 =	simm.s32 @!p2 $0x0  }
0x16: {  	s3 =	sld [smem:$0x3FDB];
	s0 =	simm.s32 @p2 $0x1  }
0x17: {  	s4 =	simm.s32 $0x1BF5;
	[smem:$0x3FB5] =	sst s0  }
0x18: {  	s0 =	sld [smem:$0x3F98];
	_ =	swait.ge [sflag:s4], $0x0  }
0x19: {  	s7 =	sld [smem:$0x3F99]  }
0x1a: {  	s8 =	sadd.s32 $0xFFFFE003, lr  }
0x1b: {  	s9 =	sadd.s32 $0xFFFFFEF7, lr;
	s5 =	simm.s32 $0xFFFFFFFF;
	p2 =	slt.u32 s8, $0xFFFFF086  }
0x1c: {  	p1 =	slt.u32 s9, $0xF7A;
	s5 =	simm.s32 @!p2 $0x0  }
0x1d: {  	s5 =	simm.s32 @p1 $0x1;
	p0 =	seq.s32 s7, s2  }
0x1e: {  	s7 =	smul.u32 @!p0 $0xF7A, s2;
	p2 =	seq.s32 @!p0 s5, $0x0  }
0x1f: {  	s9 =	smul.u32 $0xF7A, s1;
	s8 =	simm.s32 @!p0 $0x1BF5;
	p2 =	por !p2, p0  }
0x20: {  	[sflag:s8] =	ssyncset.s32 @!p0 $0xFFFFF086;
	s6 =	sadd.s32 @!p0 s3, s7;
	s7 =	simm.s32 @!p0 $0x108  }
0x21: {  	s3 =	sadd.s32 s3, s9;
	s6 =	sadd.s32 @!p0 $0x88, s6;
	s7 =	simm.s32 @p2 $0x1082  }
0x22: {  	[simem:s7], [sflag:s8] =	dma.local @!p0 [hbm:s6], $0xF7A  }
0x23: {  	s9 =	sor.u32 $0xD0000000, s2;
	s6 =	simm.s32 $0x108;
	_ =	swait.ge @!p0 [sflag:s8], $0x0  }
0x24: {  	s3 =	sadd.s32 $0x88, s3;
	s6 =	simm.s32 @!p1 $0x1082;
	[sflag:s4] =	ssyncset.s32 $0xFFFFF086  }
0x25: {  	[simem:s6], [sflag:s4] =	dma.local [hbm:s3], $0xF7A  }
0x26: {  	[smem:$0x3F99] =	sst s1;
	(tag) =	ssettag s2;
	_ =	strace s9  }
0x27: {  	s1 =	sld [smem:$0x3FA9]  }
0x28: {  	s2 =	sld [smem:$0x3FAA]  }
0x29: {  	s4 =	sld [smem:$0x3FAC]  }
0x2a: {  	p0 =	seq.s32 s5, $0x0;
	s5 =	sld [smem:$0x3FAD]  }
0x2b: {  	s6 =	sld [smem:$0x3FAE]  }
0x2c: {  	s7 =	sld [smem:$0x3FAF]  }
0x2d: {  	s3 =	simm.s32 $0x108;
	s8 =	sld [smem:$0x3FB0]  }
0x2e: {  	s3 =	simm.s32 @!p0 $0x1082;
	s9 =	sld [smem:$0x3FB1]  }
0x2f: {  	lr =	sadd.s32 s0, s3;
	s0 =	sld [smem:$0x3FA8]  }
0x30: {  	s3 =	sld [smem:$0x3FAB]  }
0x31: {  	[smem:$0x3FB4] =	sst s10  }
0x32: {  	s10 =	sld [smem:$0x3FB2];
	_ =	sdelay $0x3  }
0x33: {  	p0 =	seq.s32 s10, $0x1;
	s10 =	sld [smem:$0x3FB4];
	_ =	sdelay $0x3  }
0x34: {  	[smem:$0x3FB4] =	sst s10  }
0x35: {  	s10 =	sld [smem:$0x3FB3];
	_ =	sdelay $0x3  }
0x36: {  	p1 =	seq.s32 s10, $0x1;
	s10 =	sld [smem:$0x3FB4];
	_ =	sdelay $0x3  }
0x37: {  	[smem:$0x3FB4] =	sst s10  }
0x38: {  	s10 =	sld [smem:$0x3FB5]  }
0x39: {  	_ = 	snop;
	(pc) =	sbr.ind lr, $3  }
0x3a: {  	_ = 	snop  }
0x3b: {  	_ = 	snop  }
0x3c: {  	p2 =	seq.s32 s10, $0x1;
	s10 =	sld [smem:$0x3FB4]  }
0x3d: {  	_ =	shalt  }
0x3e: {  	_ =	shalt  }
0x3f: {  	_ =	shalt  }
0x40: {  	_ =	shalt  }
0x41: {  	_ =	shalt  }
0x42: {  	_ =	shalt  }
0x43: {  	_ =	shalt  }
0x44: {  	_ =	shalt  }
0x45: {  	_ =	shalt  }
0x46: {  	_ =	shalt  }
0x47: {  	_ =	shalt  }
0x48: {  	_ =	shalt  }
0x49: {  	_ =	shalt  }
0x4a: {  	_ =	shalt  }
0x4b: {  	_ =	shalt  }
0x4c: {  	_ =	shalt  }
0x4d: {  	_ =	shalt  }
0x4e: {  	_ =	shalt  }
0x4f: {  	_ =	shalt  }
0x50: {  	_ =	shalt  }
0x51: {  	_ =	shalt  }
0x52: {  	_ =	shalt  }
0x53: {  	_ =	shalt  }
0x54: {  	_ =	shalt  }
0x55: {  	_ =	shalt  }
0x56: {  	_ =	shalt  }
0x57: {  	_ =	shalt  }
0x58: {  	_ =	shalt  }
0x59: {  	_ =	shalt  }
0x5a: {  	_ =	shalt  }
0x5b: {  	_ =	shalt  }
0x5c: {  	_ =	shalt  }
0x5d: {  	_ =	shalt  }
0x5e: {  	_ =	shalt  }
0x5f: {  	_ =	shalt  }
0x60: {  	_ =	shalt  }
0x61: {  	_ =	shalt  }
0x62: {  	_ =	shalt  }
0x63: {  	_ =	shalt  }
0x64: {  	_ =	shalt  }
0x65: {  	_ =	shalt  }
0x66: {  	_ =	shalt  }
0x67: {  	_ =	shalt  }
0x68: {  	_ =	shalt  }
0x69: {  	_ =	shalt  }
0x6a: {  	_ =	shalt  }
0x6b: {  	_ =	shalt  }
0x6c: {  	_ =	shalt  }
0x6d: {  	_ =	shalt  }
0x6e: {  	_ =	shalt  }
0x6f: {  	_ =	shalt  }
0x70: {  	_ =	shalt  }
0x71: {  	_ =	shalt  }
0x72: {  	_ =	shalt  }
0x73: {  	_ =	shalt  }
0x74: {  	_ =	shalt  }
0x75: {  	_ =	shalt  }
0x76: {  	_ =	shalt  }
0x77: {  	_ =	shalt  }
0x78: {  	_ =	shalt  }
0x79: {  	_ =	shalt  }
0x7a: {  	_ =	shalt  }
0x7b: {  	_ =	shalt  }
0x7c: {  	_ =	shalt  }
0x7d: {  	_ =	shalt  }
0x7e: {  	_ =	shalt  }
0x7f: {  	_ =	shalt  }
0x80: {  	_ =	shalt  }
0x81: {  	_ =	shalt  }
0x82: {  	_ =	shalt  }
0x83: {  	_ =	shalt  }
0x84: {  	_ =	shalt  }
0x85: {  	_ =	shalt  }
0x86: {  	_ =	shalt  }
0x87: {  	_ =	shalt  }
.Lfunc_end0:
.L_simem_size_0:
called_computation.3_lowered:
.L_overlay_start_0:
0x88: {  	s2 =	sld [smem:$0x3FD9]  }
0x89: {  	s3 =	sld [smem:$0x3FFE];
	_ =	sdelay $0x1  }
0x8a: {  	s1 =	srdreg.scid  }
0x8b: {  	s0 =	sand.u32 $0x1, s1  }
0x8c: {  	s17 =	sshll.u32 s0, $0xA;
	s2 =	sadd.s32 s3, s2  }
0x8d: {  	s2 =	sadd.s32 s2, s17  }
0x8e: {  	[smem:$0x3FC0] =	sst s2  }
0x8f: {  	_ = 	snop  }
0x90: {  	s2 =	sld [smem:$0x3FD0];
	(tm) =	ssettm $0x1  }
0x91: {  	s18 =	sld [smem:$0x3FFB];
	_ =	sdelay $0x3  }
0x92: {  	_ =	strace s18  }
0x93: {  	s3 =	sld [smem:$0x3FFC];
	_ =	sdelay $0x3  }
0x94: {  	_ =	strace s3  }
0x95: {  	s3 =	sld [smem:$0x3FFD];
	_ =	sdelay $0x3  }
0x96: {  	_ =	strace s3  }
0x97: {  	_ =	strace $0x8FFFFFFF  }
0x98: {  	s19 =	sld [smem:$0x3FDB];
	_ =	sdelay $0x1  }
0x99: {  	s4 =	simm.s32 $_scs_section_size  }
0x9a: {  	s5 =	simm.s32 $_size__tile_overlayer_lowered;
	s6 =	simm.s32 $_tile_overlayer_lowered  }
0x9b: {  	s22 =	simm.s32 $0x1BFF;
	s21 =	sshll.u32 s6, $0x1;
	s3 =	sadd.s32 s4, s19  }
0x9c: {  	s7 =	simm.s32 $0x0;
	s20 =	sshll.u32 s5, $0x1;
	s5 =	sadd.s32 s21, s3  }
0x9d: {  	[timem:s7], [sflag:s22] =	dma.local [hbm:s5], s20  }
0x9e: {  	_ =	swait.ge [sflag:s22], s20  }
0x9f: {  	s4 =	ssub.s32 $0x0, s20;
	[sflag:s22] =	ssyncset.done $0x0  }
0xa0: {  	[sflag:s22] =	ssyncadd.s32 s4;
	_ =	sdelay $0x1  }
0xa1: {  	s23 =	simm.s32 $0x1B8B  }
0xa2: {  	_ =	swait.ge [sflag:s23], $0x1  }
0xa3: {  	[sflag:s23] =	ssyncset.done $0x0  }
0xa4: {  	s25 =	simm.s32 $0x1B8E;
	s24 =	sld [smem:$0x3FFE];
	[sflag:s23] =	ssyncadd.s32 $0xFFFFFFFF  }
0xa5: {  	s26 =	simm.s32 $execute0_lowered;
	[smem:$0x3FD2] =	sst s25  }
0xa6: {  	s5 =	sshll.u32 s26, $0x1;
	_ =	strace $0x8000004F;
	[dreg:$0x1] =	wrdreg $0xFFFFFFFF  }
0xa7: {  	s28 =	simm.s32 $_size_execute0_lowered;
	s3 =	sadd.s32 s3, s5;
	[dreg:$0x0] =	wrdreg $0x0  }
0xa8: {  	s5 =	sshll.u32 s28, $0x1;
	[dreg:$0x2] =	wrdreg s3  }
0xa9: {  	[dreg:$0x3] =	wrdreg s5  }
0xaa: {  	[dreg:$0x4] =	wrdreg $0xC0  }
0xab: {  	_ =	task [dreg:s7], $0x5FFFF  }
0xac: {  	[dreg:$0x1] =	wrdreg $0xFFFFFFFF  }
0xad: {  	[dreg:$0x0] =	wrdreg $0x60  }
0xae: {  	[dreg:$0x2] =	wrdreg s24  }
0xaf: {  	[dreg:$0x3] =	wrdreg s2  }
0xb0: {  	[dreg:$0x4] =	wrdreg $0x84000  }
0xb1: {  	[dreg:$0x5] =	wrdreg $0x9  }
0xb2: {  	_ =	task.clear_ibuf [dreg:s7], $0x6FFFF;
	_ =	strace $0x9000004F  }
0xb3: {  	s29 =	simm.s32 $0x9;
	_ =	strace $0x80000051  }
0xb4: {  	_ =	swait.ge [sflag:s29], $0x1  }
0xb5: {  	[sflag:s29] =	ssyncadd.s32 $0xFFFFFFFF  }
0xb6: {  	_ =	strace $0x90000051  }
0xb7: {  	_ =	sfence  }
0xb8: {  	s30 =	sld [smem:$0x0];
	_ =	sdelay $0x2  }
0xb9: {  	s31 =	sshll.u32 s1, $0xD;
	s1 =	sshrl.u32 s1, $0x2  }
0xba: {  	s3 =	sand.u32 $0x4000, s31;
	s1 =	sadd.s32 s1, s30  }
0xbb: {  	s0 =	sor.u32 s3, s0;
	s1 =	sshll.u32 s1, $0x11  }
0xbc: {  	s0 =	sor.u32 s1, s0  }
0xbd: {  	s0 =	sadd.s32 $0x8F2B, s0  }
0xbe: {  	[sflag:s0] =	ssyncadd.remote.s32 $0x1  }
0xbf: {  	_ =	sfence.sel $0xFFFF  }
0xc0: {  	[dreg:$0x0] =	wrdreg $0xFFFFFFFF;
	(pc) =	sbr.abs _section_cstart, $3  }
0xc1: {  	[dreg:$0x1] =	wrdreg $0xFFFFFFFF  }
0xc2: {  	_ =	task.clear_ibuf [dreg:s7], $0x2FFFF;
	_ =	strace $0x9FFFFFFF  }
0xc3: {  	(tm) =	ssettm $0x7FFFFFFF  }
tec
execute0_lowered:
.L_overlay_start_1:
0x0: {  	(tag) =	ssettag $0x1  }
0x1: {  	s0 =	rddreg [dreg:$0x0]  }
0x2: {  	s1 =	rddreg [dreg:$0x1];
	s3 =	srdreg.scid  }
0x3: {  	s2 =	rddreg [dreg:$0x2];
	s17 =	stileid.u32;
	s14 =	simm.s32 $0x6  }
0x4: {  	s15 =	simm.s32 $0x80;
	s16 =	simm.s32 $0x400;
	s5 =	smul.u32 $0x14000, s17  }
0x5: {  	s28 =	simm.s32 $0x3;
	s29 =	simm.s32 $0x280;
	s8 =	smul.u32 $0x50000, s17  }
0x6: {  	s30 =	simm.s32 $0x4;
	s31 =	simm.s32 $0x380;
	s12 =	smul.u32 $0x5000, s17  }
0x7: {  	s7 =	sand.u32 $0x1, s3;
	s3 =	simm.s32 $0x0;
	s20 =	smul.u32 $0x2800, s17  }
0x8: {  	s9 =	sadd.s32 $0x2AC00, s0;
	s26 =	sshll.u32 s17, $0x6;
	s4 =	smul.u32 $0x140000, s7  }
0x9: {  	[smem:$0x7FF] =	sst s3;
	s6 =	sshll.u32 s7, $0x4;
	s10 =	ssub.s32 $0x2, s7  }
0xa: {  	s11 =	smul.u32 $0x50000, s7;
	p0 =	seq.s32 s7, $0x1;
	_ =	strace $0x80000050  }
0xb: {  	s6 =	sor.u32 s17, s6;
	s19 =	sshrl.u32 s10, $0x1;
	s8 =	sshrl.u32 s8, $0x2  }
0xc: {  	s17 =	simm.s32 $0x100;
	s5 =	sadd.s32 s5, s4;
	s4 =	sadd.s32 $0x2C00, s0  }
0xd: {  	s6 =	smul.u32 $0x5000, s6;
	s10 =	ssub.s32 s10, s19;
	s11 =	sadd.s32 s12, s11  }
0xe: {  	s19 =	sadd.s32 s8, s2;
	s5 =	sshrl.u32 s5, $0x3;
	s13 =	sor.u32 $0x500, s11  }
0xf: {  	s8 =	smax.u32 s10, $0x1;
	s22 =	sor.u32 $0x400, s11;
	s23 =	sor.u32 $0x300, s11  }
0x10: {  	s24 =	sor.u32 $0x200, s11;
	s19 =	sshrl.u32 s19, $0x3;
	s0 =	sadd.s32 s5, s0  }
0x11: {  	s18 =	sshrl.u32 s6, $0x3;
	s21 =	sshrl.u32 s13, $0x3;
	s25 =	sshrl.u32 s23, $0x3  }
0x12: {  	s13 =	sshrl.u32 s24, $0x3;
	s23 =	simm.s32 $0x4400;
	s24 =	simm.s32 $0x2  }
0x13: {  	s5 =	sadd.s32 s1, s18;
	s7 =	sadd.s32 $0x52C00, s0;
	s0 =	smov.u32 s4  }
0x14: {  	s10 =	sadd.s32 s21, s1;
	s12 =	sadd.s32 s25, s1;
	s13 =	sadd.s32 s13, s1  }
.Ltmp0:
0x15: {  	s18 =	sor.u32 $0x1C06, s26;
	s21 =	simm.s32 $0x200;
	(pc) =	sbr.rel .LBB2_1-.Ltmp0, $4  }
0x16: {  	s25 =	simm.s32 $0x180;
	[dreg:$0x4] =	wrdreg s5;
	s5 =	sadd.s32 $0x20, s5  }
0x17: {  	s26 =	simm.s32 $0x300;
	s0 =	smov.u32 @p0 s9;
	[dreg:$0x5] =	wrdreg s5  }
0x18: {  	s9 =	sadd.s32 s0, s20;
	s0 =	sshrl.u32 s22, $0x3;
	s20 =	simm.s32 $0x1  }
0x19: {  	s22 =	simm.s32 $0x5;
	s11 =	sadd.s32 s0, s1;
	s0 =	simm.s32 $0x0  }
.LBB2_4:
0x1a: {  	_ =	swait.ge [sflag:s28], $0x4000  }
0x1b: {  	[sflag:s28] =	ssyncset.done $0x0  }
0x1c: {  	[sflag:s28] =	ssyncadd.s32 $0xFFFFC000  }
0x1d: {  	_ =	swait.ge [sflag:s30], $0x4000  }
0x1e: {  	s0 =	sadd.s32 $0x1, s0;
	[sflag:s30] =	ssyncset.done $0x0  }
0x1f: {  	p0 =	sne.s32 s0, s8;
	[sflag:s30] =	ssyncadd.s32 $0xFFFFC000  }
.Ltmp1:
0x20: {  	[bflag:$0x0] =	sbarrier.arrive $0xFFFF;
	(pc) =	sbr.rel @!p0 .LBB2_5-.Ltmp1, $4  }
0x21: {  	[hbm:s7], [sflag:s18] =	dma.local [spmem:s19], $0x2800  }
0x22: {  	_ =	swait.ge [sflag:s14], $0x2800  }
0x23: {  	[sflag:s14] =	ssyncset.done $0x0  }
0x24: {  	[sflag:s14] =	ssyncadd.s32 $0xFFFFD800  }
.LBB2_1:
0x25: {  	s1 =	rddreg [dreg:$0x4]  }
0x26: {  	[tilespmem:s3], [sflag:$0x6] =	stream.linear.gather [hbm4b:s1+s3], $0x100, $0x38;
	[tilespmem:$0x1C400] =	vst v63  }
0x27: {  	_ =	swait.ge [sflag:s14], $0x100  }
0x28: {  	[sflag:s14] =	ssyncset.done $0x0  }
0x29: {  	[sflag:s14] =	ssyncadd.s32 $0xFFFFFF00  }
0x2a: {  	[tilespmem:s16], [sflag:$0x1] =	stream.indirect.gather [hbm4b:s4+s15], $0x80, s3, s15, $0xb8;
	[tilespmem:$0x1C400] =	vst v63  }
0x2b: {  	s6 =	rddreg [dreg:$0x5]  }
0x2c: {  	[tilespmem:s17], [sflag:$0x5] =	stream.linear.gather [hbm4b:s6+s3], $0x100, $0x38;
	[tilespmem:$0x1C400] =	vst v63  }
0x2d: {  	[spmem:s19], [sflag:s18] =	dma.local [hbm:s9], $0x2800  }
0x2e: {  	_ =	swait.ge [sflag:s14], $0x2800  }
0x2f: {  	[sflag:s14] =	ssyncset.done $0x0  }
0x30: {  	[sflag:s14] =	ssyncadd.s32 $0xFFFFD800  }
0x31: {  	s1 =	simm.s32 $0x0;
	[bflag:$0x0] =	sbarrier.arrive $0xFFFF  }
.LBB2_2:
0x32: {  	_ =	swait.ge [sflag:s20], $0x4000  }
0x33: {  	[sflag:s20] =	ssyncset.done $0x0  }
0x34: {  	[sflag:s20] =	ssyncadd.s32 $0xFFFFC000  }
0x35: {  	[spmem:s2] =	stream.indirect.scatter.add.f32 [tilespmem:s16], [sflag:$0x3], $0x80, s15, s15, $0xb8;
	[tilespmem:$0x1C400] =	vst v63  }
0x36: {  	s6 =	sadd.s32 s1, s13;
	p0 =	seq.s32 s1, $0x0  }
0x37: {  	[tilespmem:s21], [sflag:$0x5] =	stream.linear.gather [hbm4b:s6+s3], $0x100, $0x38;
	[tilespmem:$0x1C400] =	vst v63  }
0x38: {  	s6 =	simm.s32 @!p0 $0x4  }
0x39: {  	_ =	swait.ge @!p0 [sflag:s6], $0x4000  }
0x3a: {  	[sflag:s6] =	ssyncset.done @!p0 $0x0  }
0x3b: {  	[sflag:s6] =	ssyncadd.s32 @!p0 $0xFFFFC000  }
0x3c: {  	_ =	swait.ge [sflag:s22], $0x100  }
0x3d: {  	[sflag:s22] =	ssyncset.done $0x0  }
0x3e: {  	[sflag:s22] =	ssyncadd.s32 $0xFFFFFF00  }
0x3f: {  	[tilespmem:s23], [sflag:$0x2] =	stream.indirect.gather [hbm4b:s4+s15], $0x80, s17, s15, $0xb8;
	[tilespmem:$0x1C400] =	vst v63  }
0x40: {  	_ =	swait.ge [sflag:s24], $0x4000  }
0x41: {  	[sflag:s24] =	ssyncset.done $0x0  }
0x42: {  	[sflag:s24] =	ssyncadd.s32 $0xFFFFC000  }
0x43: {  	[spmem:s2] =	stream.indirect.scatter.add.f32 [tilespmem:s23], [sflag:$0x4], $0x80, s25, s15, $0xb8;
	[tilespmem:$0x1C400] =	vst v63  }
0x44: {  	s5 =	sadd.s32 s1, s12  }
0x45: {  	[tilespmem:s26], [sflag:$0x5] =	stream.linear.gather [hbm4b:s5+s3], $0x100, $0x38;
	[tilespmem:$0x1C400] =	vst v63  }
0x46: {  	_ =	swait.ge [sflag:s28], $0x4000  }
0x47: {  	[sflag:s28] =	ssyncset.done $0x0  }
0x48: {  	[sflag:s28] =	ssyncadd.s32 $0xFFFFC000  }
0x49: {  	_ =	swait.ge [sflag:s22], $0x100  }
0x4a: {  	[sflag:s22] =	ssyncset.done $0x0  }
0x4b: {  	[sflag:s22] =	ssyncadd.s32 $0xFFFFFF00  }
0x4c: {  	[tilespmem:s16], [sflag:$0x1] =	stream.indirect.gather [hbm4b:s4+s15], $0x80, s21, s15, $0xb8;
	[tilespmem:$0x1C400] =	vst v63  }
0x4d: {  	_ =	swait.ge [sflag:s20], $0x4000  }
0x4e: {  	[sflag:s20] =	ssyncset.done $0x0  }
0x4f: {  	p0 =	seq.s32 s1, $0x980;
	[sflag:s20] =	ssyncadd.s32 $0xFFFFC000  }
0x50: {  	[spmem:s2] =	stream.indirect.scatter.add.f32 [tilespmem:s16], [sflag:$0x3], $0x80, s29, s15, $0xb8;
	[tilespmem:$0x1C400] =	vst v63  }
0x51: {  	s6 =	sadd.s32 @!p0 s1, s11;
	s5 =	simm.s32 @!p0 $0x0  }
0x52: {  	[tilespmem:s5], [sflag:$0x5] =	stream.linear.gather @!p0 [hbm4b:s6+s5], $0x100, $0x38;
	[tilespmem:$0x1C400] =	vst v63  }
0x53: {  	_ =	swait.ge [sflag:s30], $0x4000  }
0x54: {  	[sflag:s30] =	ssyncset.done $0x0  }
0x55: {  	[sflag:s30] =	ssyncadd.s32 $0xFFFFC000  }
0x56: {  	_ =	swait.ge [sflag:s22], $0x100  }
0x57: {  	[sflag:s22] =	ssyncset.done $0x0  }
0x58: {  	[sflag:s22] =	ssyncadd.s32 $0xFFFFFF00  }
0x59: {  	[tilespmem:s23], [sflag:$0x2] =	stream.indirect.gather [hbm4b:s4+s15], $0x80, s26, s15, $0xb8;
	[tilespmem:$0x1C400] =	vst v63  }
.Ltmp2:
0x5a: {  	_ = 	snop;
	(pc) =	sbr.rel @p0 .LBB2_4-.Ltmp2, $4  }
0x5b: {  	_ =	swait.ge [sflag:s24], $0x4000  }
0x5c: {  	[sflag:s24] =	ssyncset.done $0x0  }
0x5d: {  	[sflag:s24] =	ssyncadd.s32 $0xFFFFC000  }
0x5e: {  	[spmem:s2] =	stream.indirect.scatter.add.f32 [tilespmem:s23], [sflag:$0x4], $0x80, s31, s15, $0xb8;
	[tilespmem:$0x1C400] =	vst v63  }
0x5f: {  	s5 =	sadd.s32 s1, s10  }
0x60: {  	[tilespmem:s17], [sflag:$0x5] =	stream.linear.gather [hbm4b:s5+s3], $0x100, $0x38;
	[tilespmem:$0x1C400] =	vst v63  }
0x61: {  	_ =	swait.ge [sflag:s28], $0x4000  }
0x62: {  	[sflag:s28] =	ssyncset.done $0x0  }
.Ltmp3:
0x63: {  	[sflag:s28] =	ssyncadd.s32 $0xFFFFC000;
	(pc) =	sbr.rel .LBB2_2-.Ltmp3, $4  }
0x64: {  	_ =	swait.ge [sflag:s22], $0x100  }
0x65: {  	[sflag:s22] =	ssyncset.done $0x0  }
0x66: {  	s1 =	sadd.s32 $0x80, s1;
	[sflag:s22] =	ssyncadd.s32 $0xFFFFFF00  }
0x67: {  	[tilespmem:s16], [sflag:$0x1] =	stream.indirect.gather [hbm4b:s4+s15], $0x80, s3, s15, $0xb8;
	[tilespmem:$0x1C400] =	vst v63  }
.LBB2_5:
0x68: {  	_ =	sfence.sel $0x180000  }
0x69: {  	[bflag:$0x0] =	sbarrier.arrive $0xFFFF  }
0x6a: {  	_ =	strace $0x90000050  }
0x6b: {  	s0 =	stileid.u32;
	[bflag:$0x2] =	sbarrier.arrive $0xFFFF  }
0x6c: {  	p0 =	sne.s32 s0, $0x0;
	s0 =	rddreg [dreg:$0x3]  }
0x6d: {  	s0 =	sadd.s32 @!p0 $0x100000, s0  }
0x6e: {  	[sflag:s0] =	ssyncadd.tile.s32 @!p0 $0x1;
	_ =	shalt  }
.Lfunc_end2:
_tile_overlayer_lowered:
.L_overlay_start_2:
0x6f: {  	(tag) =	ssettag $0x2  }
0x70: {  	s0 =	rddreg [dreg:$0x0];
	s2 =	stileid.u32  }
0x71: {  	s1 =	rddreg [dreg:$0x1];
	p0 =	sne.s32 s2, $0x0  }
0x72: {  	s3 =	rddreg [dreg:$0x2];
	[bflag:$0x3] =	sbarrier.arrive $0xFFFF;
	s2 =	simm.s32 @!p0 $0x1C06  }
0x73: {  	[timem:s3], [sflag:s2] =	dma.local @!p0 [hbm:s0], s1  }
0x74: {  	s0 =	simm.s32 @!p0 $0x6  }
0x75: {  	_ =	swait.ge @!p0 [sflag:s0], s1  }
0x76: {  	s1 =	ssub.s32 @!p0 $0x0, s1;
	[sflag:s0] =	ssyncset.done @!p0 $0x0  }
0x77: {  	[sflag:s0] =	ssyncadd.s32 @!p0 s1  }
0x78: {  	[bflag:$0x3] =	sbarrier.arrive $0xFFFF  }
0x79: {  	_ =	shalt  }

</sc_bundles>
